<compile_context>
chip_gen: v7x
topology: tpu7x:2x2x1
jax: 0.10.2.dev20260603
libtpu: 0.0.44.dev20260713+nightly
codegen_flags: <defaults>
</compile_context>

<pallas_src>
import functools

import jax
import jax.numpy as jnp
from jax import lax
from jax.experimental import pallas as pl
from jax.experimental.pallas import tpu as pltpu
from jax.experimental.pallas import tpu_sc as plsc

_N = 10000
_E = 320000
_D = 128
_H = 10
_L = 16
_NC = 2
_NS = 16
_NW = _NC * _NS
_NPAD = 10240
_RPT = _NPAD // _NS
_EPW = _E // _NW
_CHUNK = 80
_NCHUNKS = _EPW // _CHUNK


def _project_n_body(feat_ref, w_ref, out_ref):
    p = jnp.dot(feat_ref[...], w_ref[...], preferred_element_type=jnp.float32)
    lane = lax.broadcasted_iota(jnp.int32, p.shape, 1)
    out_ref[...] = jnp.where(lane == _H, 1.0, p)


def _project_s_body(feat_ref, w_ref, out_ref):
    out_ref[...] = jnp.dot(feat_ref[...], w_ref[...],
                           preferred_element_type=jnp.float32)


def _project(feat, w, body):
    bm = 2000
    return pl.pallas_call(
        body,
        grid=(_N // bm,),
        in_specs=[
            pl.BlockSpec((bm, _D), lambda i: (i, 0)),
            pl.BlockSpec((_D, _L), lambda i: (0, 0)),
        ],
        out_specs=pl.BlockSpec((bm, _L), lambda i: (i, 0)),
        out_shape=jax.ShapeDtypeStruct((_N, _L), jnp.float32),
    )(feat, w)


def _readout_body(parts_ref, w2s_ref, w2n_ref, wfc_ref, out_ref):
    a_vec = parts_ref[0:1, 0:_L]
    b_vec = parts_ref[0:1, _L:2 * _L] + parts_ref[1:2, _L:2 * _L]
    g = (jnp.dot(a_vec, w2s_ref[...], preferred_element_type=jnp.float32)
         + jnp.dot(b_vec, w2n_ref[...], preferred_element_type=jnp.float32))
    g = g * (1.0 / _N)
    o = jnp.dot(g, wfc_ref[...], preferred_element_type=jnp.float32)
    out_ref[...] = jax.nn.sigmoid(o[:, :1])


def _readout(parts, w2s, w2n, wfc):
    return pl.pallas_call(
        _readout_body,
        out_shape=jax.ShapeDtypeStruct((1, 1), jnp.float32),
    )(parts, w2s, w2n, wfc)


_NBUF = 4


def _ring_loop(table_hbm, srcv, dstv, acc_sh, bufs, gsems, ssems):

    def step(i, b, warmup):
        pltpu.make_async_copy(table_hbm.at[srcv.at[i]], bufs[b], gsems[b]).wait()
        pltpu.async_copy(bufs[b], acc_sh.at[dstv.at[i]], ssems[b], add=True)
        j = i + 2
        bj = (b + 2) % _NBUF
        if not warmup:
            pltpu.make_async_copy(bufs[bj], acc_sh.at[dstv.at[j - _NBUF]],
                                  ssems[bj]).wait()
        pltpu.async_copy(table_hbm.at[srcv.at[j]], bufs[bj], gsems[bj])

    def tail_step(i, b):
        pltpu.make_async_copy(table_hbm.at[srcv.at[i]], bufs[b], gsems[b]).wait()
        pltpu.async_copy(bufs[b], acc_sh.at[dstv.at[i]], ssems[b], add=True)

    pltpu.async_copy(table_hbm.at[srcv.at[0]], bufs[0], gsems[0])
    pltpu.async_copy(table_hbm.at[srcv.at[1]], bufs[1], gsems[1])
    nwarm = _NBUF - 2
    for i in range(nwarm):
        step(i, i % _NBUF, True)

    def group(k, carry):
        i0 = _NBUF * k + nwarm
        for d in range(_NBUF):
            step(i0 + d, (nwarm + d) % _NBUF, False)
        return carry

    ntail = (_NCHUNKS - nwarm) % _NBUF + _NBUF
    ngroups = (_NCHUNKS - nwarm - ntail) // _NBUF
    lax.fori_loop(0, ngroups, group, 0)
    for i in range(_NBUF * ngroups + nwarm, _NCHUNKS):
        b = i % _NBUF
        if i + 2 < _NCHUNKS:
            step(i, b, False)
        else:
            tail_step(i, b)
    for b in range(_NBUF):
        pltpu.make_async_copy(bufs[b], acc_sh.at[dstv.at[0]], ssems[b]).wait()


def _pass1_body(table_hbm, e_hbm, zeros_hbm, out_hbm, srcv, dstv, *scr):
    bufs, acc_sh, gsems, ssems = (scr[:_NBUF], scr[_NBUF],
                                  scr[_NBUF + 1:2 * _NBUF + 1],
                                  scr[2 * _NBUF + 1:])
    cid = lax.axis_index("c")
    sid = lax.axis_index("s")
    rbase = sid * _RPT
    crow = (cid * _NS + sid) * _NCHUNKS
    pltpu.async_copy(e_hbm.at[0, pl.ds(crow, _NCHUNKS)], srcv, gsems[0])
    pltpu.async_copy(e_hbm.at[1, pl.ds(crow, _NCHUNKS)], dstv, gsems[1])
    pltpu.async_copy(zeros_hbm.at[pl.ds(rbase, _RPT)],
                     acc_sh.at[pl.ds(rbase, _RPT)], gsems[2])
    pltpu.make_async_copy(e_hbm.at[0, pl.ds(crow, _NCHUNKS)], srcv,
                          gsems[0]).wait()
    pltpu.make_async_copy(e_hbm.at[1, pl.ds(crow, _NCHUNKS)], dstv,
                          gsems[1]).wait()
    pltpu.make_async_copy(zeros_hbm.at[pl.ds(rbase, _RPT)],
                          acc_sh.at[pl.ds(rbase, _RPT)], gsems[2]).wait()
    plsc.subcore_barrier()
    _ring_loop(table_hbm, srcv, dstv, acc_sh, bufs, gsems, ssems)
    plsc.subcore_barrier()
    pltpu.sync_copy(acc_sh.at[pl.ds(rbase, _RPT)],
                    out_hbm.at[pl.ds(cid * _NPAD + rbase, _RPT)])


def _mega_body(ps_hbm, acc1_hbm, e_hbm, zeros_hbm, parts_hbm, x1_hbm,
               srcv, dstv, psv, av0, av1, iv, xv, pv, pall, *scr):
    bufs, acc_sh, parts_sh, gsems, ssems = (
        scr[:_NBUF], scr[_NBUF], scr[_NBUF + 1],
        scr[_NBUF + 2:2 * _NBUF + 2], scr[2 * _NBUF + 2:])
    cid = lax.axis_index("c")
    sid = lax.axis_index("s")
    rbase = sid * _RPT
    crow = (cid * _NS + sid) * _NCHUNKS
    stages = [
        (e_hbm.at[0, pl.ds(crow, _NCHUNKS)], srcv, gsems[0]),
        (e_hbm.at[1, pl.ds(crow, _NCHUNKS)], dstv, gsems[1]),
        (ps_hbm.at[pl.ds(rbase, _RPT)], psv, gsems[2]),
        (acc1_hbm.at[pl.ds(rbase, _RPT)], av0, gsems[3]),
        (acc1_hbm.at[pl.ds(_NPAD + rbase, _RPT)], av1, ssems[0]),
        (zeros_hbm.at[pl.ds(rbase, _RPT)], acc_sh.at[pl.ds(rbase, _RPT)],
         ssems[1]),
    ]
    for s, t, sem in stages:
        pltpu.async_copy(s, t, sem)
    for s, t, sem in stages:
        pltpu.make_async_copy(s, t, sem).wait()

    iota16 = lax.broadcasted_iota(jnp.int32, (_L,), 0)

    off = cid * _NPAD

    def offrow(i, carry):
        ir = jnp.full((_L,), i, jnp.int32)
        for j in range(_CHUNK // _L):
            ic = iota16 + (j * _L)
            plsc.store_scatter(srcv, [ir, ic],
                               plsc.load_gather(srcv, [ir, ic]) + off)
        return carry

    lax.fori_loop(0, _NCHUNKS, offrow, 0)

    mask10 = iota16 < _H

    def xrow(r, apart):
        rv = jnp.full((_L,), r, jnp.int32)
        arow = (plsc.load_gather(av0, [rv, iota16])
                + plsc.load_gather(av1, [rv, iota16]))
        degv = jnp.broadcast_to(arow[_H], (_L,))
        invd = 1.0 / jnp.maximum(degv, 1.0)
        x1r = jnp.maximum(plsc.load_gather(psv, [rv, iota16]) + arow * invd,
                          0.0)
        x1r = jnp.where(mask10, x1r, 0.0)
        plsc.store_scatter(xv, [rv, iota16], x1r)
        plsc.store_scatter(iv, [rv, iota16], invd)
        return apart + x1r

    apart = lax.fori_loop(0, _RPT, xrow, jnp.zeros((_L,), jnp.float32))
    pltpu.sync_copy(xv, x1_hbm.at[pl.ds(off + rbase, _RPT)])
    plsc.subcore_barrier()

    _ring_loop(x1_hbm, srcv, dstv, acc_sh, bufs, gsems, ssems)
    plsc.subcore_barrier()

    pltpu.sync_copy(acc_sh.at[pl.ds(rbase, _RPT)], av0)

    def brow(r, bpart):
        rv = jnp.full((_L,), r, jnp.int32)
        return bpart + (plsc.load_gather(av0, [rv, iota16])
                        * plsc.load_gather(iv, [rv, iota16]))

    bpart = lax.fori_loop(0, _RPT, brow, jnp.zeros((_L,), jnp.float32))
    pv[pl.ds(0, _L)] = apart
    pv[pl.ds(_L, _L)] = bpart
    pltpu.sync_copy(pv, parts_sh.at[sid])
    plsc.subcore_barrier()

    @pl.when(sid == 0)
    def _():
        pltpu.sync_copy(parts_sh, pall)

        def red(t, ab):
            tr = jnp.full((_L,), t, jnp.int32)
            pa = plsc.load_gather(pall, [tr, iota16])
            pb = plsc.load_gather(pall, [tr, iota16 + _L])
            return (ab[0] + pa, ab[1] + pb)

        asum, bsum = lax.fori_loop(
            0, _NS, red,
            (jnp.zeros((_L,), jnp.float32), jnp.zeros((_L,), jnp.float32)))
        pv[pl.ds(0, _L)] = asum
        pv[pl.ds(_L, _L)] = bsum
        pltpu.sync_copy(pv, parts_hbm.at[cid])


_SC_PARAMS = pltpu.CompilerParams(use_tc_tiling_on_sc=False,
                                  needs_layout_passes=False)


@functools.cache
def _pass1_call():
    return pl.kernel(
        _pass1_body,
        out_type=jax.ShapeDtypeStruct((_NC * _NPAD, _L), jnp.float32),
        mesh=plsc.VectorSubcoreMesh(core_axis_name="c", subcore_axis_name="s",
                                    num_cores=_NC, num_subcores=_NS),
        scratch_types=[
            pltpu.VMEM((_NCHUNKS, _CHUNK), jnp.int32),
            pltpu.VMEM((_NCHUNKS, _CHUNK), jnp.int32),
        ] + [pltpu.VMEM((_CHUNK, _L), jnp.float32)] * _NBUF + [
            pltpu.VMEM_SHARED((_NPAD, _L), jnp.float32),
        ] + [pltpu.SemaphoreType.DMA] * (2 * _NBUF),
        compiler_params=_SC_PARAMS,
    )


@functools.cache
def _mega_call():
    return pl.kernel(
        _mega_body,
        out_type=[
            jax.ShapeDtypeStruct((_NC, 2 * _L), jnp.float32),
            jax.ShapeDtypeStruct((_NC * _NPAD, _L), jnp.float32),
        ],
        mesh=plsc.VectorSubcoreMesh(core_axis_name="c", subcore_axis_name="s",
                                    num_cores=_NC, num_subcores=_NS),
        scratch_types=[
            pltpu.VMEM((_NCHUNKS, _CHUNK), jnp.int32),
            pltpu.VMEM((_NCHUNKS, _CHUNK), jnp.int32),
            pltpu.VMEM((_RPT, _L), jnp.float32),
            pltpu.VMEM((_RPT, _L), jnp.float32),
            pltpu.VMEM((_RPT, _L), jnp.float32),
            pltpu.VMEM((_RPT, _L), jnp.float32),
            pltpu.VMEM((_RPT, _L), jnp.float32),
            pltpu.VMEM((2 * _L,), jnp.float32),
            pltpu.VMEM((_NS, 2 * _L), jnp.float32),
        ] + [pltpu.VMEM((_CHUNK, _L), jnp.float32)] * _NBUF + [
            pltpu.VMEM_SHARED((_NPAD, _L), jnp.float32),
            pltpu.VMEM_SHARED((_NS, 2 * _L), jnp.float32),
        ] + [pltpu.SemaphoreType.DMA] * (2 * _NBUF),
        compiler_params=_SC_PARAMS,
    )


def _pass1(table, e3, ztbl):
    return _pass1_call()(table, e3, ztbl)


def _mega(ps, acc1, e3, ztbl):
    return _mega_call()(ps, acc1, e3, ztbl)


def kernel(features, edge_index, w1_self, w1_neigh, w2_self, w2_neigh, w_fc1):
    e3 = edge_index.reshape(2, _E // _CHUNK, _CHUNK)
    wn = jnp.pad(w1_neigh, ((0, 0), (0, _L - _H)))
    ws = jnp.pad(w1_self, ((0, 0), (0, _L - _H)))
    w2s = jnp.pad(w2_self, ((0, _L - _H), (0, _L - _H)))
    w2n = jnp.pad(w2_neigh, ((0, _L - _H), (0, _L - _H)))
    wfc = jnp.pad(w_fc1, ((0, _L - _H), (0, _D - 1)))
    ztbl = jnp.zeros((_NPAD, _L), jnp.float32)

    pn = _project(features, wn, _project_n_body)
    acc1 = _pass1(pn, e3, ztbl)
    ps = jnp.pad(_project(features, ws, _project_s_body),
                 ((0, _NPAD - _N), (0, 0)))
    parts, _ = _mega(ps, acc1, e3, ztbl)
    return _readout(parts, w2s, w2n, wfc)

# --- scband reference (transcript-rebuilt; emitter-appended) ---
"""Pipeline reference for scband-net-graph-sage-9234179686415 (READ-ONLY COPY).

The authoritative reference and input builder live on the scoring server;
editing this copy changes nothing except your own understanding.
"""

import jax, jax.numpy as jnp
import numpy as np

N = 10000
E = 320000
D = 128
H = 10


def setup_inputs(seed: int = 0) -> dict:
    key = jax.random.key(seed)
    ks = jax.random.split(key, 8)
    features = jax.random.normal(ks[0], (N, D), dtype=jnp.float32)
    edge_index = jax.random.randint(ks[1], (2, E), 0, N, dtype=jnp.int32)
    # SAGEConv (mean aggregator, bias=False) params: fc_self and fc_neigh
    w1_self = jax.random.normal(ks[2], (D, H), dtype=jnp.float32) * 0.05
    w1_neigh = jax.random.normal(ks[3], (D, H), dtype=jnp.float32) * 0.05
    w2_self = jax.random.normal(ks[4], (H, H), dtype=jnp.float32) * 0.05
    w2_neigh = jax.random.normal(ks[5], (H, H), dtype=jnp.float32) * 0.05
    w_fc1 = jax.random.normal(ks[6], (H, 1), dtype=jnp.float32) * 0.05
    return {
        "features": features,
        "edge_index": edge_index,
        "w1_self": w1_self,
        "w1_neigh": w1_neigh,
        "w2_self": w2_self,
        "w2_neigh": w2_neigh,
        "w_fc1": w_fc1,
    }


def _sage_conv_mean(x, src, dst, w_self, w_neigh, n_nodes):
    # DGL SAGEConv mean aggregator: h_neigh_i = mean_{j in N_in(i)} x_j
    # out = x @ W_self + h_neigh @ W_neigh   (bias=False)
    msg = jnp.take(x, src, axis=0)                      # gather src features per edge
    neigh_sum = jax.ops.segment_sum(msg, dst, num_segments=n_nodes)
    deg = jax.ops.segment_sum(jnp.ones((src.shape[0],), dtype=x.dtype), dst, num_segments=n_nodes)
    h_neigh = neigh_sum / jnp.maximum(deg, 1.0)[:, None]
    return x @ w_self + h_neigh @ w_neigh


def reference(features, edge_index, w1_self, w1_neigh, w2_self, w2_neigh, w_fc1):
    src = edge_index[0]
    dst = edge_index[1]
    x = jax.nn.relu(_sage_conv_mean(features, src, dst, w1_self, w1_neigh, N))
    x = _sage_conv_mean(x, src, dst, w2_self, w2_neigh, N)
    # dgl.mean_nodes over a single batched graph -> [1, H]
    g = jnp.mean(x, axis=0, keepdims=True)
    out = g @ w_fc1
    return jax.nn.sigmoid(out)

if __name__ == "__main__":
    import jax
    _d = setup_inputs()
    print(jax.jit(kernel)(*tuple(_d.values())))

</pallas_src>

<mosaic_0001>
#map = affine_map<(d0, d1) -> (0, 0)>
#map1 = affine_map<(d0, d1) -> (0, 0, 0)>
module attributes {stable_mosaic.version = 14 : i64} {
  func.func @_pass1_body(%arg0: i32, %arg1: i32, %arg2: memref<10000x16xf32, #tpu.memory_space<hbm>>, %arg3: memref<2x4000x80xi32, #tpu.memory_space<hbm>>, %arg4: memref<10240x16xf32, #tpu.memory_space<hbm>>, %arg5: memref<20480x16xf32, #tpu.memory_space<hbm>>, %arg6: memref<125x80xi32, #tpu.memory_space<vmem>>, %arg7: memref<125x80xi32, #tpu.memory_space<vmem>>, %arg8: memref<80x16xf32, #tpu.memory_space<vmem>>, %arg9: memref<80x16xf32, #tpu.memory_space<vmem>>, %arg10: memref<80x16xf32, #tpu.memory_space<vmem>>, %arg11: memref<80x16xf32, #tpu.memory_space<vmem>>, %arg12: memref<10240x16xf32, #tpu.memory_space<vmem_shared>>, %arg13: memref<!tpu.dma_semaphore, #tpu.memory_space<semaphore_mem>>, %arg14: memref<!tpu.dma_semaphore, #tpu.memory_space<semaphore_mem>>, %arg15: memref<!tpu.dma_semaphore, #tpu.memory_space<semaphore_mem>>, %arg16: memref<!tpu.dma_semaphore, #tpu.memory_space<semaphore_mem>>, %arg17: memref<!tpu.dma_semaphore, #tpu.memory_space<semaphore_mem>>, %arg18: memref<!tpu.dma_semaphore, #tpu.memory_space<semaphore_mem>>, %arg19: memref<!tpu.dma_semaphore, #tpu.memory_space<semaphore_mem>>, %arg20: memref<!tpu.dma_semaphore, #tpu.memory_space<semaphore_mem>>) attributes {dimension_semantics = [#tpu.dimension_semantics<core_parallel>, #tpu.dimension_semantics<subcore_parallel>], iteration_bounds = array<i64: 2, 16>, scalar_prefetch = 0 : i64, scratch_operands = 15 : i64, tpu.core_type = #tpu.core_type<sc_vector_subcore>, window_params = [{transform_indices = #map}, {transform_indices = #map1}, {transform_indices = #map}, {transform_indices = #map}]} {
    %mul3A = arith.constant 640 : i32
    %mul3A_0 = arith.muli %arg1, %mul3A : i32
    %mul3A_1 = arith.constant 16 : i32
    %mul3A_2 = arith.muli %arg0, %mul3A_1 : i32
    %add3A = arith.addi %mul3A_2, %arg1 : i32
    %mul3A_3 = arith.constant 125 : i32
    %mul3A_4 = arith.muli %add3A, %mul3A_3 : i32
    %dma_start3A = arith.constant 0 : i32
    %dma_start3A_5 = arith.constant 0 : i32
    %dma_start3A_6 = tpu.memref_slice %arg3[%dma_start3A, %mul3A_4, %dma_start3A_5] : memref<2x4000x80xi32, #tpu.memory_space<hbm>> -> memref<1x125x80xi32, #tpu.memory_space<hbm>>
    %dma_start3A_7 = tpu.memref_squeeze %dma_start3A_6 : memref<1x125x80xi32, #tpu.memory_space<hbm>> -> memref<125x80xi32, #tpu.memory_space<hbm>>
    %dma_start3A_8 = arith.constant 0 : i32
    %dma_start3A_9 = tpu.memref_slice %arg3[%dma_start3A, %mul3A_4, %dma_start3A_8] : memref<2x4000x80xi32, #tpu.memory_space<hbm>> -> memref<1x125x80xi32, #tpu.memory_space<hbm>>
    %dma_start3A_10 = tpu.memref_squeeze %dma_start3A_9 : memref<1x125x80xi32, #tpu.memory_space<hbm>> -> memref<125x80xi32, #tpu.memory_space<hbm>>
    tpu.enqueue_dma source(%dma_start3A_10 : memref<125x80xi32, #tpu.memory_space<hbm>>) target(%arg6 : memref<125x80xi32, #tpu.memory_space<vmem>>) target_semaphore(%arg13 : memref<!tpu.dma_semaphore, #tpu.memory_space<semaphore_mem>>)
    %dma_start3A_11 = arith.constant 1 : i32
    %dma_start3A_12 = arith.constant 0 : i32
    %dma_start3A_13 = tpu.memref_slice %arg3[%dma_start3A_11, %mul3A_4, %dma_start3A_12] : memref<2x4000x80xi32, #tpu.memory_space<hbm>> -> memref<1x125x80xi32, #tpu.memory_space<hbm>>
    %dma_start3A_14 = tpu.memref_squeeze %dma_start3A_13 : memref<1x125x80xi32, #tpu.memory_space<hbm>> -> memref<125x80xi32, #tpu.memory_space<hbm>>
    %dma_start3A_15 = arith.constant 0 : i32
    %dma_start3A_16 = tpu.memref_slice %arg3[%dma_start3A_11, %mul3A_4, %dma_start3A_15] : memref<2x4000x80xi32, #tpu.memory_space<hbm>> -> memref<1x125x80xi32, #tpu.memory_space<hbm>>
    %dma_start3A_17 = tpu.memref_squeeze %dma_start3A_16 : memref<1x125x80xi32, #tpu.memory_space<hbm>> -> memref<125x80xi32, #tpu.memory_space<hbm>>
    tpu.enqueue_dma source(%dma_start3A_17 : memref<125x80xi32, #tpu.memory_space<hbm>>) target(%arg7 : memref<125x80xi32, #tpu.memory_space<vmem>>) target_semaphore(%arg14 : memref<!tpu.dma_semaphore, #tpu.memory_space<semaphore_mem>>)
    %dma_start3A_18 = arith.constant 0 : i32
    %dma_start3A_19 = tpu.memref_slice %arg12[%mul3A_0, %dma_start3A_18] : memref<10240x16xf32, #tpu.memory_space<vmem_shared>> -> memref<640x16xf32, #tpu.memory_space<vmem_shared>>
    %dma_start3A_20 = arith.constant 0 : i32
    %dma_start3A_21 = tpu.memref_slice %arg4[%mul3A_0, %dma_start3A_20] : memref<10240x16xf32, #tpu.memory_space<hbm>> -> memref<640x16xf32, #tpu.memory_space<hbm>>
    tpu.enqueue_dma source(%dma_start3A_21 : memref<640x16xf32, #tpu.memory_space<hbm>>) target(%dma_start3A_19 : memref<640x16xf32, #tpu.memory_space<vmem_shared>>) target_semaphore(%arg15 : memref<!tpu.dma_semaphore, #tpu.memory_space<semaphore_mem>>)
    %dma_wait3A = arith.constant 0 : i32
    %dma_wait3A_22 = arith.constant 0 : i32
    %dma_wait3A_23 = tpu.memref_slice %arg3[%dma_wait3A, %mul3A_4, %dma_wait3A_22] : memref<2x4000x80xi32, #tpu.memory_space<hbm>> -> memref<1x125x80xi32, #tpu.memory_space<hbm>>
    %dma_wait3A_24 = tpu.memref_squeeze %dma_wait3A_23 : memref<1x125x80xi32, #tpu.memory_space<hbm>> -> memref<125x80xi32, #tpu.memory_space<hbm>>
    %dma_wait3A_25 = arith.constant 0 : i32
    %dma_wait3A_26 = tpu.memref_slice %arg3[%dma_wait3A, %mul3A_4, %dma_wait3A_25] : memref<2x4000x80xi32, #tpu.memory_space<hbm>> -> memref<1x125x80xi32, #tpu.memory_space<hbm>>
    %dma_wait3A_27 = tpu.memref_squeeze %dma_wait3A_26 : memref<1x125x80xi32, #tpu.memory_space<hbm>> -> memref<125x80xi32, #tpu.memory_space<hbm>>
    tpu.wait_dma2 semaphore(%arg13 : memref<!tpu.dma_semaphore, #tpu.memory_space<semaphore_mem>>) src(%dma_wait3A_27 : memref<125x80xi32, #tpu.memory_space<hbm>>) dst(%arg6 : memref<125x80xi32, #tpu.memory_space<vmem>>)
    %dma_wait3A_28 = arith.constant 1 : i32
    %dma_wait3A_29 = arith.constant 0 : i32
    %dma_wait3A_30 = tpu.memref_slice %arg3[%dma_wait3A_28, %mul3A_4, %dma_wait3A_29] : memref<2x4000x80xi32, #tpu.memory_space<hbm>> -> memref<1x125x80xi32, #tpu.memory_space<hbm>>
    %dma_wait3A_31 = tpu.memref_squeeze %dma_wait3A_30 : memref<1x125x80xi32, #tpu.memory_space<hbm>> -> memref<125x80xi32, #tpu.memory_space<hbm>>
    %dma_wait3A_32 = arith.constant 0 : i32
    %dma_wait3A_33 = tpu.memref_slice %arg3[%dma_wait3A_28, %mul3A_4, %dma_wait3A_32] : memref<2x4000x80xi32, #tpu.memory_space<hbm>> -> memref<1x125x80xi32, #tpu.memory_space<hbm>>
    %dma_wait3A_34 = tpu.memref_squeeze %dma_wait3A_33 : memref<1x125x80xi32, #tpu.memory_space<hbm>> -> memref<125x80xi32, #tpu.memory_space<hbm>>
    tpu.wait_dma2 semaphore(%arg14 : memref<!tpu.dma_semaphore, #tpu.memory_space<semaphore_mem>>) src(%dma_wait3A_34 : memref<125x80xi32, #tpu.memory_space<hbm>>) dst(%arg7 : memref<125x80xi32, #tpu.memory_space<vmem>>)
    %dma_wait3A_35 = arith.constant 0 : i32
    %dma_wait3A_36 = tpu.memref_slice %arg12[%mul3A_0, %dma_wait3A_35] : memref<10240x16xf32, #tpu.memory_space<vmem_shared>> -> memref<640x16xf32, #tpu.memory_space<vmem_shared>>
    %dma_wait3A_37 = arith.constant 0 : i32
    %dma_wait3A_38 = tpu.memref_slice %arg4[%mul3A_0, %dma_wait3A_37] : memref<10240x16xf32, #tpu.memory_space<hbm>> -> memref<640x16xf32, #tpu.memory_space<hbm>>
    tpu.wait_dma2 semaphore(%arg15 : memref<!tpu.dma_semaphore, #tpu.memory_space<semaphore_mem>>) src(%dma_wait3A_38 : memref<640x16xf32, #tpu.memory_space<hbm>>) dst(%dma_wait3A_36 : memref<640x16xf32, #tpu.memory_space<vmem_shared>>)
    %barrier3A = arith.constant 0 : index
    tpu.barrier barrier_id(%barrier3A)
    %dma_start3A_39 = arith.constant 0 : i32
    %dma_start3A_40 = arith.constant 0 : i32
    %dma_start3A_41 = tpu.memref_slice %arg6[%dma_start3A_39, %dma_start3A_40] : memref<125x80xi32, #tpu.memory_space<vmem>> -> memref<1x80xi32, #tpu.memory_space<vmem>>
    %dma_start3A_42 = tpu.memref_squeeze %dma_start3A_41 : memref<1x80xi32, #tpu.memory_space<vmem>> -> memref<80xi32, #tpu.memory_space<vmem>>
    %dma_start3A_43 = arith.constant 0 : i32
    %dma_start3A_44 = arith.constant 0 : i32
    %dma_start3A_45 = tpu.memref_slice %arg2[%dma_start3A_43, %dma_start3A_44] : memref<10000x16xf32, #tpu.memory_space<hbm>> -> memref<10000x16xf32, #tpu.memory_space<hbm>>
    tpu.enqueue_indirect_dma source(%dma_start3A_45 : memref<10000x16xf32, #tpu.memory_space<hbm>>) target(%arg8 : memref<80x16xf32, #tpu.memory_space<vmem>>) offsets(%dma_start3A_42 : memref<80xi32, #tpu.memory_space<vmem>>) semaphore(%arg13 : memref<!tpu.dma_semaphore, #tpu.memory_space<semaphore_mem>>)
    %dma_start3A_46 = arith.constant 1 : i32
    %dma_start3A_47 = arith.constant 0 : i32
    %dma_start3A_48 = tpu.memref_slice %arg6[%dma_start3A_46, %dma_start3A_47] : memref<125x80xi32, #tpu.memory_space<vmem>> -> memref<1x80xi32, #tpu.memory_space<vmem>>
    %dma_start3A_49 = tpu.memref_squeeze %dma_start3A_48 : memref<1x80xi32, #tpu.memory_space<vmem>> -> memref<80xi32, #tpu.memory_space<vmem>>
    %dma_start3A_50 = arith.constant 0 : i32
    %dma_start3A_51 = arith.constant 0 : i32
    %dma_start3A_52 = tpu.memref_slice %arg2[%dma_start3A_50, %dma_start3A_51] : memref<10000x16xf32, #tpu.memory_space<hbm>> -> memref<10000x16xf32, #tpu.memory_space<hbm>>
    tpu.enqueue_indirect_dma source(%dma_start3A_52 : memref<10000x16xf32, #tpu.memory_space<hbm>>) target(%arg9 : memref<80x16xf32, #tpu.memory_space<vmem>>) offsets(%dma_start3A_49 : memref<80xi32, #tpu.memory_space<vmem>>) semaphore(%arg14 : memref<!tpu.dma_semaphore, #tpu.memory_space<semaphore_mem>>)
    %dma_wait3A_53 = arith.constant 0 : i32
    %dma_wait3A_54 = arith.constant 0 : i32
    %dma_wait3A_55 = tpu.memref_slice %arg6[%dma_wait3A_53, %dma_wait3A_54] : memref<125x80xi32, #tpu.memory_space<vmem>> -> memref<1x80xi32, #tpu.memory_space<vmem>>
    %dma_wait3A_56 = tpu.memref_squeeze %dma_wait3A_55 : memref<1x80xi32, #tpu.memory_space<vmem>> -> memref<80xi32, #tpu.memory_space<vmem>>
    %dma_wait3A_57 = arith.constant 0 : i32
    %dma_wait3A_58 = arith.constant 0 : i32
    %dma_wait3A_59 = tpu.memref_slice %arg2[%dma_wait3A_57, %dma_wait3A_58] : memref<10000x16xf32, #tpu.memory_space<hbm>> -> memref<10000x16xf32, #tpu.memory_space<hbm>>
    tpu.wait_indirect_dma semaphore(%arg13 : memref<!tpu.dma_semaphore, #tpu.memory_space<semaphore_mem>>) src(%dma_wait3A_59 : memref<10000x16xf32, #tpu.memory_space<hbm>>) dst(%arg8 : memref<80x16xf32, #tpu.memory_space<vmem>>)
    %dma_start3A_60 = arith.constant 0 : i32
    %dma_start3A_61 = arith.constant 0 : i32
    %dma_start3A_62 = tpu.memref_slice %arg7[%dma_start3A_60, %dma_start3A_61] : memref<125x80xi32, #tpu.memory_space<vmem>> -> memref<1x80xi32, #tpu.memory_space<vmem>>
    %dma_start3A_63 = tpu.memref_squeeze %dma_start3A_62 : memref<1x80xi32, #tpu.memory_space<vmem>> -> memref<80xi32, #tpu.memory_space<vmem>>
    %dma_start3A_64 = arith.constant 0 : i32
    %dma_start3A_65 = arith.constant 0 : i32
    %dma_start3A_66 = tpu.memref_slice %arg12[%dma_start3A_64, %dma_start3A_65] : memref<10240x16xf32, #tpu.memory_space<vmem_shared>> -> memref<10240x16xf32, #tpu.memory_space<vmem_shared>>
    tpu.enqueue_indirect_dma source(%arg8 : memref<80x16xf32, #tpu.memory_space<vmem>>) target(%dma_start3A_66 : memref<10240x16xf32, #tpu.memory_space<vmem_shared>>) offsets(%dma_start3A_63 : memref<80xi32, #tpu.memory_space<vmem>>) semaphore(%arg17 : memref<!tpu.dma_semaphore, #tpu.memory_space<semaphore_mem>>) {add = true}
    %dma_start3A_67 = arith.constant 2 : i32
    %dma_start3A_68 = arith.constant 0 : i32
    %dma_start3A_69 = tpu.memref_slice %arg6[%dma_start3A_67, %dma_start3A_68] : memref<125x80xi32, #tpu.memory_space<vmem>> -> memref<1x80xi32, #tpu.memory_space<vmem>>
    %dma_start3A_70 = tpu.memref_squeeze %dma_start3A_69 : memref<1x80xi32, #tpu.memory_space<vmem>> -> memref<80xi32, #tpu.memory_space<vmem>>
    %dma_start3A_71 = arith.constant 0 : i32
    %dma_start3A_72 = arith.constant 0 : i32
    %dma_start3A_73 = tpu.memref_slice %arg2[%dma_start3A_71, %dma_start3A_72] : memref<10000x16xf32, #tpu.memory_space<hbm>> -> memref<10000x16xf32, #tpu.memory_space<hbm>>
    tpu.enqueue_indirect_dma source(%dma_start3A_73 : memref<10000x16xf32, #tpu.memory_space<hbm>>) target(%arg10 : memref<80x16xf32, #tpu.memory_space<vmem>>) offsets(%dma_start3A_70 : memref<80xi32, #tpu.memory_space<vmem>>) semaphore(%arg15 : memref<!tpu.dma_semaphore, #tpu.memory_space<semaphore_mem>>)
    %dma_wait3A_74 = arith.constant 1 : i32
    %dma_wait3A_75 = arith.constant 0 : i32
    %dma_wait3A_76 = tpu.memref_slice %arg6[%dma_wait3A_74, %dma_wait3A_75] : memref<125x80xi32, #tpu.memory_space<vmem>> -> memref<1x80xi32, #tpu.memory_space<vmem>>
    %dma_wait3A_77 = tpu.memref_squeeze %dma_wait3A_76 : memref<1x80xi32, #tpu.memory_space<vmem>> -> memref<80xi32, #tpu.memory_space<vmem>>
    %dma_wait3A_78 = arith.constant 0 : i32
    %dma_wait3A_79 = arith.constant 0 : i32
    %dma_wait3A_80 = tpu.memref_slice %arg2[%dma_wait3A_78, %dma_wait3A_79] : memref<10000x16xf32, #tpu.memory_space<hbm>> -> memref<10000x16xf32, #tpu.memory_space<hbm>>
    tpu.wait_indirect_dma semaphore(%arg14 : memref<!tpu.dma_semaphore, #tpu.memory_space<semaphore_mem>>) src(%dma_wait3A_80 : memref<10000x16xf32, #tpu.memory_space<hbm>>) dst(%arg9 : memref<80x16xf32, #tpu.memory_space<vmem>>)
    %dma_start3A_81 = arith.constant 1 : i32
    %dma_start3A_82 = arith.constant 0 : i32
    %dma_start3A_83 = tpu.memref_slice %arg7[%dma_start3A_81, %dma_start3A_82] : memref<125x80xi32, #tpu.memory_space<vmem>> -> memref<1x80xi32, #tpu.memory_space<vmem>>
    %dma_start3A_84 = tpu.memref_squeeze %dma_start3A_83 : memref<1x80xi32, #tpu.memory_space<vmem>> -> memref<80xi32, #tpu.memory_space<vmem>>
    %dma_start3A_85 = arith.constant 0 : i32
    %dma_start3A_86 = arith.constant 0 : i32
    %dma_start3A_87 = tpu.memref_slice %arg12[%dma_start3A_85, %dma_start3A_86] : memref<10240x16xf32, #tpu.memory_space<vmem_shared>> -> memref<10240x16xf32, #tpu.memory_space<vmem_shared>>
    tpu.enqueue_indirect_dma source(%arg9 : memref<80x16xf32, #tpu.memory_space<vmem>>) target(%dma_start3A_87 : memref<10240x16xf32, #tpu.memory_space<vmem_shared>>) offsets(%dma_start3A_84 : memref<80xi32, #tpu.memory_space<vmem>>) semaphore(%arg18 : memref<!tpu.dma_semaphore, #tpu.memory_space<semaphore_mem>>) {add = true}
    %dma_start3A_88 = arith.constant 3 : i32
    %dma_start3A_89 = arith.constant 0 : i32
    %dma_start3A_90 = tpu.memref_slice %arg6[%dma_start3A_88, %dma_start3A_89] : memref<125x80xi32, #tpu.memory_space<vmem>> -> memref<1x80xi32, #tpu.memory_space<vmem>>
    %dma_start3A_91 = tpu.memref_squeeze %dma_start3A_90 : memref<1x80xi32, #tpu.memory_space<vmem>> -> memref<80xi32, #tpu.memory_space<vmem>>
    %dma_start3A_92 = arith.constant 0 : i32
    %dma_start3A_93 = arith.constant 0 : i32
    %dma_start3A_94 = tpu.memref_slice %arg2[%dma_start3A_92, %dma_start3A_93] : memref<10000x16xf32, #tpu.memory_space<hbm>> -> memref<10000x16xf32, #tpu.memory_space<hbm>>
    tpu.enqueue_indirect_dma source(%dma_start3A_94 : memref<10000x16xf32, #tpu.memory_space<hbm>>) target(%arg11 : memref<80x16xf32, #tpu.memory_space<vmem>>) offsets(%dma_start3A_91 : memref<80xi32, #tpu.memory_space<vmem>>) semaphore(%arg16 : memref<!tpu.dma_semaphore, #tpu.memory_space<semaphore_mem>>)
    %scan3A = arith.constant 0 : i32
    %scan3A_95 = arith.constant 0 : i32
    %scan3A_96 = arith.constant 29 : i32
    %scan3A_97 = arith.addi %scan3A_95, %scan3A_96 : i32
    %scan3A_98 = arith.constant 1 : i32
    scf.for %scan3A_300 = %scan3A_95 to %scan3A_97 step %scan3A_98  : i32 {
      %mul3A_301 = arith.constant 4 : i32
      %mul3A_302 = arith.muli %mul3A_301, %scan3A_300 : i32
      %add3A_303 = arith.constant 2 : i32
      %add3A_304 = arith.addi %mul3A_302, %add3A_303 : i32
      %add3A_305 = arith.constant 0 : i32
      %add3A_306 = arith.addi %add3A_304, %add3A_305 : i32
      %dma_wait3A_307 = arith.constant 0 : i32
      %dma_wait3A_308 = tpu.memref_slice %arg6[%add3A_306, %dma_wait3A_307] : memref<125x80xi32, #tpu.memory_space<vmem>> -> memref<1x80xi32, #tpu.memory_space<vmem>>
      %dma_wait3A_309 = tpu.memref_squeeze %dma_wait3A_308 : memref<1x80xi32, #tpu.memory_space<vmem>> -> memref<80xi32, #tpu.memory_space<vmem>>
      %dma_wait3A_310 = arith.constant 0 : i32
      %dma_wait3A_311 = arith.constant 0 : i32
      %dma_wait3A_312 = tpu.memref_slice %arg2[%dma_wait3A_310, %dma_wait3A_311] : memref<10000x16xf32, #tpu.memory_space<hbm>> -> memref<10000x16xf32, #tpu.memory_space<hbm>>
      tpu.wait_indirect_dma semaphore(%arg15 : memref<!tpu.dma_semaphore, #tpu.memory_space<semaphore_mem>>) src(%dma_wait3A_312 : memref<10000x16xf32, #tpu.memory_space<hbm>>) dst(%arg10 : memref<80x16xf32, #tpu.memory_space<vmem>>)
      %dma_start3A_313 = arith.constant 0 : i32
      %dma_start3A_314 = tpu.memref_slice %arg7[%add3A_306, %dma_start3A_313] : memref<125x80xi32, #tpu.memory_space<vmem>> -> memref<1x80xi32, #tpu.memory_space<vmem>>
      %dma_start3A_315 = tpu.memref_squeeze %dma_start3A_314 : memref<1x80xi32, #tpu.memory_space<vmem>> -> memref<80xi32, #tpu.memory_space<vmem>>
      %dma_start3A_316 = arith.constant 0 : i32
      %dma_start3A_317 = arith.constant 0 : i32
      %dma_start3A_318 = tpu.memref_slice %arg12[%dma_start3A_316, %dma_start3A_317] : memref<10240x16xf32, #tpu.memory_space<vmem_shared>> -> memref<10240x16xf32, #tpu.memory_space<vmem_shared>>
      tpu.enqueue_indirect_dma source(%arg10 : memref<80x16xf32, #tpu.memory_space<vmem>>) target(%dma_start3A_318 : memref<10240x16xf32, #tpu.memory_space<vmem_shared>>) offsets(%dma_start3A_315 : memref<80xi32, #tpu.memory_space<vmem>>) semaphore(%arg19 : memref<!tpu.dma_semaphore, #tpu.memory_space<semaphore_mem>>) {add = true}
      %add3A_319 = arith.constant 2 : i32
      %add3A_320 = arith.addi %add3A_306, %add3A_319 : i32
      %sub3A = arith.constant 4 : i32
      %sub3A_321 = arith.subi %add3A_320, %sub3A : i32
      %dma_wait3A_322 = arith.constant 0 : i32
      %dma_wait3A_323 = tpu.memref_slice %arg7[%sub3A_321, %dma_wait3A_322] : memref<125x80xi32, #tpu.memory_space<vmem>> -> memref<1x80xi32, #tpu.memory_space<vmem>>
      %dma_wait3A_324 = tpu.memref_squeeze %dma_wait3A_323 : memref<1x80xi32, #tpu.memory_space<vmem>> -> memref<80xi32, #tpu.memory_space<vmem>>
      %dma_wait3A_325 = arith.constant 0 : i32
      %dma_wait3A_326 = arith.constant 0 : i32
      %dma_wait3A_327 = tpu.memref_slice %arg12[%dma_wait3A_325, %dma_wait3A_326] : memref<10240x16xf32, #tpu.memory_space<vmem_shared>> -> memref<10240x16xf32, #tpu.memory_space<vmem_shared>>
      tpu.wait_indirect_dma semaphore(%arg17 : memref<!tpu.dma_semaphore, #tpu.memory_space<semaphore_mem>>) src(%arg8 : memref<80x16xf32, #tpu.memory_space<vmem>>) dst(%dma_wait3A_327 : memref<10240x16xf32, #tpu.memory_space<vmem_shared>>)
      %dma_start3A_328 = arith.constant 0 : i32
      %dma_start3A_329 = tpu.memref_slice %arg6[%add3A_320, %dma_start3A_328] : memref<125x80xi32, #tpu.memory_space<vmem>> -> memref<1x80xi32, #tpu.memory_space<vmem>>
      %dma_start3A_330 = tpu.memref_squeeze %dma_start3A_329 : memref<1x80xi32, #tpu.memory_space<vmem>> -> memref<80xi32, #tpu.memory_space<vmem>>
      %dma_start3A_331 = arith.constant 0 : i32
      %dma_start3A_332 = arith.constant 0 : i32
      %dma_start3A_333 = tpu.memref_slice %arg2[%dma_start3A_331, %dma_start3A_332] : memref<10000x16xf32, #tpu.memory_space<hbm>> -> memref<10000x16xf32, #tpu.memory_space<hbm>>
      tpu.enqueue_indirect_dma source(%dma_start3A_333 : memref<10000x16xf32, #tpu.memory_space<hbm>>) target(%arg8 : memref<80x16xf32, #tpu.memory_space<vmem>>) offsets(%dma_start3A_330 : memref<80xi32, #tpu.memory_space<vmem>>) semaphore(%arg13 : memref<!tpu.dma_semaphore, #tpu.memory_space<semaphore_mem>>)
      %add3A_334 = arith.constant 1 : i32
      %add3A_335 = arith.addi %add3A_304, %add3A_334 : i32
      %dma_wait3A_336 = arith.constant 0 : i32
      %dma_wait3A_337 = tpu.memref_slice %arg6[%add3A_335, %dma_wait3A_336] : memref<125x80xi32, #tpu.memory_space<vmem>> -> memref<1x80xi32, #tpu.memory_space<vmem>>
      %dma_wait3A_338 = tpu.memref_squeeze %dma_wait3A_337 : memref<1x80xi32, #tpu.memory_space<vmem>> -> memref<80xi32, #tpu.memory_space<vmem>>
      %dma_wait3A_339 = arith.constant 0 : i32
      %dma_wait3A_340 = arith.constant 0 : i32
      %dma_wait3A_341 = tpu.memref_slice %arg2[%dma_wait3A_339, %dma_wait3A_340] : memref<10000x16xf32, #tpu.memory_space<hbm>> -> memref<10000x16xf32, #tpu.memory_space<hbm>>
      tpu.wait_indirect_dma semaphore(%arg16 : memref<!tpu.dma_semaphore, #tpu.memory_space<semaphore_mem>>) src(%dma_wait3A_341 : memref<10000x16xf32, #tpu.memory_space<hbm>>) dst(%arg11 : memref<80x16xf32, #tpu.memory_space<vmem>>)
      %dma_start3A_342 = arith.constant 0 : i32
      %dma_start3A_343 = tpu.memref_slice %arg7[%add3A_335, %dma_start3A_342] : memref<125x80xi32, #tpu.memory_space<vmem>> -> memref<1x80xi32, #tpu.memory_space<vmem>>
      %dma_start3A_344 = tpu.memref_squeeze %dma_start3A_343 : memref<1x80xi32, #tpu.memory_space<vmem>> -> memref<80xi32, #tpu.memory_space<vmem>>
      %dma_start3A_345 = arith.constant 0 : i32
      %dma_start3A_346 = arith.constant 0 : i32
      %dma_start3A_347 = tpu.memref_slice %arg12[%dma_start3A_345, %dma_start3A_346] : memref<10240x16xf32, #tpu.memory_space<vmem_shared>> -> memref<10240x16xf32, #tpu.memory_space<vmem_shared>>
      tpu.enqueue_indirect_dma source(%arg11 : memref<80x16xf32, #tpu.memory_space<vmem>>) target(%dma_start3A_347 : memref<10240x16xf32, #tpu.memory_space<vmem_shared>>) offsets(%dma_start3A_344 : memref<80xi32, #tpu.memory_space<vmem>>) semaphore(%arg20 : memref<!tpu.dma_semaphore, #tpu.memory_space<semaphore_mem>>) {add = true}
      %add3A_348 = arith.constant 2 : i32
      %add3A_349 = arith.addi %add3A_335, %add3A_348 : i32
      %sub3A_350 = arith.constant 4 : i32
      %sub3A_351 = arith.subi %add3A_349, %sub3A_350 : i32
      %dma_wait3A_352 = arith.constant 0 : i32
      %dma_wait3A_353 = tpu.memref_slice %arg7[%sub3A_351, %dma_wait3A_352] : memref<125x80xi32, #tpu.memory_space<vmem>> -> memref<1x80xi32, #tpu.memory_space<vmem>>
      %dma_wait3A_354 = tpu.memref_squeeze %dma_wait3A_353 : memref<1x80xi32, #tpu.memory_space<vmem>> -> memref<80xi32, #tpu.memory_space<vmem>>
      %dma_wait3A_355 = arith.constant 0 : i32
      %dma_wait3A_356 = arith.constant 0 : i32
      %dma_wait3A_357 = tpu.memref_slice %arg12[%dma_wait3A_355, %dma_wait3A_356] : memref<10240x16xf32, #tpu.memory_space<vmem_shared>> -> memref<10240x16xf32, #tpu.memory_space<vmem_shared>>
      tpu.wait_indirect_dma semaphore(%arg18 : memref<!tpu.dma_semaphore, #tpu.memory_space<semaphore_mem>>) src(%arg9 : memref<80x16xf32, #tpu.memory_space<vmem>>) dst(%dma_wait3A_357 : memref<10240x16xf32, #tpu.memory_space<vmem_shared>>)
      %dma_start3A_358 = arith.constant 0 : i32
      %dma_start3A_359 = tpu.memref_slice %arg6[%add3A_349, %dma_start3A_358] : memref<125x80xi32, #tpu.memory_space<vmem>> -> memref<1x80xi32, #tpu.memory_space<vmem>>
      %dma_start3A_360 = tpu.memref_squeeze %dma_start3A_359 : memref<1x80xi32, #tpu.memory_space<vmem>> -> memref<80xi32, #tpu.memory_space<vmem>>
      %dma_start3A_361 = arith.constant 0 : i32
      %dma_start3A_362 = arith.constant 0 : i32
      %dma_start3A_363 = tpu.memref_slice %arg2[%dma_start3A_361, %dma_start3A_362] : memref<10000x16xf32, #tpu.memory_space<hbm>> -> memref<10000x16xf32, #tpu.memory_space<hbm>>
      tpu.enqueue_indirect_dma source(%dma_start3A_363 : memref<10000x16xf32, #tpu.memory_space<hbm>>) target(%arg9 : memref<80x16xf32, #tpu.memory_space<vmem>>) offsets(%dma_start3A_360 : memref<80xi32, #tpu.memory_space<vmem>>) semaphore(%arg14 : memref<!tpu.dma_semaphore, #tpu.memory_space<semaphore_mem>>)
      %add3A_364 = arith.constant 2 : i32
      %add3A_365 = arith.addi %add3A_304, %add3A_364 : i32
      %dma_wait3A_366 = arith.constant 0 : i32
      %dma_wait3A_367 = tpu.memref_slice %arg6[%add3A_365, %dma_wait3A_366] : memref<125x80xi32, #tpu.memory_space<vmem>> -> memref<1x80xi32, #tpu.memory_space<vmem>>
      %dma_wait3A_368 = tpu.memref_squeeze %dma_wait3A_367 : memref<1x80xi32, #tpu.memory_space<vmem>> -> memref<80xi32, #tpu.memory_space<vmem>>
      %dma_wait3A_369 = arith.constant 0 : i32
      %dma_wait3A_370 = arith.constant 0 : i32
      %dma_wait3A_371 = tpu.memref_slice %arg2[%dma_wait3A_369, %dma_wait3A_370] : memref<10000x16xf32, #tpu.memory_space<hbm>> -> memref<10000x16xf32, #tpu.memory_space<hbm>>
      tpu.wait_indirect_dma semaphore(%arg13 : memref<!tpu.dma_semaphore, #tpu.memory_space<semaphore_mem>>) src(%dma_wait3A_371 : memref<10000x16xf32, #tpu.memory_space<hbm>>) dst(%arg8 : memref<80x16xf32, #tpu.memory_space<vmem>>)
      %dma_start3A_372 = arith.constant 0 : i32
      %dma_start3A_373 = tpu.memref_slice %arg7[%add3A_365, %dma_start3A_372] : memref<125x80xi32, #tpu.memory_space<vmem>> -> memref<1x80xi32, #tpu.memory_space<vmem>>
      %dma_start3A_374 = tpu.memref_squeeze %dma_start3A_373 : memref<1x80xi32, #tpu.memory_space<vmem>> -> memref<80xi32, #tpu.memory_space<vmem>>
      %dma_start3A_375 = arith.constant 0 : i32
      %dma_start3A_376 = arith.constant 0 : i32
      %dma_start3A_377 = tpu.memref_slice %arg12[%dma_start3A_375, %dma_start3A_376] : memref<10240x16xf32, #tpu.memory_space<vmem_shared>> -> memref<10240x16xf32, #tpu.memory_space<vmem_shared>>
      tpu.enqueue_indirect_dma source(%arg8 : memref<80x16xf32, #tpu.memory_space<vmem>>) target(%dma_start3A_377 : memref<10240x16xf32, #tpu.memory_space<vmem_shared>>) offsets(%dma_start3A_374 : memref<80xi32, #tpu.memory_space<vmem>>) semaphore(%arg17 : memref<!tpu.dma_semaphore, #tpu.memory_space<semaphore_mem>>) {add = true}
      %add3A_378 = arith.constant 2 : i32
      %add3A_379 = arith.addi %add3A_365, %add3A_378 : i32
      %sub3A_380 = arith.constant 4 : i32
      %sub3A_381 = arith.subi %add3A_379, %sub3A_380 : i32
      %dma_wait3A_382 = arith.constant 0 : i32
      %dma_wait3A_383 = tpu.memref_slice %arg7[%sub3A_381, %dma_wait3A_382] : memref<125x80xi32, #tpu.memory_space<vmem>> -> memref<1x80xi32, #tpu.memory_space<vmem>>
      %dma_wait3A_384 = tpu.memref_squeeze %dma_wait3A_383 : memref<1x80xi32, #tpu.memory_space<vmem>> -> memref<80xi32, #tpu.memory_space<vmem>>
      %dma_wait3A_385 = arith.constant 0 : i32
      %dma_wait3A_386 = arith.constant 0 : i32
      %dma_wait3A_387 = tpu.memref_slice %arg12[%dma_wait3A_385, %dma_wait3A_386] : memref<10240x16xf32, #tpu.memory_space<vmem_shared>> -> memref<10240x16xf32, #tpu.memory_space<vmem_shared>>
      tpu.wait_indirect_dma semaphore(%arg19 : memref<!tpu.dma_semaphore, #tpu.memory_space<semaphore_mem>>) src(%arg10 : memref<80x16xf32, #tpu.memory_space<vmem>>) dst(%dma_wait3A_387 : memref<10240x16xf32, #tpu.memory_space<vmem_shared>>)
      %dma_start3A_388 = arith.constant 0 : i32
      %dma_start3A_389 = tpu.memref_slice %arg6[%add3A_379, %dma_start3A_388] : memref<125x80xi32, #tpu.memory_space<vmem>> -> memref<1x80xi32, #tpu.memory_space<vmem>>
      %dma_start3A_390 = tpu.memref_squeeze %dma_start3A_389 : memref<1x80xi32, #tpu.memory_space<vmem>> -> memref<80xi32, #tpu.memory_space<vmem>>
      %dma_start3A_391 = arith.constant 0 : i32
      %dma_start3A_392 = arith.constant 0 : i32
      %dma_start3A_393 = tpu.memref_slice %arg2[%dma_start3A_391, %dma_start3A_392] : memref<10000x16xf32, #tpu.memory_space<hbm>> -> memref<10000x16xf32, #tpu.memory_space<hbm>>
      tpu.enqueue_indirect_dma source(%dma_start3A_393 : memref<10000x16xf32, #tpu.memory_space<hbm>>) target(%arg10 : memref<80x16xf32, #tpu.memory_space<vmem>>) offsets(%dma_start3A_390 : memref<80xi32, #tpu.memory_space<vmem>>) semaphore(%arg15 : memref<!tpu.dma_semaphore, #tpu.memory_space<semaphore_mem>>)
      %add3A_394 = arith.constant 3 : i32
      %add3A_395 = arith.addi %add3A_304, %add3A_394 : i32
      %dma_wait3A_396 = arith.constant 0 : i32
      %dma_wait3A_397 = tpu.memref_slice %arg6[%add3A_395, %dma_wait3A_396] : memref<125x80xi32, #tpu.memory_space<vmem>> -> memref<1x80xi32, #tpu.memory_space<vmem>>
      %dma_wait3A_398 = tpu.memref_squeeze %dma_wait3A_397 : memref<1x80xi32, #tpu.memory_space<vmem>> -> memref<80xi32, #tpu.memory_space<vmem>>
      %dma_wait3A_399 = arith.constant 0 : i32
      %dma_wait3A_400 = arith.constant 0 : i32
      %dma_wait3A_401 = tpu.memref_slice %arg2[%dma_wait3A_399, %dma_wait3A_400] : memref<10000x16xf32, #tpu.memory_space<hbm>> -> memref<10000x16xf32, #tpu.memory_space<hbm>>
      tpu.wait_indirect_dma semaphore(%arg14 : memref<!tpu.dma_semaphore, #tpu.memory_space<semaphore_mem>>) src(%dma_wait3A_401 : memref<10000x16xf32, #tpu.memory_space<hbm>>) dst(%arg9 : memref<80x16xf32, #tpu.memory_space<vmem>>)
      %dma_start3A_402 = arith.constant 0 : i32
      %dma_start3A_403 = tpu.memref_slice %arg7[%add3A_395, %dma_start3A_402] : memref<125x80xi32, #tpu.memory_space<vmem>> -> memref<1x80xi32, #tpu.memory_space<vmem>>
      %dma_start3A_404 = tpu.memref_squeeze %dma_start3A_403 : memref<1x80xi32, #tpu.memory_space<vmem>> -> memref<80xi32, #tpu.memory_space<vmem>>
      %dma_start3A_405 = arith.constant 0 : i32
      %dma_start3A_406 = arith.constant 0 : i32
      %dma_start3A_407 = tpu.memref_slice %arg12[%dma_start3A_405, %dma_start3A_406] : memref<10240x16xf32, #tpu.memory_space<vmem_shared>> -> memref<10240x16xf32, #tpu.memory_space<vmem_shared>>
      tpu.enqueue_indirect_dma source(%arg9 : memref<80x16xf32, #tpu.memory_space<vmem>>) target(%dma_start3A_407 : memref<10240x16xf32, #tpu.memory_space<vmem_shared>>) offsets(%dma_start3A_404 : memref<80xi32, #tpu.memory_space<vmem>>) semaphore(%arg18 : memref<!tpu.dma_semaphore, #tpu.memory_space<semaphore_mem>>) {add = true}
      %add3A_408 = arith.constant 2 : i32
      %add3A_409 = arith.addi %add3A_395, %add3A_408 : i32
      %sub3A_410 = arith.constant 4 : i32
      %sub3A_411 = arith.subi %add3A_409, %sub3A_410 : i32
      %dma_wait3A_412 = arith.constant 0 : i32
      %dma_wait3A_413 = tpu.memref_slice %arg7[%sub3A_411, %dma_wait3A_412] : memref<125x80xi32, #tpu.memory_space<vmem>> -> memref<1x80xi32, #tpu.memory_space<vmem>>
      %dma_wait3A_414 = tpu.memref_squeeze %dma_wait3A_413 : memref<1x80xi32, #tpu.memory_space<vmem>> -> memref<80xi32, #tpu.memory_space<vmem>>
      %dma_wait3A_415 = arith.constant 0 : i32
      %dma_wait3A_416 = arith.constant 0 : i32
      %dma_wait3A_417 = tpu.memref_slice %arg12[%dma_wait3A_415, %dma_wait3A_416] : memref<10240x16xf32, #tpu.memory_space<vmem_shared>> -> memref<10240x16xf32, #tpu.memory_space<vmem_shared>>
      tpu.wait_indirect_dma semaphore(%arg20 : memref<!tpu.dma_semaphore, #tpu.memory_space<semaphore_mem>>) src(%arg11 : memref<80x16xf32, #tpu.memory_space<vmem>>) dst(%dma_wait3A_417 : memref<10240x16xf32, #tpu.memory_space<vmem_shared>>)
      %dma_start3A_418 = arith.constant 0 : i32
      %dma_start3A_419 = tpu.memref_slice %arg6[%add3A_409, %dma_start3A_418] : memref<125x80xi32, #tpu.memory_space<vmem>> -> memref<1x80xi32, #tpu.memory_space<vmem>>
      %dma_start3A_420 = tpu.memref_squeeze %dma_start3A_419 : memref<1x80xi32, #tpu.memory_space<vmem>> -> memref<80xi32, #tpu.memory_space<vmem>>
      %dma_start3A_421 = arith.constant 0 : i32
      %dma_start3A_422 = arith.constant 0 : i32
      %dma_start3A_423 = tpu.memref_slice %arg2[%dma_start3A_421, %dma_start3A_422] : memref<10000x16xf32, #tpu.memory_space<hbm>> -> memref<10000x16xf32, #tpu.memory_space<hbm>>
      tpu.enqueue_indirect_dma source(%dma_start3A_423 : memref<10000x16xf32, #tpu.memory_space<hbm>>) target(%arg11 : memref<80x16xf32, #tpu.memory_space<vmem>>) offsets(%dma_start3A_420 : memref<80xi32, #tpu.memory_space<vmem>>) semaphore(%arg16 : memref<!tpu.dma_semaphore, #tpu.memory_space<semaphore_mem>>)
    }
    %scan3A_99 = arith.constant 29 : i32
    %dma_wait3A_100 = arith.constant 118 : i32
    %dma_wait3A_101 = arith.constant 0 : i32
    %dma_wait3A_102 = tpu.memref_slice %arg6[%dma_wait3A_100, %dma_wait3A_101] : memref<125x80xi32, #tpu.memory_space<vmem>> -> memref<1x80xi32, #tpu.memory_space<vmem>>
    %dma_wait3A_103 = tpu.memref_squeeze %dma_wait3A_102 : memref<1x80xi32, #tpu.memory_space<vmem>> -> memref<80xi32, #tpu.memory_space<vmem>>
    %dma_wait3A_104 = arith.constant 0 : i32
    %dma_wait3A_105 = arith.constant 0 : i32
    %dma_wait3A_106 = tpu.memref_slice %arg2[%dma_wait3A_104, %dma_wait3A_105] : memref<10000x16xf32, #tpu.memory_space<hbm>> -> memref<10000x16xf32, #tpu.memory_space<hbm>>
    tpu.wait_indirect_dma semaphore(%arg15 : memref<!tpu.dma_semaphore, #tpu.memory_space<semaphore_mem>>) src(%dma_wait3A_106 : memref<10000x16xf32, #tpu.memory_space<hbm>>) dst(%arg10 : memref<80x16xf32, #tpu.memory_space<vmem>>)
    %dma_start3A_107 = arith.constant 118 : i32
    %dma_start3A_108 = arith.constant 0 : i32
    %dma_start3A_109 = tpu.memref_slice %arg7[%dma_start3A_107, %dma_start3A_108] : memref<125x80xi32, #tpu.memory_space<vmem>> -> memref<1x80xi32, #tpu.memory_space<vmem>>
    %dma_start3A_110 = tpu.memref_squeeze %dma_start3A_109 : memref<1x80xi32, #tpu.memory_space<vmem>> -> memref<80xi32, #tpu.memory_space<vmem>>
    %dma_start3A_111 = arith.constant 0 : i32
    %dma_start3A_112 = arith.constant 0 : i32
    %dma_start3A_113 = tpu.memref_slice %arg12[%dma_start3A_111, %dma_start3A_112] : memref<10240x16xf32, #tpu.memory_space<vmem_shared>> -> memref<10240x16xf32, #tpu.memory_space<vmem_shared>>
    tpu.enqueue_indirect_dma source(%arg10 : memref<80x16xf32, #tpu.memory_space<vmem>>) target(%dma_start3A_113 : memref<10240x16xf32, #tpu.memory_space<vmem_shared>>) offsets(%dma_start3A_110 : memref<80xi32, #tpu.memory_space<vmem>>) semaphore(%arg19 : memref<!tpu.dma_semaphore, #tpu.memory_space<semaphore_mem>>) {add = true}
    %dma_wait3A_114 = arith.constant 116 : i32
    %dma_wait3A_115 = arith.constant 0 : i32
    %dma_wait3A_116 = tpu.memref_slice %arg7[%dma_wait3A_114, %dma_wait3A_115] : memref<125x80xi32, #tpu.memory_space<vmem>> -> memref<1x80xi32, #tpu.memory_space<vmem>>
    %dma_wait3A_117 = tpu.memref_squeeze %dma_wait3A_116 : memref<1x80xi32, #tpu.memory_space<vmem>> -> memref<80xi32, #tpu.memory_space<vmem>>
    %dma_wait3A_118 = arith.constant 0 : i32
    %dma_wait3A_119 = arith.constant 0 : i32
    %dma_wait3A_120 = tpu.memref_slice %arg12[%dma_wait3A_118, %dma_wait3A_119] : memref<10240x16xf32, #tpu.memory_space<vmem_shared>> -> memref<10240x16xf32, #tpu.memory_space<vmem_shared>>
    tpu.wait_indirect_dma semaphore(%arg17 : memref<!tpu.dma_semaphore, #tpu.memory_space<semaphore_mem>>) src(%arg8 : memref<80x16xf32, #tpu.memory_space<vmem>>) dst(%dma_wait3A_120 : memref<10240x16xf32, #tpu.memory_space<vmem_shared>>)
    %dma_start3A_121 = arith.constant 120 : i32
    %dma_start3A_122 = arith.constant 0 : i32
    %dma_start3A_123 = tpu.memref_slice %arg6[%dma_start3A_121, %dma_start3A_122] : memref<125x80xi32, #tpu.memory_space<vmem>> -> memref<1x80xi32, #tpu.memory_space<vmem>>
    %dma_start3A_124 = tpu.memref_squeeze %dma_start3A_123 : memref<1x80xi32, #tpu.memory_space<vmem>> -> memref<80xi32, #tpu.memory_space<vmem>>
    %dma_start3A_125 = arith.constant 0 : i32
    %dma_start3A_126 = arith.constant 0 : i32
    %dma_start3A_127 = tpu.memref_slice %arg2[%dma_start3A_125, %dma_start3A_126] : memref<10000x16xf32, #tpu.memory_space<hbm>> -> memref<10000x16xf32, #tpu.memory_space<hbm>>
    tpu.enqueue_indirect_dma source(%dma_start3A_127 : memref<10000x16xf32, #tpu.memory_space<hbm>>) target(%arg8 : memref<80x16xf32, #tpu.memory_space<vmem>>) offsets(%dma_start3A_124 : memref<80xi32, #tpu.memory_space<vmem>>) semaphore(%arg13 : memref<!tpu.dma_semaphore, #tpu.memory_space<semaphore_mem>>)
    %dma_wait3A_128 = arith.constant 119 : i32
    %dma_wait3A_129 = arith.constant 0 : i32
    %dma_wait3A_130 = tpu.memref_slice %arg6[%dma_wait3A_128, %dma_wait3A_129] : memref<125x80xi32, #tpu.memory_space<vmem>> -> memref<1x80xi32, #tpu.memory_space<vmem>>
    %dma_wait3A_131 = tpu.memref_squeeze %dma_wait3A_130 : memref<1x80xi32, #tpu.memory_space<vmem>> -> memref<80xi32, #tpu.memory_space<vmem>>
    %dma_wait3A_132 = arith.constant 0 : i32
    %dma_wait3A_133 = arith.constant 0 : i32
    %dma_wait3A_134 = tpu.memref_slice %arg2[%dma_wait3A_132, %dma_wait3A_133] : memref<10000x16xf32, #tpu.memory_space<hbm>> -> memref<10000x16xf32, #tpu.memory_space<hbm>>
    tpu.wait_indirect_dma semaphore(%arg16 : memref<!tpu.dma_semaphore, #tpu.memory_space<semaphore_mem>>) src(%dma_wait3A_134 : memref<10000x16xf32, #tpu.memory_space<hbm>>) dst(%arg11 : memref<80x16xf32, #tpu.memory_space<vmem>>)
    %dma_start3A_135 = arith.constant 119 : i32
    %dma_start3A_136 = arith.constant 0 : i32
    %dma_start3A_137 = tpu.memref_slice %arg7[%dma_start3A_135, %dma_start3A_136] : memref<125x80xi32, #tpu.memory_space<vmem>> -> memref<1x80xi32, #tpu.memory_space<vmem>>
    %dma_start3A_138 = tpu.memref_squeeze %dma_start3A_137 : memref<1x80xi32, #tpu.memory_space<vmem>> -> memref<80xi32, #tpu.memory_space<vmem>>
    %dma_start3A_139 = arith.constant 0 : i32
    %dma_start3A_140 = arith.constant 0 : i32
    %dma_start3A_141 = tpu.memref_slice %arg12[%dma_start3A_139, %dma_start3A_140] : memref<10240x16xf32, #tpu.memory_space<vmem_shared>> -> memref<10240x16xf32, #tpu.memory_space<vmem_shared>>
    tpu.enqueue_indirect_dma source(%arg11 : memref<80x16xf32, #tpu.memory_space<vmem>>) target(%dma_start3A_141 : memref<10240x16xf32, #tpu.memory_space<vmem_shared>>) offsets(%dma_start3A_138 : memref<80xi32, #tpu.memory_space<vmem>>) semaphore(%arg20 : memref<!tpu.dma_semaphore, #tpu.memory_space<semaphore_mem>>) {add = true}
    %dma_wait3A_142 = arith.constant 117 : i32
    %dma_wait3A_143 = arith.constant 0 : i32
    %dma_wait3A_144 = tpu.memref_slice %arg7[%dma_wait3A_142, %dma_wait3A_143] : memref<125x80xi32, #tpu.memory_space<vmem>> -> memref<1x80xi32, #tpu.memory_space<vmem>>
    %dma_wait3A_145 = tpu.memref_squeeze %dma_wait3A_144 : memref<1x80xi32, #tpu.memory_space<vmem>> -> memref<80xi32, #tpu.memory_space<vmem>>
    %dma_wait3A_146 = arith.constant 0 : i32
    %dma_wait3A_147 = arith.constant 0 : i32
    %dma_wait3A_148 = tpu.memref_slice %arg12[%dma_wait3A_146, %dma_wait3A_147] : memref<10240x16xf32, #tpu.memory_space<vmem_shared>> -> memref<10240x16xf32, #tpu.memory_space<vmem_shared>>
    tpu.wait_indirect_dma semaphore(%arg18 : memref<!tpu.dma_semaphore, #tpu.memory_space<semaphore_mem>>) src(%arg9 : memref<80x16xf32, #tpu.memory_space<vmem>>) dst(%dma_wait3A_148 : memref<10240x16xf32, #tpu.memory_space<vmem_shared>>)
    %dma_start3A_149 = arith.constant 121 : i32
    %dma_start3A_150 = arith.constant 0 : i32
    %dma_start3A_151 = tpu.memref_slice %arg6[%dma_start3A_149, %dma_start3A_150] : memref<125x80xi32, #tpu.memory_space<vmem>> -> memref<1x80xi32, #tpu.memory_space<vmem>>
    %dma_start3A_152 = tpu.memref_squeeze %dma_start3A_151 : memref<1x80xi32, #tpu.memory_space<vmem>> -> memref<80xi32, #tpu.memory_space<vmem>>
    %dma_start3A_153 = arith.constant 0 : i32
    %dma_start3A_154 = arith.constant 0 : i32
    %dma_start3A_155 = tpu.memref_slice %arg2[%dma_start3A_153, %dma_start3A_154] : memref<10000x16xf32, #tpu.memory_space<hbm>> -> memref<10000x16xf32, #tpu.memory_space<hbm>>
    tpu.enqueue_indirect_dma source(%dma_start3A_155 : memref<10000x16xf32, #tpu.memory_space<hbm>>) target(%arg9 : memref<80x16xf32, #tpu.memory_space<vmem>>) offsets(%dma_start3A_152 : memref<80xi32, #tpu.memory_space<vmem>>) semaphore(%arg14 : memref<!tpu.dma_semaphore, #tpu.memory_space<semaphore_mem>>)
    %dma_wait3A_156 = arith.constant 120 : i32
    %dma_wait3A_157 = arith.constant 0 : i32
    %dma_wait3A_158 = tpu.memref_slice %arg6[%dma_wait3A_156, %dma_wait3A_157] : memref<125x80xi32, #tpu.memory_space<vmem>> -> memref<1x80xi32, #tpu.memory_space<vmem>>
    %dma_wait3A_159 = tpu.memref_squeeze %dma_wait3A_158 : memref<1x80xi32, #tpu.memory_space<vmem>> -> memref<80xi32, #tpu.memory_space<vmem>>
    %dma_wait3A_160 = arith.constant 0 : i32
    %dma_wait3A_161 = arith.constant 0 : i32
    %dma_wait3A_162 = tpu.memref_slice %arg2[%dma_wait3A_160, %dma_wait3A_161] : memref<10000x16xf32, #tpu.memory_space<hbm>> -> memref<10000x16xf32, #tpu.memory_space<hbm>>
    tpu.wait_indirect_dma semaphore(%arg13 : memref<!tpu.dma_semaphore, #tpu.memory_space<semaphore_mem>>) src(%dma_wait3A_162 : memref<10000x16xf32, #tpu.memory_space<hbm>>) dst(%arg8 : memref<80x16xf32, #tpu.memory_space<vmem>>)
    %dma_start3A_163 = arith.constant 120 : i32
    %dma_start3A_164 = arith.constant 0 : i32
    %dma_start3A_165 = tpu.memref_slice %arg7[%dma_start3A_163, %dma_start3A_164] : memref<125x80xi32, #tpu.memory_space<vmem>> -> memref<1x80xi32, #tpu.memory_space<vmem>>
    %dma_start3A_166 = tpu.memref_squeeze %dma_start3A_165 : memref<1x80xi32, #tpu.memory_space<vmem>> -> memref<80xi32, #tpu.memory_space<vmem>>
    %dma_start3A_167 = arith.constant 0 : i32
    %dma_start3A_168 = arith.constant 0 : i32
    %dma_start3A_169 = tpu.memref_slice %arg12[%dma_start3A_167, %dma_start3A_168] : memref<10240x16xf32, #tpu.memory_space<vmem_shared>> -> memref<10240x16xf32, #tpu.memory_space<vmem_shared>>
    tpu.enqueue_indirect_dma source(%arg8 : memref<80x16xf32, #tpu.memory_space<vmem>>) target(%dma_start3A_169 : memref<10240x16xf32, #tpu.memory_space<vmem_shared>>) offsets(%dma_start3A_166 : memref<80xi32, #tpu.memory_space<vmem>>) semaphore(%arg17 : memref<!tpu.dma_semaphore, #tpu.memory_space<semaphore_mem>>) {add = true}
    %dma_wait3A_170 = arith.constant 118 : i32
    %dma_wait3A_171 = arith.constant 0 : i32
    %dma_wait3A_172 = tpu.memref_slice %arg7[%dma_wait3A_170, %dma_wait3A_171] : memref<125x80xi32, #tpu.memory_space<vmem>> -> memref<1x80xi32, #tpu.memory_space<vmem>>
    %dma_wait3A_173 = tpu.memref_squeeze %dma_wait3A_172 : memref<1x80xi32, #tpu.memory_space<vmem>> -> memref<80xi32, #tpu.memory_space<vmem>>
    %dma_wait3A_174 = arith.constant 0 : i32
    %dma_wait3A_175 = arith.constant 0 : i32
    %dma_wait3A_176 = tpu.memref_slice %arg12[%dma_wait3A_174, %dma_wait3A_175] : memref<10240x16xf32, #tpu.memory_space<vmem_shared>> -> memref<10240x16xf32, #tpu.memory_space<vmem_shared>>
    tpu.wait_indirect_dma semaphore(%arg19 : memref<!tpu.dma_semaphore, #tpu.memory_space<semaphore_mem>>) src(%arg10 : memref<80x16xf32, #tpu.memory_space<vmem>>) dst(%dma_wait3A_176 : memref<10240x16xf32, #tpu.memory_space<vmem_shared>>)
    %dma_start3A_177 = arith.constant 122 : i32
    %dma_start3A_178 = arith.constant 0 : i32
    %dma_start3A_179 = tpu.memref_slice %arg6[%dma_start3A_177, %dma_start3A_178] : memref<125x80xi32, #tpu.memory_space<vmem>> -> memref<1x80xi32, #tpu.memory_space<vmem>>
    %dma_start3A_180 = tpu.memref_squeeze %dma_start3A_179 : memref<1x80xi32, #tpu.memory_space<vmem>> -> memref<80xi32, #tpu.memory_space<vmem>>
    %dma_start3A_181 = arith.constant 0 : i32
    %dma_start3A_182 = arith.constant 0 : i32
    %dma_start3A_183 = tpu.memref_slice %arg2[%dma_start3A_181, %dma_start3A_182] : memref<10000x16xf32, #tpu.memory_space<hbm>> -> memref<10000x16xf32, #tpu.memory_space<hbm>>
    tpu.enqueue_indirect_dma source(%dma_start3A_183 : memref<10000x16xf32, #tpu.memory_space<hbm>>) target(%arg10 : memref<80x16xf32, #tpu.memory_space<vmem>>) offsets(%dma_start3A_180 : memref<80xi32, #tpu.memory_space<vmem>>) semaphore(%arg15 : memref<!tpu.dma_semaphore, #tpu.memory_space<semaphore_mem>>)
    %dma_wait3A_184 = arith.constant 121 : i32
    %dma_wait3A_185 = arith.constant 0 : i32
    %dma_wait3A_186 = tpu.memref_slice %arg6[%dma_wait3A_184, %dma_wait3A_185] : memref<125x80xi32, #tpu.memory_space<vmem>> -> memref<1x80xi32, #tpu.memory_space<vmem>>
    %dma_wait3A_187 = tpu.memref_squeeze %dma_wait3A_186 : memref<1x80xi32, #tpu.memory_space<vmem>> -> memref<80xi32, #tpu.memory_space<vmem>>
    %dma_wait3A_188 = arith.constant 0 : i32
    %dma_wait3A_189 = arith.constant 0 : i32
    %dma_wait3A_190 = tpu.memref_slice %arg2[%dma_wait3A_188, %dma_wait3A_189] : memref<10000x16xf32, #tpu.memory_space<hbm>> -> memref<10000x16xf32, #tpu.memory_space<hbm>>
    tpu.wait_indirect_dma semaphore(%arg14 : memref<!tpu.dma_semaphore, #tpu.memory_space<semaphore_mem>>) src(%dma_wait3A_190 : memref<10000x16xf32, #tpu.memory_space<hbm>>) dst(%arg9 : memref<80x16xf32, #tpu.memory_space<vmem>>)
    %dma_start3A_191 = arith.constant 121 : i32
    %dma_start3A_192 = arith.constant 0 : i32
    %dma_start3A_193 = tpu.memref_slice %arg7[%dma_start3A_191, %dma_start3A_192] : memref<125x80xi32, #tpu.memory_space<vmem>> -> memref<1x80xi32, #tpu.memory_space<vmem>>
    %dma_start3A_194 = tpu.memref_squeeze %dma_start3A_193 : memref<1x80xi32, #tpu.memory_space<vmem>> -> memref<80xi32, #tpu.memory_space<vmem>>
    %dma_start3A_195 = arith.constant 0 : i32
    %dma_start3A_196 = arith.constant 0 : i32
    %dma_start3A_197 = tpu.memref_slice %arg12[%dma_start3A_195, %dma_start3A_196] : memref<10240x16xf32, #tpu.memory_space<vmem_shared>> -> memref<10240x16xf32, #tpu.memory_space<vmem_shared>>
    tpu.enqueue_indirect_dma source(%arg9 : memref<80x16xf32, #tpu.memory_space<vmem>>) target(%dma_start3A_197 : memref<10240x16xf32, #tpu.memory_space<vmem_shared>>) offsets(%dma_start3A_194 : memref<80xi32, #tpu.memory_space<vmem>>) semaphore(%arg18 : memref<!tpu.dma_semaphore, #tpu.memory_space<semaphore_mem>>) {add = true}
    %dma_wait3A_198 = arith.constant 119 : i32
    %dma_wait3A_199 = arith.constant 0 : i32
    %dma_wait3A_200 = tpu.memref_slice %arg7[%dma_wait3A_198, %dma_wait3A_199] : memref<125x80xi32, #tpu.memory_space<vmem>> -> memref<1x80xi32, #tpu.memory_space<vmem>>
    %dma_wait3A_201 = tpu.memref_squeeze %dma_wait3A_200 : memref<1x80xi32, #tpu.memory_space<vmem>> -> memref<80xi32, #tpu.memory_space<vmem>>
    %dma_wait3A_202 = arith.constant 0 : i32
    %dma_wait3A_203 = arith.constant 0 : i32
    %dma_wait3A_204 = tpu.memref_slice %arg12[%dma_wait3A_202, %dma_wait3A_203] : memref<10240x16xf32, #tpu.memory_space<vmem_shared>> -> memref<10240x16xf32, #tpu.memory_space<vmem_shared>>
    tpu.wait_indirect_dma semaphore(%arg20 : memref<!tpu.dma_semaphore, #tpu.memory_space<semaphore_mem>>) src(%arg11 : memref<80x16xf32, #tpu.memory_space<vmem>>) dst(%dma_wait3A_204 : memref<10240x16xf32, #tpu.memory_space<vmem_shared>>)
    %dma_start3A_205 = arith.constant 123 : i32
    %dma_start3A_206 = arith.constant 0 : i32
    %dma_start3A_207 = tpu.memref_slice %arg6[%dma_start3A_205, %dma_start3A_206] : memref<125x80xi32, #tpu.memory_space<vmem>> -> memref<1x80xi32, #tpu.memory_space<vmem>>
    %dma_start3A_208 = tpu.memref_squeeze %dma_start3A_207 : memref<1x80xi32, #tpu.memory_space<vmem>> -> memref<80xi32, #tpu.memory_space<vmem>>
    %dma_start3A_209 = arith.constant 0 : i32
    %dma_start3A_210 = arith.constant 0 : i32
    %dma_start3A_211 = tpu.memref_slice %arg2[%dma_start3A_209, %dma_start3A_210] : memref<10000x16xf32, #tpu.memory_space<hbm>> -> memref<10000x16xf32, #tpu.memory_space<hbm>>
    tpu.enqueue_indirect_dma source(%dma_start3A_211 : memref<10000x16xf32, #tpu.memory_space<hbm>>) target(%arg11 : memref<80x16xf32, #tpu.memory_space<vmem>>) offsets(%dma_start3A_208 : memref<80xi32, #tpu.memory_space<vmem>>) semaphore(%arg16 : memref<!tpu.dma_semaphore, #tpu.memory_space<semaphore_mem>>)
    %dma_wait3A_212 = arith.constant 122 : i32
    %dma_wait3A_213 = arith.constant 0 : i32
    %dma_wait3A_214 = tpu.memref_slice %arg6[%dma_wait3A_212, %dma_wait3A_213] : memref<125x80xi32, #tpu.memory_space<vmem>> -> memref<1x80xi32, #tpu.memory_space<vmem>>
    %dma_wait3A_215 = tpu.memref_squeeze %dma_wait3A_214 : memref<1x80xi32, #tpu.memory_space<vmem>> -> memref<80xi32, #tpu.memory_space<vmem>>
    %dma_wait3A_216 = arith.constant 0 : i32
    %dma_wait3A_217 = arith.constant 0 : i32
    %dma_wait3A_218 = tpu.memref_slice %arg2[%dma_wait3A_216, %dma_wait3A_217] : memref<10000x16xf32, #tpu.memory_space<hbm>> -> memref<10000x16xf32, #tpu.memory_space<hbm>>
    tpu.wait_indirect_dma semaphore(%arg15 : memref<!tpu.dma_semaphore, #tpu.memory_space<semaphore_mem>>) src(%dma_wait3A_218 : memref<10000x16xf32, #tpu.memory_space<hbm>>) dst(%arg10 : memref<80x16xf32, #tpu.memory_space<vmem>>)
    %dma_start3A_219 = arith.constant 122 : i32
    %dma_start3A_220 = arith.constant 0 : i32
    %dma_start3A_221 = tpu.memref_slice %arg7[%dma_start3A_219, %dma_start3A_220] : memref<125x80xi32, #tpu.memory_space<vmem>> -> memref<1x80xi32, #tpu.memory_space<vmem>>
    %dma_start3A_222 = tpu.memref_squeeze %dma_start3A_221 : memref<1x80xi32, #tpu.memory_space<vmem>> -> memref<80xi32, #tpu.memory_space<vmem>>
    %dma_start3A_223 = arith.constant 0 : i32
    %dma_start3A_224 = arith.constant 0 : i32
    %dma_start3A_225 = tpu.memref_slice %arg12[%dma_start3A_223, %dma_start3A_224] : memref<10240x16xf32, #tpu.memory_space<vmem_shared>> -> memref<10240x16xf32, #tpu.memory_space<vmem_shared>>
    tpu.enqueue_indirect_dma source(%arg10 : memref<80x16xf32, #tpu.memory_space<vmem>>) target(%dma_start3A_225 : memref<10240x16xf32, #tpu.memory_space<vmem_shared>>) offsets(%dma_start3A_222 : memref<80xi32, #tpu.memory_space<vmem>>) semaphore(%arg19 : memref<!tpu.dma_semaphore, #tpu.memory_space<semaphore_mem>>) {add = true}
    %dma_wait3A_226 = arith.constant 120 : i32
    %dma_wait3A_227 = arith.constant 0 : i32
    %dma_wait3A_228 = tpu.memref_slice %arg7[%dma_wait3A_226, %dma_wait3A_227] : memref<125x80xi32, #tpu.memory_space<vmem>> -> memref<1x80xi32, #tpu.memory_space<vmem>>
    %dma_wait3A_229 = tpu.memref_squeeze %dma_wait3A_228 : memref<1x80xi32, #tpu.memory_space<vmem>> -> memref<80xi32, #tpu.memory_space<vmem>>
    %dma_wait3A_230 = arith.constant 0 : i32
    %dma_wait3A_231 = arith.constant 0 : i32
    %dma_wait3A_232 = tpu.memref_slice %arg12[%dma_wait3A_230, %dma_wait3A_231] : memref<10240x16xf32, #tpu.memory_space<vmem_shared>> -> memref<10240x16xf32, #tpu.memory_space<vmem_shared>>
    tpu.wait_indirect_dma semaphore(%arg17 : memref<!tpu.dma_semaphore, #tpu.memory_space<semaphore_mem>>) src(%arg8 : memref<80x16xf32, #tpu.memory_space<vmem>>) dst(%dma_wait3A_232 : memref<10240x16xf32, #tpu.memory_space<vmem_shared>>)
    %dma_start3A_233 = arith.constant 124 : i32
    %dma_start3A_234 = arith.constant 0 : i32
    %dma_start3A_235 = tpu.memref_slice %arg6[%dma_start3A_233, %dma_start3A_234] : memref<125x80xi32, #tpu.memory_space<vmem>> -> memref<1x80xi32, #tpu.memory_space<vmem>>
    %dma_start3A_236 = tpu.memref_squeeze %dma_start3A_235 : memref<1x80xi32, #tpu.memory_space<vmem>> -> memref<80xi32, #tpu.memory_space<vmem>>
    %dma_start3A_237 = arith.constant 0 : i32
    %dma_start3A_238 = arith.constant 0 : i32
    %dma_start3A_239 = tpu.memref_slice %arg2[%dma_start3A_237, %dma_start3A_238] : memref<10000x16xf32, #tpu.memory_space<hbm>> -> memref<10000x16xf32, #tpu.memory_space<hbm>>
    tpu.enqueue_indirect_dma source(%dma_start3A_239 : memref<10000x16xf32, #tpu.memory_space<hbm>>) target(%arg8 : memref<80x16xf32, #tpu.memory_space<vmem>>) offsets(%dma_start3A_236 : memref<80xi32, #tpu.memory_space<vmem>>) semaphore(%arg13 : memref<!tpu.dma_semaphore, #tpu.memory_space<semaphore_mem>>)
    %dma_wait3A_240 = arith.constant 123 : i32
    %dma_wait3A_241 = arith.constant 0 : i32
    %dma_wait3A_242 = tpu.memref_slice %arg6[%dma_wait3A_240, %dma_wait3A_241] : memref<125x80xi32, #tpu.memory_space<vmem>> -> memref<1x80xi32, #tpu.memory_space<vmem>>
    %dma_wait3A_243 = tpu.memref_squeeze %dma_wait3A_242 : memref<1x80xi32, #tpu.memory_space<vmem>> -> memref<80xi32, #tpu.memory_space<vmem>>
    %dma_wait3A_244 = arith.constant 0 : i32
    %dma_wait3A_245 = arith.constant 0 : i32
    %dma_wait3A_246 = tpu.memref_slice %arg2[%dma_wait3A_244, %dma_wait3A_245] : memref<10000x16xf32, #tpu.memory_space<hbm>> -> memref<10000x16xf32, #tpu.memory_space<hbm>>
    tpu.wait_indirect_dma semaphore(%arg16 : memref<!tpu.dma_semaphore, #tpu.memory_space<semaphore_mem>>) src(%dma_wait3A_246 : memref<10000x16xf32, #tpu.memory_space<hbm>>) dst(%arg11 : memref<80x16xf32, #tpu.memory_space<vmem>>)
    %dma_start3A_247 = arith.constant 123 : i32
    %dma_start3A_248 = arith.constant 0 : i32
    %dma_start3A_249 = tpu.memref_slice %arg7[%dma_start3A_247, %dma_start3A_248] : memref<125x80xi32, #tpu.memory_space<vmem>> -> memref<1x80xi32, #tpu.memory_space<vmem>>
    %dma_start3A_250 = tpu.memref_squeeze %dma_start3A_249 : memref<1x80xi32, #tpu.memory_space<vmem>> -> memref<80xi32, #tpu.memory_space<vmem>>
    %dma_start3A_251 = arith.constant 0 : i32
    %dma_start3A_252 = arith.constant 0 : i32
    %dma_start3A_253 = tpu.memref_slice %arg12[%dma_start3A_251, %dma_start3A_252] : memref<10240x16xf32, #tpu.memory_space<vmem_shared>> -> memref<10240x16xf32, #tpu.memory_space<vmem_shared>>
    tpu.enqueue_indirect_dma source(%arg11 : memref<80x16xf32, #tpu.memory_space<vmem>>) target(%dma_start3A_253 : memref<10240x16xf32, #tpu.memory_space<vmem_shared>>) offsets(%dma_start3A_250 : memref<80xi32, #tpu.memory_space<vmem>>) semaphore(%arg20 : memref<!tpu.dma_semaphore, #tpu.memory_space<semaphore_mem>>) {add = true}
    %dma_wait3A_254 = arith.constant 124 : i32
    %dma_wait3A_255 = arith.constant 0 : i32
    %dma_wait3A_256 = tpu.memref_slice %arg6[%dma_wait3A_254, %dma_wait3A_255] : memref<125x80xi32, #tpu.memory_space<vmem>> -> memref<1x80xi32, #tpu.memory_space<vmem>>
    %dma_wait3A_257 = tpu.memref_squeeze %dma_wait3A_256 : memref<1x80xi32, #tpu.memory_space<vmem>> -> memref<80xi32, #tpu.memory_space<vmem>>
    %dma_wait3A_258 = arith.constant 0 : i32
    %dma_wait3A_259 = arith.constant 0 : i32
    %dma_wait3A_260 = tpu.memref_slice %arg2[%dma_wait3A_258, %dma_wait3A_259] : memref<10000x16xf32, #tpu.memory_space<hbm>> -> memref<10000x16xf32, #tpu.memory_space<hbm>>
    tpu.wait_indirect_dma semaphore(%arg13 : memref<!tpu.dma_semaphore, #tpu.memory_space<semaphore_mem>>) src(%dma_wait3A_260 : memref<10000x16xf32, #tpu.memory_space<hbm>>) dst(%arg8 : memref<80x16xf32, #tpu.memory_space<vmem>>)
    %dma_start3A_261 = arith.constant 124 : i32
    %dma_start3A_262 = arith.constant 0 : i32
    %dma_start3A_263 = tpu.memref_slice %arg7[%dma_start3A_261, %dma_start3A_262] : memref<125x80xi32, #tpu.memory_space<vmem>> -> memref<1x80xi32, #tpu.memory_space<vmem>>
    %dma_start3A_264 = tpu.memref_squeeze %dma_start3A_263 : memref<1x80xi32, #tpu.memory_space<vmem>> -> memref<80xi32, #tpu.memory_space<vmem>>
    %dma_start3A_265 = arith.constant 0 : i32
    %dma_start3A_266 = arith.constant 0 : i32
    %dma_start3A_267 = tpu.memref_slice %arg12[%dma_start3A_265, %dma_start3A_266] : memref<10240x16xf32, #tpu.memory_space<vmem_shared>> -> memref<10240x16xf32, #tpu.memory_space<vmem_shared>>
    tpu.enqueue_indirect_dma source(%arg8 : memref<80x16xf32, #tpu.memory_space<vmem>>) target(%dma_start3A_267 : memref<10240x16xf32, #tpu.memory_space<vmem_shared>>) offsets(%dma_start3A_264 : memref<80xi32, #tpu.memory_space<vmem>>) semaphore(%arg17 : memref<!tpu.dma_semaphore, #tpu.memory_space<semaphore_mem>>) {add = true}
    %dma_wait3A_268 = arith.constant 0 : i32
    %dma_wait3A_269 = arith.constant 0 : i32
    %dma_wait3A_270 = tpu.memref_slice %arg7[%dma_wait3A_268, %dma_wait3A_269] : memref<125x80xi32, #tpu.memory_space<vmem>> -> memref<1x80xi32, #tpu.memory_space<vmem>>
    %dma_wait3A_271 = tpu.memref_squeeze %dma_wait3A_270 : memref<1x80xi32, #tpu.memory_space<vmem>> -> memref<80xi32, #tpu.memory_space<vmem>>
    %dma_wait3A_272 = arith.constant 0 : i32
    %dma_wait3A_273 = arith.constant 0 : i32
    %dma_wait3A_274 = tpu.memref_slice %arg12[%dma_wait3A_272, %dma_wait3A_273] : memref<10240x16xf32, #tpu.memory_space<vmem_shared>> -> memref<10240x16xf32, #tpu.memory_space<vmem_shared>>
    tpu.wait_indirect_dma semaphore(%arg17 : memref<!tpu.dma_semaphore, #tpu.memory_space<semaphore_mem>>) src(%arg8 : memref<80x16xf32, #tpu.memory_space<vmem>>) dst(%dma_wait3A_274 : memref<10240x16xf32, #tpu.memory_space<vmem_shared>>)
    %dma_wait3A_275 = arith.constant 0 : i32
    %dma_wait3A_276 = arith.constant 0 : i32
    %dma_wait3A_277 = tpu.memref_slice %arg7[%dma_wait3A_275, %dma_wait3A_276] : memref<125x80xi32, #tpu.memory_space<vmem>> -> memref<1x80xi32, #tpu.memory_space<vmem>>
    %dma_wait3A_278 = tpu.memref_squeeze %dma_wait3A_277 : memref<1x80xi32, #tpu.memory_space<vmem>> -> memref<80xi32, #tpu.memory_space<vmem>>
    %dma_wait3A_279 = arith.constant 0 : i32
    %dma_wait3A_280 = arith.constant 0 : i32
    %dma_wait3A_281 = tpu.memref_slice %arg12[%dma_wait3A_279, %dma_wait3A_280] : memref<10240x16xf32, #tpu.memory_space<vmem_shared>> -> memref<10240x16xf32, #tpu.memory_space<vmem_shared>>
    tpu.wait_indirect_dma semaphore(%arg18 : memref<!tpu.dma_semaphore, #tpu.memory_space<semaphore_mem>>) src(%arg9 : memref<80x16xf32, #tpu.memory_space<vmem>>) dst(%dma_wait3A_281 : memref<10240x16xf32, #tpu.memory_space<vmem_shared>>)
    %dma_wait3A_282 = arith.constant 0 : i32
    %dma_wait3A_283 = arith.constant 0 : i32
    %dma_wait3A_284 = tpu.memref_slice %arg7[%dma_wait3A_282, %dma_wait3A_283] : memref<125x80xi32, #tpu.memory_space<vmem>> -> memref<1x80xi32, #tpu.memory_space<vmem>>
    %dma_wait3A_285 = tpu.memref_squeeze %dma_wait3A_284 : memref<1x80xi32, #tpu.memory_space<vmem>> -> memref<80xi32, #tpu.memory_space<vmem>>
    %dma_wait3A_286 = arith.constant 0 : i32
    %dma_wait3A_287 = arith.constant 0 : i32
    %dma_wait3A_288 = tpu.memref_slice %arg12[%dma_wait3A_286, %dma_wait3A_287] : memref<10240x16xf32, #tpu.memory_space<vmem_shared>> -> memref<10240x16xf32, #tpu.memory_space<vmem_shared>>
    tpu.wait_indirect_dma semaphore(%arg19 : memref<!tpu.dma_semaphore, #tpu.memory_space<semaphore_mem>>) src(%arg10 : memref<80x16xf32, #tpu.memory_space<vmem>>) dst(%dma_wait3A_288 : memref<10240x16xf32, #tpu.memory_space<vmem_shared>>)
    %dma_wait3A_289 = arith.constant 0 : i32
    %dma_wait3A_290 = arith.constant 0 : i32
    %dma_wait3A_291 = tpu.memref_slice %arg7[%dma_wait3A_289, %dma_wait3A_290] : memref<125x80xi32, #tpu.memory_space<vmem>> -> memref<1x80xi32, #tpu.memory_space<vmem>>
    %dma_wait3A_292 = tpu.memref_squeeze %dma_wait3A_291 : memref<1x80xi32, #tpu.memory_space<vmem>> -> memref<80xi32, #tpu.memory_space<vmem>>
    %dma_wait3A_293 = arith.constant 0 : i32
    %dma_wait3A_294 = arith.constant 0 : i32
    %dma_wait3A_295 = tpu.memref_slice %arg12[%dma_wait3A_293, %dma_wait3A_294] : memref<10240x16xf32, #tpu.memory_space<vmem_shared>> -> memref<10240x16xf32, #tpu.memory_space<vmem_shared>>
    tpu.wait_indirect_dma semaphore(%arg20 : memref<!tpu.dma_semaphore, #tpu.memory_space<semaphore_mem>>) src(%arg11 : memref<80x16xf32, #tpu.memory_space<vmem>>) dst(%dma_wait3A_295 : memref<10240x16xf32, #tpu.memory_space<vmem_shared>>)
    %barrier3A_296 = arith.constant 0 : index
    tpu.barrier barrier_id(%barrier3A_296)
    %mul3A_297 = arith.constant 10240 : i32
    %mul3A_298 = arith.muli %arg0, %mul3A_297 : i32
    %add3A_299 = arith.addi %mul3A_298, %mul3A_0 : i32
    "tpu.region"() ({
      %run_scoped3A = tpu.sem_alloc : memref<!tpu.dma_semaphore, #tpu.memory_space<semaphore_mem>>
      %dma_start3A_300 = arith.constant 0 : i32
      %dma_start3A_301 = tpu.memref_slice %arg5[%add3A_299, %dma_start3A_300] : memref<20480x16xf32, #tpu.memory_space<hbm>> -> memref<640x16xf32, #tpu.memory_space<hbm>>
      %dma_start3A_302 = arith.constant 0 : i32
      %dma_start3A_303 = tpu.memref_slice %arg12[%mul3A_0, %dma_start3A_302] : memref<10240x16xf32, #tpu.memory_space<vmem_shared>> -> memref<640x16xf32, #tpu.memory_space<vmem_shared>>
      tpu.enqueue_dma source(%dma_start3A_303 : memref<640x16xf32, #tpu.memory_space<vmem_shared>>) target(%dma_start3A_301 : memref<640x16xf32, #tpu.memory_space<hbm>>) target_semaphore(%run_scoped3A : memref<!tpu.dma_semaphore, #tpu.memory_space<semaphore_mem>>)
      %dma_wait3A_304 = arith.constant 0 : i32
      %dma_wait3A_305 = tpu.memref_slice %arg5[%add3A_299, %dma_wait3A_304] : memref<20480x16xf32, #tpu.memory_space<hbm>> -> memref<640x16xf32, #tpu.memory_space<hbm>>
      %dma_wait3A_306 = arith.constant 0 : i32
      %dma_wait3A_307 = tpu.memref_slice %arg12[%mul3A_0, %dma_wait3A_306] : memref<10240x16xf32, #tpu.memory_space<vmem_shared>> -> memref<640x16xf32, #tpu.memory_space<vmem_shared>>
      tpu.wait_dma2 semaphore(%run_scoped3A : memref<!tpu.dma_semaphore, #tpu.memory_space<semaphore_mem>>) src(%dma_wait3A_307 : memref<640x16xf32, #tpu.memory_space<vmem_shared>>) dst(%dma_wait3A_305 : memref<640x16xf32, #tpu.memory_space<hbm>>)
      tpu.yield
    }) : () -> ()
    return
  }
}

#map = affine_map<(d0, d1) -> (0, 0)>
#map1 = affine_map<(d0, d1) -> (0, 0, 0)>
module attributes {stable_mosaic.version = 14 : i64} {
  func.func @_mega_body(%arg0: i32, %arg1: i32, %arg2: memref<10240x16xf32, #tpu.memory_space<hbm>>, %arg3: memref<20480x16xf32, #tpu.memory_space<hbm>>, %arg4: memref<2x4000x80xi32, #tpu.memory_space<hbm>>, %arg5: memref<10240x16xf32, #tpu.memory_space<hbm>>, %arg6: memref<2x32xf32, #tpu.memory_space<hbm>>, %arg7: memref<20480x16xf32, #tpu.memory_space<hbm>>, %arg8: memref<125x80xi32, #tpu.memory_space<vmem>>, %arg9: memref<125x80xi32, #tpu.memory_space<vmem>>, %arg10: memref<640x16xf32, #tpu.memory_space<vmem>>, %arg11: memref<640x16xf32, #tpu.memory_space<vmem>>, %arg12: memref<640x16xf32, #tpu.memory_space<vmem>>, %arg13: memref<640x16xf32, #tpu.memory_space<vmem>>, %arg14: memref<640x16xf32, #tpu.memory_space<vmem>>, %arg15: memref<32xf32, #tpu.memory_space<vmem>>, %arg16: memref<16x32xf32, #tpu.memory_space<vmem>>, %arg17: memref<80x16xf32, #tpu.memory_space<vmem>>, %arg18: memref<80x16xf32, #tpu.memory_space<vmem>>, %arg19: memref<80x16xf32, #tpu.memory_space<vmem>>, %arg20: memref<80x16xf32, #tpu.memory_space<vmem>>, %arg21: memref<10240x16xf32, #tpu.memory_space<vmem_shared>>, %arg22: memref<16x32xf32, #tpu.memory_space<vmem_shared>>, %arg23: memref<!tpu.dma_semaphore, #tpu.memory_space<semaphore_mem>>, %arg24: memref<!tpu.dma_semaphore, #tpu.memory_space<semaphore_mem>>, %arg25: memref<!tpu.dma_semaphore, #tpu.memory_space<semaphore_mem>>, %arg26: memref<!tpu.dma_semaphore, #tpu.memory_space<semaphore_mem>>, %arg27: memref<!tpu.dma_semaphore, #tpu.memory_space<semaphore_mem>>, %arg28: memref<!tpu.dma_semaphore, #tpu.memory_space<semaphore_mem>>, %arg29: memref<!tpu.dma_semaphore, #tpu.memory_space<semaphore_mem>>, %arg30: memref<!tpu.dma_semaphore, #tpu.memory_space<semaphore_mem>>) attributes {dimension_semantics = [#tpu.dimension_semantics<core_parallel>, #tpu.dimension_semantics<subcore_parallel>], iteration_bounds = array<i64: 2, 16>, scalar_prefetch = 0 : i64, scratch_operands = 23 : i64, tpu.core_type = #tpu.core_type<sc_vector_subcore>, window_params = [{transform_indices = #map}, {transform_indices = #map}, {transform_indices = #map1}, {transform_indices = #map}, {transform_indices = #map}, {transform_indices = #map}]} {
    %mul3A = arith.constant 640 : i32
    %mul3A_0 = arith.muli %arg1, %mul3A : i32
    %mul3A_1 = arith.constant 16 : i32
    %mul3A_2 = arith.muli %arg0, %mul3A_1 : i32
    %add3A = arith.addi %mul3A_2, %arg1 : i32
    %mul3A_3 = arith.constant 125 : i32
    %mul3A_4 = arith.muli %add3A, %mul3A_3 : i32
    %add3A_5 = arith.constant 10240 : i32
    %add3A_6 = arith.addi %add3A_5, %mul3A_0 : i32
    %dma_start3A = arith.constant 0 : i32
    %dma_start3A_7 = arith.constant 0 : i32
    %dma_start3A_8 = tpu.memref_slice %arg4[%dma_start3A, %mul3A_4, %dma_start3A_7] : memref<2x4000x80xi32, #tpu.memory_space<hbm>> -> memref<1x125x80xi32, #tpu.memory_space<hbm>>
    %dma_start3A_9 = tpu.memref_squeeze %dma_start3A_8 : memref<1x125x80xi32, #tpu.memory_space<hbm>> -> memref<125x80xi32, #tpu.memory_space<hbm>>
    %dma_start3A_10 = arith.constant 0 : i32
    %dma_start3A_11 = tpu.memref_slice %arg4[%dma_start3A, %mul3A_4, %dma_start3A_10] : memref<2x4000x80xi32, #tpu.memory_space<hbm>> -> memref<1x125x80xi32, #tpu.memory_space<hbm>>
    %dma_start3A_12 = tpu.memref_squeeze %dma_start3A_11 : memref<1x125x80xi32, #tpu.memory_space<hbm>> -> memref<125x80xi32, #tpu.memory_space<hbm>>
    tpu.enqueue_dma source(%dma_start3A_12 : memref<125x80xi32, #tpu.memory_space<hbm>>) target(%arg8 : memref<125x80xi32, #tpu.memory_space<vmem>>) target_semaphore(%arg23 : memref<!tpu.dma_semaphore, #tpu.memory_space<semaphore_mem>>)
    %dma_start3A_13 = arith.constant 1 : i32
    %dma_start3A_14 = arith.constant 0 : i32
    %dma_start3A_15 = tpu.memref_slice %arg4[%dma_start3A_13, %mul3A_4, %dma_start3A_14] : memref<2x4000x80xi32, #tpu.memory_space<hbm>> -> memref<1x125x80xi32, #tpu.memory_space<hbm>>
    %dma_start3A_16 = tpu.memref_squeeze %dma_start3A_15 : memref<1x125x80xi32, #tpu.memory_space<hbm>> -> memref<125x80xi32, #tpu.memory_space<hbm>>
    %dma_start3A_17 = arith.constant 0 : i32
    %dma_start3A_18 = tpu.memref_slice %arg4[%dma_start3A_13, %mul3A_4, %dma_start3A_17] : memref<2x4000x80xi32, #tpu.memory_space<hbm>> -> memref<1x125x80xi32, #tpu.memory_space<hbm>>
    %dma_start3A_19 = tpu.memref_squeeze %dma_start3A_18 : memref<1x125x80xi32, #tpu.memory_space<hbm>> -> memref<125x80xi32, #tpu.memory_space<hbm>>
    tpu.enqueue_dma source(%dma_start3A_19 : memref<125x80xi32, #tpu.memory_space<hbm>>) target(%arg9 : memref<125x80xi32, #tpu.memory_space<vmem>>) target_semaphore(%arg24 : memref<!tpu.dma_semaphore, #tpu.memory_space<semaphore_mem>>)
    %dma_start3A_20 = arith.constant 0 : i32
    %dma_start3A_21 = tpu.memref_slice %arg2[%mul3A_0, %dma_start3A_20] : memref<10240x16xf32, #tpu.memory_space<hbm>> -> memref<640x16xf32, #tpu.memory_space<hbm>>
    %dma_start3A_22 = arith.constant 0 : i32
    %dma_start3A_23 = tpu.memref_slice %arg2[%mul3A_0, %dma_start3A_22] : memref<10240x16xf32, #tpu.memory_space<hbm>> -> memref<640x16xf32, #tpu.memory_space<hbm>>
    tpu.enqueue_dma source(%dma_start3A_23 : memref<640x16xf32, #tpu.memory_space<hbm>>) target(%arg10 : memref<640x16xf32, #tpu.memory_space<vmem>>) target_semaphore(%arg25 : memref<!tpu.dma_semaphore, #tpu.memory_space<semaphore_mem>>)
    %dma_start3A_24 = arith.constant 0 : i32
    %dma_start3A_25 = tpu.memref_slice %arg3[%mul3A_0, %dma_start3A_24] : memref<20480x16xf32, #tpu.memory_space<hbm>> -> memref<640x16xf32, #tpu.memory_space<hbm>>
    %dma_start3A_26 = arith.constant 0 : i32
    %dma_start3A_27 = tpu.memref_slice %arg3[%mul3A_0, %dma_start3A_26] : memref<20480x16xf32, #tpu.memory_space<hbm>> -> memref<640x16xf32, #tpu.memory_space<hbm>>
    tpu.enqueue_dma source(%dma_start3A_27 : memref<640x16xf32, #tpu.memory_space<hbm>>) target(%arg11 : memref<640x16xf32, #tpu.memory_space<vmem>>) target_semaphore(%arg26 : memref<!tpu.dma_semaphore, #tpu.memory_space<semaphore_mem>>)
    %dma_start3A_28 = arith.constant 0 : i32
    %dma_start3A_29 = tpu.memref_slice %arg3[%add3A_6, %dma_start3A_28] : memref<20480x16xf32, #tpu.memory_space<hbm>> -> memref<640x16xf32, #tpu.memory_space<hbm>>
    %dma_start3A_30 = arith.constant 0 : i32
    %dma_start3A_31 = tpu.memref_slice %arg3[%add3A_6, %dma_start3A_30] : memref<20480x16xf32, #tpu.memory_space<hbm>> -> memref<640x16xf32, #tpu.memory_space<hbm>>
    tpu.enqueue_dma source(%dma_start3A_31 : memref<640x16xf32, #tpu.memory_space<hbm>>) target(%arg12 : memref<640x16xf32, #tpu.memory_space<vmem>>) target_semaphore(%arg27 : memref<!tpu.dma_semaphore, #tpu.memory_space<semaphore_mem>>)
    %dma_start3A_32 = arith.constant 0 : i32
    %dma_start3A_33 = tpu.memref_slice %arg21[%mul3A_0, %dma_start3A_32] : memref<10240x16xf32, #tpu.memory_space<vmem_shared>> -> memref<640x16xf32, #tpu.memory_space<vmem_shared>>
    %dma_start3A_34 = arith.constant 0 : i32
    %dma_start3A_35 = tpu.memref_slice %arg5[%mul3A_0, %dma_start3A_34] : memref<10240x16xf32, #tpu.memory_space<hbm>> -> memref<640x16xf32, #tpu.memory_space<hbm>>
    tpu.enqueue_dma source(%dma_start3A_35 : memref<640x16xf32, #tpu.memory_space<hbm>>) target(%dma_start3A_33 : memref<640x16xf32, #tpu.memory_space<vmem_shared>>) target_semaphore(%arg28 : memref<!tpu.dma_semaphore, #tpu.memory_space<semaphore_mem>>)
    %dma_wait3A = arith.constant 0 : i32
    %dma_wait3A_36 = arith.constant 0 : i32
    %dma_wait3A_37 = tpu.memref_slice %arg4[%dma_wait3A, %mul3A_4, %dma_wait3A_36] : memref<2x4000x80xi32, #tpu.memory_space<hbm>> -> memref<1x125x80xi32, #tpu.memory_space<hbm>>
    %dma_wait3A_38 = tpu.memref_squeeze %dma_wait3A_37 : memref<1x125x80xi32, #tpu.memory_space<hbm>> -> memref<125x80xi32, #tpu.memory_space<hbm>>
    %dma_wait3A_39 = arith.constant 0 : i32
    %dma_wait3A_40 = tpu.memref_slice %arg4[%dma_wait3A, %mul3A_4, %dma_wait3A_39] : memref<2x4000x80xi32, #tpu.memory_space<hbm>> -> memref<1x125x80xi32, #tpu.memory_space<hbm>>
    %dma_wait3A_41 = tpu.memref_squeeze %dma_wait3A_40 : memref<1x125x80xi32, #tpu.memory_space<hbm>> -> memref<125x80xi32, #tpu.memory_space<hbm>>
    tpu.wait_dma2 semaphore(%arg23 : memref<!tpu.dma_semaphore, #tpu.memory_space<semaphore_mem>>) src(%dma_wait3A_41 : memref<125x80xi32, #tpu.memory_space<hbm>>) dst(%arg8 : memref<125x80xi32, #tpu.memory_space<vmem>>)
    %dma_wait3A_42 = arith.constant 1 : i32
    %dma_wait3A_43 = arith.constant 0 : i32
    %dma_wait3A_44 = tpu.memref_slice %arg4[%dma_wait3A_42, %mul3A_4, %dma_wait3A_43] : memref<2x4000x80xi32, #tpu.memory_space<hbm>> -> memref<1x125x80xi32, #tpu.memory_space<hbm>>
    %dma_wait3A_45 = tpu.memref_squeeze %dma_wait3A_44 : memref<1x125x80xi32, #tpu.memory_space<hbm>> -> memref<125x80xi32, #tpu.memory_space<hbm>>
    %dma_wait3A_46 = arith.constant 0 : i32
    %dma_wait3A_47 = tpu.memref_slice %arg4[%dma_wait3A_42, %mul3A_4, %dma_wait3A_46] : memref<2x4000x80xi32, #tpu.memory_space<hbm>> -> memref<1x125x80xi32, #tpu.memory_space<hbm>>
    %dma_wait3A_48 = tpu.memref_squeeze %dma_wait3A_47 : memref<1x125x80xi32, #tpu.memory_space<hbm>> -> memref<125x80xi32, #tpu.memory_space<hbm>>
    tpu.wait_dma2 semaphore(%arg24 : memref<!tpu.dma_semaphore, #tpu.memory_space<semaphore_mem>>) src(%dma_wait3A_48 : memref<125x80xi32, #tpu.memory_space<hbm>>) dst(%arg9 : memref<125x80xi32, #tpu.memory_space<vmem>>)
    %dma_wait3A_49 = arith.constant 0 : i32
    %dma_wait3A_50 = tpu.memref_slice %arg2[%mul3A_0, %dma_wait3A_49] : memref<10240x16xf32, #tpu.memory_space<hbm>> -> memref<640x16xf32, #tpu.memory_space<hbm>>
    %dma_wait3A_51 = arith.constant 0 : i32
    %dma_wait3A_52 = tpu.memref_slice %arg2[%mul3A_0, %dma_wait3A_51] : memref<10240x16xf32, #tpu.memory_space<hbm>> -> memref<640x16xf32, #tpu.memory_space<hbm>>
    tpu.wait_dma2 semaphore(%arg25 : memref<!tpu.dma_semaphore, #tpu.memory_space<semaphore_mem>>) src(%dma_wait3A_52 : memref<640x16xf32, #tpu.memory_space<hbm>>) dst(%arg10 : memref<640x16xf32, #tpu.memory_space<vmem>>)
    %dma_wait3A_53 = arith.constant 0 : i32
    %dma_wait3A_54 = tpu.memref_slice %arg3[%mul3A_0, %dma_wait3A_53] : memref<20480x16xf32, #tpu.memory_space<hbm>> -> memref<640x16xf32, #tpu.memory_space<hbm>>
    %dma_wait3A_55 = arith.constant 0 : i32
    %dma_wait3A_56 = tpu.memref_slice %arg3[%mul3A_0, %dma_wait3A_55] : memref<20480x16xf32, #tpu.memory_space<hbm>> -> memref<640x16xf32, #tpu.memory_space<hbm>>
    tpu.wait_dma2 semaphore(%arg26 : memref<!tpu.dma_semaphore, #tpu.memory_space<semaphore_mem>>) src(%dma_wait3A_56 : memref<640x16xf32, #tpu.memory_space<hbm>>) dst(%arg11 : memref<640x16xf32, #tpu.memory_space<vmem>>)
    %dma_wait3A_57 = arith.constant 0 : i32
    %dma_wait3A_58 = tpu.memref_slice %arg3[%add3A_6, %dma_wait3A_57] : memref<20480x16xf32, #tpu.memory_space<hbm>> -> memref<640x16xf32, #tpu.memory_space<hbm>>
    %dma_wait3A_59 = arith.constant 0 : i32
    %dma_wait3A_60 = tpu.memref_slice %arg3[%add3A_6, %dma_wait3A_59] : memref<20480x16xf32, #tpu.memory_space<hbm>> -> memref<640x16xf32, #tpu.memory_space<hbm>>
    tpu.wait_dma2 semaphore(%arg27 : memref<!tpu.dma_semaphore, #tpu.memory_space<semaphore_mem>>) src(%dma_wait3A_60 : memref<640x16xf32, #tpu.memory_space<hbm>>) dst(%arg12 : memref<640x16xf32, #tpu.memory_space<vmem>>)
    %dma_wait3A_61 = arith.constant 0 : i32
    %dma_wait3A_62 = tpu.memref_slice %arg21[%mul3A_0, %dma_wait3A_61] : memref<10240x16xf32, #tpu.memory_space<vmem_shared>> -> memref<640x16xf32, #tpu.memory_space<vmem_shared>>
    %dma_wait3A_63 = arith.constant 0 : i32
    %dma_wait3A_64 = tpu.memref_slice %arg5[%mul3A_0, %dma_wait3A_63] : memref<10240x16xf32, #tpu.memory_space<hbm>> -> memref<640x16xf32, #tpu.memory_space<hbm>>
    tpu.wait_dma2 semaphore(%arg28 : memref<!tpu.dma_semaphore, #tpu.memory_space<semaphore_mem>>) src(%dma_wait3A_64 : memref<640x16xf32, #tpu.memory_space<hbm>>) dst(%dma_wait3A_62 : memref<640x16xf32, #tpu.memory_space<vmem_shared>>)
    %iota3A = tpu.iota {dimensions = array<i32: 0>} : vector<16xi32>
    %mul3A_65 = arith.constant 10240 : i32
    %mul3A_66 = arith.muli %arg0, %mul3A_65 : i32
    %scan3A = arith.constant 0 : i32
    %scan3A_67 = arith.constant 0 : i32
    %scan3A_68 = arith.constant 125 : i32
    %scan3A_69 = arith.addi %scan3A_67, %scan3A_68 : i32
    %scan3A_70 = arith.constant 1 : i32
    scf.for %scan3A_355 = %scan3A_67 to %scan3A_69 step %scan3A_70  : i32 {
      %broadcast_in_dim3A_356 = vector.broadcast %scan3A_355 : i32 to vector<16xi32>
      %add3A_357 = arith.constant 0 : i32
      %add3A_358 = vector.broadcast %add3A_357 : i32 to vector<16xi32>
      %add3A_359 = arith.addi %iota3A, %add3A_358 : vector<16xi32>
      %gather3A = tpu.vector_load_idx %arg8[%broadcast_in_dim3A_356, %add3A_359] : memref<125x80xi32, #tpu.memory_space<vmem>>[vector<16xi32>, vector<16xi32>], vector<16xi32>,
      %add3A_360 = vector.broadcast %mul3A_66 : i32 to vector<16xi32>
      %add3A_361 = arith.addi %gather3A, %add3A_360 : vector<16xi32>
      tpu.vector_store_idx %arg8[%broadcast_in_dim3A_356, %add3A_359], %add3A_361 : memref<125x80xi32, #tpu.memory_space<vmem>>[vector<16xi32>, vector<16xi32>], vector<16xi32>,
      %add3A_362 = arith.constant 16 : i32
      %add3A_363 = vector.broadcast %add3A_362 : i32 to vector<16xi32>
      %add3A_364 = arith.addi %iota3A, %add3A_363 : vector<16xi32>
      %gather3A_365 = tpu.vector_load_idx %arg8[%broadcast_in_dim3A_356, %add3A_364] : memref<125x80xi32, #tpu.memory_space<vmem>>[vector<16xi32>, vector<16xi32>], vector<16xi32>,
      %add3A_366 = vector.broadcast %mul3A_66 : i32 to vector<16xi32>
      %add3A_367 = arith.addi %gather3A_365, %add3A_366 : vector<16xi32>
      tpu.vector_store_idx %arg8[%broadcast_in_dim3A_356, %add3A_364], %add3A_367 : memref<125x80xi32, #tpu.memory_space<vmem>>[vector<16xi32>, vector<16xi32>], vector<16xi32>,
      %add3A_368 = arith.constant 32 : i32
      %add3A_369 = vector.broadcast %add3A_368 : i32 to vector<16xi32>
      %add3A_370 = arith.addi %iota3A, %add3A_369 : vector<16xi32>
      %gather3A_371 = tpu.vector_load_idx %arg8[%broadcast_in_dim3A_356, %add3A_370] : memref<125x80xi32, #tpu.memory_space<vmem>>[vector<16xi32>, vector<16xi32>], vector<16xi32>,
      %add3A_372 = vector.broadcast %mul3A_66 : i32 to vector<16xi32>
      %add3A_373 = arith.addi %gather3A_371, %add3A_372 : vector<16xi32>
      tpu.vector_store_idx %arg8[%broadcast_in_dim3A_356, %add3A_370], %add3A_373 : memref<125x80xi32, #tpu.memory_space<vmem>>[vector<16xi32>, vector<16xi32>], vector<16xi32>,
      %add3A_374 = arith.constant 48 : i32
      %add3A_375 = vector.broadcast %add3A_374 : i32 to vector<16xi32>
      %add3A_376 = arith.addi %iota3A, %add3A_375 : vector<16xi32>
      %gather3A_377 = tpu.vector_load_idx %arg8[%broadcast_in_dim3A_356, %add3A_376] : memref<125x80xi32, #tpu.memory_space<vmem>>[vector<16xi32>, vector<16xi32>], vector<16xi32>,
      %add3A_378 = vector.broadcast %mul3A_66 : i32 to vector<16xi32>
      %add3A_379 = arith.addi %gather3A_377, %add3A_378 : vector<16xi32>
      tpu.vector_store_idx %arg8[%broadcast_in_dim3A_356, %add3A_376], %add3A_379 : memref<125x80xi32, #tpu.memory_space<vmem>>[vector<16xi32>, vector<16xi32>], vector<16xi32>,
      %add3A_380 = arith.constant 64 : i32
      %add3A_381 = vector.broadcast %add3A_380 : i32 to vector<16xi32>
      %add3A_382 = arith.addi %iota3A, %add3A_381 : vector<16xi32>
      %gather3A_383 = tpu.vector_load_idx %arg8[%broadcast_in_dim3A_356, %add3A_382] : memref<125x80xi32, #tpu.memory_space<vmem>>[vector<16xi32>, vector<16xi32>], vector<16xi32>,
      %add3A_384 = vector.broadcast %mul3A_66 : i32 to vector<16xi32>
      %add3A_385 = arith.addi %gather3A_383, %add3A_384 : vector<16xi32>
      tpu.vector_store_idx %arg8[%broadcast_in_dim3A_356, %add3A_382], %add3A_385 : memref<125x80xi32, #tpu.memory_space<vmem>>[vector<16xi32>, vector<16xi32>], vector<16xi32>,
    }
    %scan3A_71 = arith.constant 125 : i32
    %lt3A = arith.constant 10 : i32
    %lt3A_72 = vector.broadcast %lt3A : i32 to vector<16xi32>
    %lt3A_73 = arith.cmpi slt, %iota3A, %lt3A_72 : vector<16xi32>
    %broadcast_in_dim3A = arith.constant 0.000000e+00 : f32
    %broadcast_in_dim3A_74 = vector.broadcast %broadcast_in_dim3A : f32 to vector<16xf32>
    %scan3A_75 = arith.constant 0 : i32
    %scan3A_76 = arith.constant 640 : i32
    %scan3A_77 = arith.addi %scan3A_75, %scan3A_76 : i32
    %scan3A_78 = arith.constant 1 : i32
    %scan3A_79 = scf.for %scan3A_355 = %scan3A_75 to %scan3A_77 step %scan3A_78 iter_args(%scan3A_356 = %broadcast_in_dim3A_74) -> (vector<16xf32>)  : i32 {
      %broadcast_in_dim3A_357 = vector.broadcast %scan3A_355 : i32 to vector<16xi32>
      %gather3A = tpu.vector_load_idx %arg11[%broadcast_in_dim3A_357, %iota3A] : memref<640x16xf32, #tpu.memory_space<vmem>>[vector<16xi32>, vector<16xi32>], vector<16xf32>,
      %gather3A_358 = tpu.vector_load_idx %arg12[%broadcast_in_dim3A_357, %iota3A] : memref<640x16xf32, #tpu.memory_space<vmem>>[vector<16xi32>, vector<16xi32>], vector<16xf32>,
      %add3A_359 = arith.addf %gather3A, %gather3A_358 : vector<16xf32>
      %slice3A = vector.extract_strided_slice %add3A_359 {offsets = [10], sizes = [1], strides = [1]} : vector<16xf32> to vector<1xf32>
      %squeeze3A = vector.extract %slice3A[0] : f32 from vector<1xf32>
      %broadcast_in_dim3A_360 = vector.broadcast %squeeze3A : f32 to vector<16xf32>
      %max3A = arith.constant 1.000000e+00 : f32
      %max3A_361 = vector.broadcast %max3A : f32 to vector<16xf32>
      %max3A_362 = arith.maximumf %broadcast_in_dim3A_360, %max3A_361 : vector<16xf32>
      %div3A = arith.constant 1.000000e+00 : f32
      %div3A_363 = vector.broadcast %div3A : f32 to vector<16xf32>
      %div3A_364 = arith.divf %div3A_363, %max3A_362 : vector<16xf32>
      %gather3A_365 = tpu.vector_load_idx %arg10[%broadcast_in_dim3A_357, %iota3A] : memref<640x16xf32, #tpu.memory_space<vmem>>[vector<16xi32>, vector<16xi32>], vector<16xf32>,
      %mul3A_366 = arith.mulf %add3A_359, %div3A_364 : vector<16xf32>
      %add3A_367 = arith.addf %gather3A_365, %mul3A_366 : vector<16xf32>
      %max3A_368 = arith.constant 0.000000e+00 : f32
      %max3A_369 = vector.broadcast %max3A_368 : f32 to vector<16xf32>
      %max3A_370 = arith.maximumf %add3A_367, %max3A_369 : vector<16xf32>
      %jit3A = arith.constant 0.000000e+00 : f32
      %broadcast_in_dim3A_371 = vector.broadcast %jit3A : f32 to vector<16xf32>
      %select_n3A = arith.select %lt3A_73, %max3A_370, %broadcast_in_dim3A_371 : vector<16xi1>, vector<16xf32>
      tpu.vector_store_idx %arg14[%broadcast_in_dim3A_357, %iota3A], %select_n3A : memref<640x16xf32, #tpu.memory_space<vmem>>[vector<16xi32>, vector<16xi32>], vector<16xf32>,
      tpu.vector_store_idx %arg13[%broadcast_in_dim3A_357, %iota3A], %div3A_364 : memref<640x16xf32, #tpu.memory_space<vmem>>[vector<16xi32>, vector<16xi32>], vector<16xf32>,
      %add3A_372 = arith.addf %scan3A_356, %select_n3A : vector<16xf32>
      scf.yield %add3A_372 : vector<16xf32>
    }
    %scan3A_80 = arith.constant 640 : i32
    %add3A_81 = arith.addi %mul3A_66, %mul3A_0 : i32
    "tpu.region"() ({
      %run_scoped3A = tpu.sem_alloc : memref<!tpu.dma_semaphore, #tpu.memory_space<semaphore_mem>>
      %dma_start3A_355 = arith.constant 0 : i32
      %dma_start3A_356 = tpu.memref_slice %arg7[%add3A_81, %dma_start3A_355] : memref<20480x16xf32, #tpu.memory_space<hbm>> -> memref<640x16xf32, #tpu.memory_space<hbm>>
      %dma_start3A_357 = arith.constant 0 : i32
      %dma_start3A_358 = tpu.memref_slice %arg7[%add3A_81, %dma_start3A_357] : memref<20480x16xf32, #tpu.memory_space<hbm>> -> memref<640x16xf32, #tpu.memory_space<hbm>>
      tpu.enqueue_dma source(%arg14 : memref<640x16xf32, #tpu.memory_space<vmem>>) target(%dma_start3A_358 : memref<640x16xf32, #tpu.memory_space<hbm>>) target_semaphore(%run_scoped3A : memref<!tpu.dma_semaphore, #tpu.memory_space<semaphore_mem>>)
      %dma_wait3A_359 = arith.constant 0 : i32
      %dma_wait3A_360 = tpu.memref_slice %arg7[%add3A_81, %dma_wait3A_359] : memref<20480x16xf32, #tpu.memory_space<hbm>> -> memref<640x16xf32, #tpu.memory_space<hbm>>
      %dma_wait3A_361 = arith.constant 0 : i32
      %dma_wait3A_362 = tpu.memref_slice %arg7[%add3A_81, %dma_wait3A_361] : memref<20480x16xf32, #tpu.memory_space<hbm>> -> memref<640x16xf32, #tpu.memory_space<hbm>>
      tpu.wait_dma2 semaphore(%run_scoped3A : memref<!tpu.dma_semaphore, #tpu.memory_space<semaphore_mem>>) src(%arg14 : memref<640x16xf32, #tpu.memory_space<vmem>>) dst(%dma_wait3A_362 : memref<640x16xf32, #tpu.memory_space<hbm>>)
      tpu.yield
    }) : () -> ()
    %barrier3A = arith.constant 0 : index
    tpu.barrier barrier_id(%barrier3A)
    %dma_start3A_82 = arith.constant 0 : i32
    %dma_start3A_83 = arith.constant 0 : i32
    %dma_start3A_84 = tpu.memref_slice %arg8[%dma_start3A_82, %dma_start3A_83] : memref<125x80xi32, #tpu.memory_space<vmem>> -> memref<1x80xi32, #tpu.memory_space<vmem>>
    %dma_start3A_85 = tpu.memref_squeeze %dma_start3A_84 : memref<1x80xi32, #tpu.memory_space<vmem>> -> memref<80xi32, #tpu.memory_space<vmem>>
    %dma_start3A_86 = arith.constant 0 : i32
    %dma_start3A_87 = arith.constant 0 : i32
    %dma_start3A_88 = tpu.memref_slice %arg7[%dma_start3A_86, %dma_start3A_87] : memref<20480x16xf32, #tpu.memory_space<hbm>> -> memref<20480x16xf32, #tpu.memory_space<hbm>>
    tpu.enqueue_indirect_dma source(%dma_start3A_88 : memref<20480x16xf32, #tpu.memory_space<hbm>>) target(%arg17 : memref<80x16xf32, #tpu.memory_space<vmem>>) offsets(%dma_start3A_85 : memref<80xi32, #tpu.memory_space<vmem>>) semaphore(%arg23 : memref<!tpu.dma_semaphore, #tpu.memory_space<semaphore_mem>>)
    %dma_start3A_89 = arith.constant 1 : i32
    %dma_start3A_90 = arith.constant 0 : i32
    %dma_start3A_91 = tpu.memref_slice %arg8[%dma_start3A_89, %dma_start3A_90] : memref<125x80xi32, #tpu.memory_space<vmem>> -> memref<1x80xi32, #tpu.memory_space<vmem>>
    %dma_start3A_92 = tpu.memref_squeeze %dma_start3A_91 : memref<1x80xi32, #tpu.memory_space<vmem>> -> memref<80xi32, #tpu.memory_space<vmem>>
    %dma_start3A_93 = arith.constant 0 : i32
    %dma_start3A_94 = arith.constant 0 : i32
    %dma_start3A_95 = tpu.memref_slice %arg7[%dma_start3A_93, %dma_start3A_94] : memref<20480x16xf32, #tpu.memory_space<hbm>> -> memref<20480x16xf32, #tpu.memory_space<hbm>>
    tpu.enqueue_indirect_dma source(%dma_start3A_95 : memref<20480x16xf32, #tpu.memory_space<hbm>>) target(%arg18 : memref<80x16xf32, #tpu.memory_space<vmem>>) offsets(%dma_start3A_92 : memref<80xi32, #tpu.memory_space<vmem>>) semaphore(%arg24 : memref<!tpu.dma_semaphore, #tpu.memory_space<semaphore_mem>>)
    %dma_wait3A_96 = arith.constant 0 : i32
    %dma_wait3A_97 = arith.constant 0 : i32
    %dma_wait3A_98 = tpu.memref_slice %arg8[%dma_wait3A_96, %dma_wait3A_97] : memref<125x80xi32, #tpu.memory_space<vmem>> -> memref<1x80xi32, #tpu.memory_space<vmem>>
    %dma_wait3A_99 = tpu.memref_squeeze %dma_wait3A_98 : memref<1x80xi32, #tpu.memory_space<vmem>> -> memref<80xi32, #tpu.memory_space<vmem>>
    %dma_wait3A_100 = arith.constant 0 : i32
    %dma_wait3A_101 = arith.constant 0 : i32
    %dma_wait3A_102 = tpu.memref_slice %arg7[%dma_wait3A_100, %dma_wait3A_101] : memref<20480x16xf32, #tpu.memory_space<hbm>> -> memref<20480x16xf32, #tpu.memory_space<hbm>>
    tpu.wait_indirect_dma semaphore(%arg23 : memref<!tpu.dma_semaphore, #tpu.memory_space<semaphore_mem>>) src(%dma_wait3A_102 : memref<20480x16xf32, #tpu.memory_space<hbm>>) dst(%arg17 : memref<80x16xf32, #tpu.memory_space<vmem>>)
    %dma_start3A_103 = arith.constant 0 : i32
    %dma_start3A_104 = arith.constant 0 : i32
    %dma_start3A_105 = tpu.memref_slice %arg9[%dma_start3A_103, %dma_start3A_104] : memref<125x80xi32, #tpu.memory_space<vmem>> -> memref<1x80xi32, #tpu.memory_space<vmem>>
    %dma_start3A_106 = tpu.memref_squeeze %dma_start3A_105 : memref<1x80xi32, #tpu.memory_space<vmem>> -> memref<80xi32, #tpu.memory_space<vmem>>
    %dma_start3A_107 = arith.constant 0 : i32
    %dma_start3A_108 = arith.constant 0 : i32
    %dma_start3A_109 = tpu.memref_slice %arg21[%dma_start3A_107, %dma_start3A_108] : memref<10240x16xf32, #tpu.memory_space<vmem_shared>> -> memref<10240x16xf32, #tpu.memory_space<vmem_shared>>
    tpu.enqueue_indirect_dma source(%arg17 : memref<80x16xf32, #tpu.memory_space<vmem>>) target(%dma_start3A_109 : memref<10240x16xf32, #tpu.memory_space<vmem_shared>>) offsets(%dma_start3A_106 : memref<80xi32, #tpu.memory_space<vmem>>) semaphore(%arg27 : memref<!tpu.dma_semaphore, #tpu.memory_space<semaphore_mem>>) {add = true}
    %dma_start3A_110 = arith.constant 2 : i32
    %dma_start3A_111 = arith.constant 0 : i32
    %dma_start3A_112 = tpu.memref_slice %arg8[%dma_start3A_110, %dma_start3A_111] : memref<125x80xi32, #tpu.memory_space<vmem>> -> memref<1x80xi32, #tpu.memory_space<vmem>>
    %dma_start3A_113 = tpu.memref_squeeze %dma_start3A_112 : memref<1x80xi32, #tpu.memory_space<vmem>> -> memref<80xi32, #tpu.memory_space<vmem>>
    %dma_start3A_114 = arith.constant 0 : i32
    %dma_start3A_115 = arith.constant 0 : i32
    %dma_start3A_116 = tpu.memref_slice %arg7[%dma_start3A_114, %dma_start3A_115] : memref<20480x16xf32, #tpu.memory_space<hbm>> -> memref<20480x16xf32, #tpu.memory_space<hbm>>
    tpu.enqueue_indirect_dma source(%dma_start3A_116 : memref<20480x16xf32, #tpu.memory_space<hbm>>) target(%arg19 : memref<80x16xf32, #tpu.memory_space<vmem>>) offsets(%dma_start3A_113 : memref<80xi32, #tpu.memory_space<vmem>>) semaphore(%arg25 : memref<!tpu.dma_semaphore, #tpu.memory_space<semaphore_mem>>)
    %dma_wait3A_117 = arith.constant 1 : i32
    %dma_wait3A_118 = arith.constant 0 : i32
    %dma_wait3A_119 = tpu.memref_slice %arg8[%dma_wait3A_117, %dma_wait3A_118] : memref<125x80xi32, #tpu.memory_space<vmem>> -> memref<1x80xi32, #tpu.memory_space<vmem>>
    %dma_wait3A_120 = tpu.memref_squeeze %dma_wait3A_119 : memref<1x80xi32, #tpu.memory_space<vmem>> -> memref<80xi32, #tpu.memory_space<vmem>>
    %dma_wait3A_121 = arith.constant 0 : i32
    %dma_wait3A_122 = arith.constant 0 : i32
    %dma_wait3A_123 = tpu.memref_slice %arg7[%dma_wait3A_121, %dma_wait3A_122] : memref<20480x16xf32, #tpu.memory_space<hbm>> -> memref<20480x16xf32, #tpu.memory_space<hbm>>
    tpu.wait_indirect_dma semaphore(%arg24 : memref<!tpu.dma_semaphore, #tpu.memory_space<semaphore_mem>>) src(%dma_wait3A_123 : memref<20480x16xf32, #tpu.memory_space<hbm>>) dst(%arg18 : memref<80x16xf32, #tpu.memory_space<vmem>>)
    %dma_start3A_124 = arith.constant 1 : i32
    %dma_start3A_125 = arith.constant 0 : i32
    %dma_start3A_126 = tpu.memref_slice %arg9[%dma_start3A_124, %dma_start3A_125] : memref<125x80xi32, #tpu.memory_space<vmem>> -> memref<1x80xi32, #tpu.memory_space<vmem>>
    %dma_start3A_127 = tpu.memref_squeeze %dma_start3A_126 : memref<1x80xi32, #tpu.memory_space<vmem>> -> memref<80xi32, #tpu.memory_space<vmem>>
    %dma_start3A_128 = arith.constant 0 : i32
    %dma_start3A_129 = arith.constant 0 : i32
    %dma_start3A_130 = tpu.memref_slice %arg21[%dma_start3A_128, %dma_start3A_129] : memref<10240x16xf32, #tpu.memory_space<vmem_shared>> -> memref<10240x16xf32, #tpu.memory_space<vmem_shared>>
    tpu.enqueue_indirect_dma source(%arg18 : memref<80x16xf32, #tpu.memory_space<vmem>>) target(%dma_start3A_130 : memref<10240x16xf32, #tpu.memory_space<vmem_shared>>) offsets(%dma_start3A_127 : memref<80xi32, #tpu.memory_space<vmem>>) semaphore(%arg28 : memref<!tpu.dma_semaphore, #tpu.memory_space<semaphore_mem>>) {add = true}
    %dma_start3A_131 = arith.constant 3 : i32
    %dma_start3A_132 = arith.constant 0 : i32
    %dma_start3A_133 = tpu.memref_slice %arg8[%dma_start3A_131, %dma_start3A_132] : memref<125x80xi32, #tpu.memory_space<vmem>> -> memref<1x80xi32, #tpu.memory_space<vmem>>
    %dma_start3A_134 = tpu.memref_squeeze %dma_start3A_133 : memref<1x80xi32, #tpu.memory_space<vmem>> -> memref<80xi32, #tpu.memory_space<vmem>>
    %dma_start3A_135 = arith.constant 0 : i32
    %dma_start3A_136 = arith.constant 0 : i32
    %dma_start3A_137 = tpu.memref_slice %arg7[%dma_start3A_135, %dma_start3A_136] : memref<20480x16xf32, #tpu.memory_space<hbm>> -> memref<20480x16xf32, #tpu.memory_space<hbm>>
    tpu.enqueue_indirect_dma source(%dma_start3A_137 : memref<20480x16xf32, #tpu.memory_space<hbm>>) target(%arg20 : memref<80x16xf32, #tpu.memory_space<vmem>>) offsets(%dma_start3A_134 : memref<80xi32, #tpu.memory_space<vmem>>) semaphore(%arg26 : memref<!tpu.dma_semaphore, #tpu.memory_space<semaphore_mem>>)
    %scan3A_138 = arith.constant 0 : i32
    %scan3A_139 = arith.constant 0 : i32
    %scan3A_140 = arith.constant 29 : i32
    %scan3A_141 = arith.addi %scan3A_139, %scan3A_140 : i32
    %scan3A_142 = arith.constant 1 : i32
    scf.for %scan3A_355 = %scan3A_139 to %scan3A_141 step %scan3A_142  : i32 {
      %mul3A_356 = arith.constant 4 : i32
      %mul3A_357 = arith.muli %mul3A_356, %scan3A_355 : i32
      %add3A_358 = arith.constant 2 : i32
      %add3A_359 = arith.addi %mul3A_357, %add3A_358 : i32
      %add3A_360 = arith.constant 0 : i32
      %add3A_361 = arith.addi %add3A_359, %add3A_360 : i32
      %dma_wait3A_362 = arith.constant 0 : i32
      %dma_wait3A_363 = tpu.memref_slice %arg8[%add3A_361, %dma_wait3A_362] : memref<125x80xi32, #tpu.memory_space<vmem>> -> memref<1x80xi32, #tpu.memory_space<vmem>>
      %dma_wait3A_364 = tpu.memref_squeeze %dma_wait3A_363 : memref<1x80xi32, #tpu.memory_space<vmem>> -> memref<80xi32, #tpu.memory_space<vmem>>
      %dma_wait3A_365 = arith.constant 0 : i32
      %dma_wait3A_366 = arith.constant 0 : i32
      %dma_wait3A_367 = tpu.memref_slice %arg7[%dma_wait3A_365, %dma_wait3A_366] : memref<20480x16xf32, #tpu.memory_space<hbm>> -> memref<20480x16xf32, #tpu.memory_space<hbm>>
      tpu.wait_indirect_dma semaphore(%arg25 : memref<!tpu.dma_semaphore, #tpu.memory_space<semaphore_mem>>) src(%dma_wait3A_367 : memref<20480x16xf32, #tpu.memory_space<hbm>>) dst(%arg19 : memref<80x16xf32, #tpu.memory_space<vmem>>)
      %dma_start3A_368 = arith.constant 0 : i32
      %dma_start3A_369 = tpu.memref_slice %arg9[%add3A_361, %dma_start3A_368] : memref<125x80xi32, #tpu.memory_space<vmem>> -> memref<1x80xi32, #tpu.memory_space<vmem>>
      %dma_start3A_370 = tpu.memref_squeeze %dma_start3A_369 : memref<1x80xi32, #tpu.memory_space<vmem>> -> memref<80xi32, #tpu.memory_space<vmem>>
      %dma_start3A_371 = arith.constant 0 : i32
      %dma_start3A_372 = arith.constant 0 : i32
      %dma_start3A_373 = tpu.memref_slice %arg21[%dma_start3A_371, %dma_start3A_372] : memref<10240x16xf32, #tpu.memory_space<vmem_shared>> -> memref<10240x16xf32, #tpu.memory_space<vmem_shared>>
      tpu.enqueue_indirect_dma source(%arg19 : memref<80x16xf32, #tpu.memory_space<vmem>>) target(%dma_start3A_373 : memref<10240x16xf32, #tpu.memory_space<vmem_shared>>) offsets(%dma_start3A_370 : memref<80xi32, #tpu.memory_space<vmem>>) semaphore(%arg29 : memref<!tpu.dma_semaphore, #tpu.memory_space<semaphore_mem>>) {add = true}
      %add3A_374 = arith.constant 2 : i32
      %add3A_375 = arith.addi %add3A_361, %add3A_374 : i32
      %sub3A = arith.constant 4 : i32
      %sub3A_376 = arith.subi %add3A_375, %sub3A : i32
      %dma_wait3A_377 = arith.constant 0 : i32
      %dma_wait3A_378 = tpu.memref_slice %arg9[%sub3A_376, %dma_wait3A_377] : memref<125x80xi32, #tpu.memory_space<vmem>> -> memref<1x80xi32, #tpu.memory_space<vmem>>
      %dma_wait3A_379 = tpu.memref_squeeze %dma_wait3A_378 : memref<1x80xi32, #tpu.memory_space<vmem>> -> memref<80xi32, #tpu.memory_space<vmem>>
      %dma_wait3A_380 = arith.constant 0 : i32
      %dma_wait3A_381 = arith.constant 0 : i32
      %dma_wait3A_382 = tpu.memref_slice %arg21[%dma_wait3A_380, %dma_wait3A_381] : memref<10240x16xf32, #tpu.memory_space<vmem_shared>> -> memref<10240x16xf32, #tpu.memory_space<vmem_shared>>
      tpu.wait_indirect_dma semaphore(%arg27 : memref<!tpu.dma_semaphore, #tpu.memory_space<semaphore_mem>>) src(%arg17 : memref<80x16xf32, #tpu.memory_space<vmem>>) dst(%dma_wait3A_382 : memref<10240x16xf32, #tpu.memory_space<vmem_shared>>)
      %dma_start3A_383 = arith.constant 0 : i32
      %dma_start3A_384 = tpu.memref_slice %arg8[%add3A_375, %dma_start3A_383] : memref<125x80xi32, #tpu.memory_space<vmem>> -> memref<1x80xi32, #tpu.memory_space<vmem>>
      %dma_start3A_385 = tpu.memref_squeeze %dma_start3A_384 : memref<1x80xi32, #tpu.memory_space<vmem>> -> memref<80xi32, #tpu.memory_space<vmem>>
      %dma_start3A_386 = arith.constant 0 : i32
      %dma_start3A_387 = arith.constant 0 : i32
      %dma_start3A_388 = tpu.memref_slice %arg7[%dma_start3A_386, %dma_start3A_387] : memref<20480x16xf32, #tpu.memory_space<hbm>> -> memref<20480x16xf32, #tpu.memory_space<hbm>>
      tpu.enqueue_indirect_dma source(%dma_start3A_388 : memref<20480x16xf32, #tpu.memory_space<hbm>>) target(%arg17 : memref<80x16xf32, #tpu.memory_space<vmem>>) offsets(%dma_start3A_385 : memref<80xi32, #tpu.memory_space<vmem>>) semaphore(%arg23 : memref<!tpu.dma_semaphore, #tpu.memory_space<semaphore_mem>>)
      %add3A_389 = arith.constant 1 : i32
      %add3A_390 = arith.addi %add3A_359, %add3A_389 : i32
      %dma_wait3A_391 = arith.constant 0 : i32
      %dma_wait3A_392 = tpu.memref_slice %arg8[%add3A_390, %dma_wait3A_391] : memref<125x80xi32, #tpu.memory_space<vmem>> -> memref<1x80xi32, #tpu.memory_space<vmem>>
      %dma_wait3A_393 = tpu.memref_squeeze %dma_wait3A_392 : memref<1x80xi32, #tpu.memory_space<vmem>> -> memref<80xi32, #tpu.memory_space<vmem>>
      %dma_wait3A_394 = arith.constant 0 : i32
      %dma_wait3A_395 = arith.constant 0 : i32
      %dma_wait3A_396 = tpu.memref_slice %arg7[%dma_wait3A_394, %dma_wait3A_395] : memref<20480x16xf32, #tpu.memory_space<hbm>> -> memref<20480x16xf32, #tpu.memory_space<hbm>>
      tpu.wait_indirect_dma semaphore(%arg26 : memref<!tpu.dma_semaphore, #tpu.memory_space<semaphore_mem>>) src(%dma_wait3A_396 : memref<20480x16xf32, #tpu.memory_space<hbm>>) dst(%arg20 : memref<80x16xf32, #tpu.memory_space<vmem>>)
      %dma_start3A_397 = arith.constant 0 : i32
      %dma_start3A_398 = tpu.memref_slice %arg9[%add3A_390, %dma_start3A_397] : memref<125x80xi32, #tpu.memory_space<vmem>> -> memref<1x80xi32, #tpu.memory_space<vmem>>
      %dma_start3A_399 = tpu.memref_squeeze %dma_start3A_398 : memref<1x80xi32, #tpu.memory_space<vmem>> -> memref<80xi32, #tpu.memory_space<vmem>>
      %dma_start3A_400 = arith.constant 0 : i32
      %dma_start3A_401 = arith.constant 0 : i32
      %dma_start3A_402 = tpu.memref_slice %arg21[%dma_start3A_400, %dma_start3A_401] : memref<10240x16xf32, #tpu.memory_space<vmem_shared>> -> memref<10240x16xf32, #tpu.memory_space<vmem_shared>>
      tpu.enqueue_indirect_dma source(%arg20 : memref<80x16xf32, #tpu.memory_space<vmem>>) target(%dma_start3A_402 : memref<10240x16xf32, #tpu.memory_space<vmem_shared>>) offsets(%dma_start3A_399 : memref<80xi32, #tpu.memory_space<vmem>>) semaphore(%arg30 : memref<!tpu.dma_semaphore, #tpu.memory_space<semaphore_mem>>) {add = true}
      %add3A_403 = arith.constant 2 : i32
      %add3A_404 = arith.addi %add3A_390, %add3A_403 : i32
      %sub3A_405 = arith.constant 4 : i32
      %sub3A_406 = arith.subi %add3A_404, %sub3A_405 : i32
      %dma_wait3A_407 = arith.constant 0 : i32
      %dma_wait3A_408 = tpu.memref_slice %arg9[%sub3A_406, %dma_wait3A_407] : memref<125x80xi32, #tpu.memory_space<vmem>> -> memref<1x80xi32, #tpu.memory_space<vmem>>
      %dma_wait3A_409 = tpu.memref_squeeze %dma_wait3A_408 : memref<1x80xi32, #tpu.memory_space<vmem>> -> memref<80xi32, #tpu.memory_space<vmem>>
      %dma_wait3A_410 = arith.constant 0 : i32
      %dma_wait3A_411 = arith.constant 0 : i32
      %dma_wait3A_412 = tpu.memref_slice %arg21[%dma_wait3A_410, %dma_wait3A_411] : memref<10240x16xf32, #tpu.memory_space<vmem_shared>> -> memref<10240x16xf32, #tpu.memory_space<vmem_shared>>
      tpu.wait_indirect_dma semaphore(%arg28 : memref<!tpu.dma_semaphore, #tpu.memory_space<semaphore_mem>>) src(%arg18 : memref<80x16xf32, #tpu.memory_space<vmem>>) dst(%dma_wait3A_412 : memref<10240x16xf32, #tpu.memory_space<vmem_shared>>)
      %dma_start3A_413 = arith.constant 0 : i32
      %dma_start3A_414 = tpu.memref_slice %arg8[%add3A_404, %dma_start3A_413] : memref<125x80xi32, #tpu.memory_space<vmem>> -> memref<1x80xi32, #tpu.memory_space<vmem>>
      %dma_start3A_415 = tpu.memref_squeeze %dma_start3A_414 : memref<1x80xi32, #tpu.memory_space<vmem>> -> memref<80xi32, #tpu.memory_space<vmem>>
      %dma_start3A_416 = arith.constant 0 : i32
      %dma_start3A_417 = arith.constant 0 : i32
      %dma_start3A_418 = tpu.memref_slice %arg7[%dma_start3A_416, %dma_start3A_417] : memref<20480x16xf32, #tpu.memory_space<hbm>> -> memref<20480x16xf32, #tpu.memory_space<hbm>>
      tpu.enqueue_indirect_dma source(%dma_start3A_418 : memref<20480x16xf32, #tpu.memory_space<hbm>>) target(%arg18 : memref<80x16xf32, #tpu.memory_space<vmem>>) offsets(%dma_start3A_415 : memref<80xi32, #tpu.memory_space<vmem>>) semaphore(%arg24 : memref<!tpu.dma_semaphore, #tpu.memory_space<semaphore_mem>>)
      %add3A_419 = arith.constant 2 : i32
      %add3A_420 = arith.addi %add3A_359, %add3A_419 : i32
      %dma_wait3A_421 = arith.constant 0 : i32
      %dma_wait3A_422 = tpu.memref_slice %arg8[%add3A_420, %dma_wait3A_421] : memref<125x80xi32, #tpu.memory_space<vmem>> -> memref<1x80xi32, #tpu.memory_space<vmem>>
      %dma_wait3A_423 = tpu.memref_squeeze %dma_wait3A_422 : memref<1x80xi32, #tpu.memory_space<vmem>> -> memref<80xi32, #tpu.memory_space<vmem>>
      %dma_wait3A_424 = arith.constant 0 : i32
      %dma_wait3A_425 = arith.constant 0 : i32
      %dma_wait3A_426 = tpu.memref_slice %arg7[%dma_wait3A_424, %dma_wait3A_425] : memref<20480x16xf32, #tpu.memory_space<hbm>> -> memref<20480x16xf32, #tpu.memory_space<hbm>>
      tpu.wait_indirect_dma semaphore(%arg23 : memref<!tpu.dma_semaphore, #tpu.memory_space<semaphore_mem>>) src(%dma_wait3A_426 : memref<20480x16xf32, #tpu.memory_space<hbm>>) dst(%arg17 : memref<80x16xf32, #tpu.memory_space<vmem>>)
      %dma_start3A_427 = arith.constant 0 : i32
      %dma_start3A_428 = tpu.memref_slice %arg9[%add3A_420, %dma_start3A_427] : memref<125x80xi32, #tpu.memory_space<vmem>> -> memref<1x80xi32, #tpu.memory_space<vmem>>
      %dma_start3A_429 = tpu.memref_squeeze %dma_start3A_428 : memref<1x80xi32, #tpu.memory_space<vmem>> -> memref<80xi32, #tpu.memory_space<vmem>>
      %dma_start3A_430 = arith.constant 0 : i32
      %dma_start3A_431 = arith.constant 0 : i32
      %dma_start3A_432 = tpu.memref_slice %arg21[%dma_start3A_430, %dma_start3A_431] : memref<10240x16xf32, #tpu.memory_space<vmem_shared>> -> memref<10240x16xf32, #tpu.memory_space<vmem_shared>>
      tpu.enqueue_indirect_dma source(%arg17 : memref<80x16xf32, #tpu.memory_space<vmem>>) target(%dma_start3A_432 : memref<10240x16xf32, #tpu.memory_space<vmem_shared>>) offsets(%dma_start3A_429 : memref<80xi32, #tpu.memory_space<vmem>>) semaphore(%arg27 : memref<!tpu.dma_semaphore, #tpu.memory_space<semaphore_mem>>) {add = true}
      %add3A_433 = arith.constant 2 : i32
      %add3A_434 = arith.addi %add3A_420, %add3A_433 : i32
      %sub3A_435 = arith.constant 4 : i32
      %sub3A_436 = arith.subi %add3A_434, %sub3A_435 : i32
      %dma_wait3A_437 = arith.constant 0 : i32
      %dma_wait3A_438 = tpu.memref_slice %arg9[%sub3A_436, %dma_wait3A_437] : memref<125x80xi32, #tpu.memory_space<vmem>> -> memref<1x80xi32, #tpu.memory_space<vmem>>
      %dma_wait3A_439 = tpu.memref_squeeze %dma_wait3A_438 : memref<1x80xi32, #tpu.memory_space<vmem>> -> memref<80xi32, #tpu.memory_space<vmem>>
      %dma_wait3A_440 = arith.constant 0 : i32
      %dma_wait3A_441 = arith.constant 0 : i32
      %dma_wait3A_442 = tpu.memref_slice %arg21[%dma_wait3A_440, %dma_wait3A_441] : memref<10240x16xf32, #tpu.memory_space<vmem_shared>> -> memref<10240x16xf32, #tpu.memory_space<vmem_shared>>
      tpu.wait_indirect_dma semaphore(%arg29 : memref<!tpu.dma_semaphore, #tpu.memory_space<semaphore_mem>>) src(%arg19 : memref<80x16xf32, #tpu.memory_space<vmem>>) dst(%dma_wait3A_442 : memref<10240x16xf32, #tpu.memory_space<vmem_shared>>)
      %dma_start3A_443 = arith.constant 0 : i32
      %dma_start3A_444 = tpu.memref_slice %arg8[%add3A_434, %dma_start3A_443] : memref<125x80xi32, #tpu.memory_space<vmem>> -> memref<1x80xi32, #tpu.memory_space<vmem>>
      %dma_start3A_445 = tpu.memref_squeeze %dma_start3A_444 : memref<1x80xi32, #tpu.memory_space<vmem>> -> memref<80xi32, #tpu.memory_space<vmem>>
      %dma_start3A_446 = arith.constant 0 : i32
      %dma_start3A_447 = arith.constant 0 : i32
      %dma_start3A_448 = tpu.memref_slice %arg7[%dma_start3A_446, %dma_start3A_447] : memref<20480x16xf32, #tpu.memory_space<hbm>> -> memref<20480x16xf32, #tpu.memory_space<hbm>>
      tpu.enqueue_indirect_dma source(%dma_start3A_448 : memref<20480x16xf32, #tpu.memory_space<hbm>>) target(%arg19 : memref<80x16xf32, #tpu.memory_space<vmem>>) offsets(%dma_start3A_445 : memref<80xi32, #tpu.memory_space<vmem>>) semaphore(%arg25 : memref<!tpu.dma_semaphore, #tpu.memory_space<semaphore_mem>>)
      %add3A_449 = arith.constant 3 : i32
      %add3A_450 = arith.addi %add3A_359, %add3A_449 : i32
      %dma_wait3A_451 = arith.constant 0 : i32
      %dma_wait3A_452 = tpu.memref_slice %arg8[%add3A_450, %dma_wait3A_451] : memref<125x80xi32, #tpu.memory_space<vmem>> -> memref<1x80xi32, #tpu.memory_space<vmem>>
      %dma_wait3A_453 = tpu.memref_squeeze %dma_wait3A_452 : memref<1x80xi32, #tpu.memory_space<vmem>> -> memref<80xi32, #tpu.memory_space<vmem>>
      %dma_wait3A_454 = arith.constant 0 : i32
      %dma_wait3A_455 = arith.constant 0 : i32
      %dma_wait3A_456 = tpu.memref_slice %arg7[%dma_wait3A_454, %dma_wait3A_455] : memref<20480x16xf32, #tpu.memory_space<hbm>> -> memref<20480x16xf32, #tpu.memory_space<hbm>>
      tpu.wait_indirect_dma semaphore(%arg24 : memref<!tpu.dma_semaphore, #tpu.memory_space<semaphore_mem>>) src(%dma_wait3A_456 : memref<20480x16xf32, #tpu.memory_space<hbm>>) dst(%arg18 : memref<80x16xf32, #tpu.memory_space<vmem>>)
      %dma_start3A_457 = arith.constant 0 : i32
      %dma_start3A_458 = tpu.memref_slice %arg9[%add3A_450, %dma_start3A_457] : memref<125x80xi32, #tpu.memory_space<vmem>> -> memref<1x80xi32, #tpu.memory_space<vmem>>
      %dma_start3A_459 = tpu.memref_squeeze %dma_start3A_458 : memref<1x80xi32, #tpu.memory_space<vmem>> -> memref<80xi32, #tpu.memory_space<vmem>>
      %dma_start3A_460 = arith.constant 0 : i32
      %dma_start3A_461 = arith.constant 0 : i32
      %dma_start3A_462 = tpu.memref_slice %arg21[%dma_start3A_460, %dma_start3A_461] : memref<10240x16xf32, #tpu.memory_space<vmem_shared>> -> memref<10240x16xf32, #tpu.memory_space<vmem_shared>>
      tpu.enqueue_indirect_dma source(%arg18 : memref<80x16xf32, #tpu.memory_space<vmem>>) target(%dma_start3A_462 : memref<10240x16xf32, #tpu.memory_space<vmem_shared>>) offsets(%dma_start3A_459 : memref<80xi32, #tpu.memory_space<vmem>>) semaphore(%arg28 : memref<!tpu.dma_semaphore, #tpu.memory_space<semaphore_mem>>) {add = true}
      %add3A_463 = arith.constant 2 : i32
      %add3A_464 = arith.addi %add3A_450, %add3A_463 : i32
      %sub3A_465 = arith.constant 4 : i32
      %sub3A_466 = arith.subi %add3A_464, %sub3A_465 : i32
      %dma_wait3A_467 = arith.constant 0 : i32
      %dma_wait3A_468 = tpu.memref_slice %arg9[%sub3A_466, %dma_wait3A_467] : memref<125x80xi32, #tpu.memory_space<vmem>> -> memref<1x80xi32, #tpu.memory_space<vmem>>
      %dma_wait3A_469 = tpu.memref_squeeze %dma_wait3A_468 : memref<1x80xi32, #tpu.memory_space<vmem>> -> memref<80xi32, #tpu.memory_space<vmem>>
      %dma_wait3A_470 = arith.constant 0 : i32
      %dma_wait3A_471 = arith.constant 0 : i32
      %dma_wait3A_472 = tpu.memref_slice %arg21[%dma_wait3A_470, %dma_wait3A_471] : memref<10240x16xf32, #tpu.memory_space<vmem_shared>> -> memref<10240x16xf32, #tpu.memory_space<vmem_shared>>
      tpu.wait_indirect_dma semaphore(%arg30 : memref<!tpu.dma_semaphore, #tpu.memory_space<semaphore_mem>>) src(%arg20 : memref<80x16xf32, #tpu.memory_space<vmem>>) dst(%dma_wait3A_472 : memref<10240x16xf32, #tpu.memory_space<vmem_shared>>)
      %dma_start3A_473 = arith.constant 0 : i32
      %dma_start3A_474 = tpu.memref_slice %arg8[%add3A_464, %dma_start3A_473] : memref<125x80xi32, #tpu.memory_space<vmem>> -> memref<1x80xi32, #tpu.memory_space<vmem>>
      %dma_start3A_475 = tpu.memref_squeeze %dma_start3A_474 : memref<1x80xi32, #tpu.memory_space<vmem>> -> memref<80xi32, #tpu.memory_space<vmem>>
      %dma_start3A_476 = arith.constant 0 : i32
      %dma_start3A_477 = arith.constant 0 : i32
      %dma_start3A_478 = tpu.memref_slice %arg7[%dma_start3A_476, %dma_start3A_477] : memref<20480x16xf32, #tpu.memory_space<hbm>> -> memref<20480x16xf32, #tpu.memory_space<hbm>>
      tpu.enqueue_indirect_dma source(%dma_start3A_478 : memref<20480x16xf32, #tpu.memory_space<hbm>>) target(%arg20 : memref<80x16xf32, #tpu.memory_space<vmem>>) offsets(%dma_start3A_475 : memref<80xi32, #tpu.memory_space<vmem>>) semaphore(%arg26 : memref<!tpu.dma_semaphore, #tpu.memory_space<semaphore_mem>>)
    }
    %scan3A_143 = arith.constant 29 : i32
    %dma_wait3A_144 = arith.constant 118 : i32
    %dma_wait3A_145 = arith.constant 0 : i32
    %dma_wait3A_146 = tpu.memref_slice %arg8[%dma_wait3A_144, %dma_wait3A_145] : memref<125x80xi32, #tpu.memory_space<vmem>> -> memref<1x80xi32, #tpu.memory_space<vmem>>
    %dma_wait3A_147 = tpu.memref_squeeze %dma_wait3A_146 : memref<1x80xi32, #tpu.memory_space<vmem>> -> memref<80xi32, #tpu.memory_space<vmem>>
    %dma_wait3A_148 = arith.constant 0 : i32
    %dma_wait3A_149 = arith.constant 0 : i32
    %dma_wait3A_150 = tpu.memref_slice %arg7[%dma_wait3A_148, %dma_wait3A_149] : memref<20480x16xf32, #tpu.memory_space<hbm>> -> memref<20480x16xf32, #tpu.memory_space<hbm>>
    tpu.wait_indirect_dma semaphore(%arg25 : memref<!tpu.dma_semaphore, #tpu.memory_space<semaphore_mem>>) src(%dma_wait3A_150 : memref<20480x16xf32, #tpu.memory_space<hbm>>) dst(%arg19 : memref<80x16xf32, #tpu.memory_space<vmem>>)
    %dma_start3A_151 = arith.constant 118 : i32
    %dma_start3A_152 = arith.constant 0 : i32
    %dma_start3A_153 = tpu.memref_slice %arg9[%dma_start3A_151, %dma_start3A_152] : memref<125x80xi32, #tpu.memory_space<vmem>> -> memref<1x80xi32, #tpu.memory_space<vmem>>
    %dma_start3A_154 = tpu.memref_squeeze %dma_start3A_153 : memref<1x80xi32, #tpu.memory_space<vmem>> -> memref<80xi32, #tpu.memory_space<vmem>>
    %dma_start3A_155 = arith.constant 0 : i32
    %dma_start3A_156 = arith.constant 0 : i32
    %dma_start3A_157 = tpu.memref_slice %arg21[%dma_start3A_155, %dma_start3A_156] : memref<10240x16xf32, #tpu.memory_space<vmem_shared>> -> memref<10240x16xf32, #tpu.memory_space<vmem_shared>>
    tpu.enqueue_indirect_dma source(%arg19 : memref<80x16xf32, #tpu.memory_space<vmem>>) target(%dma_start3A_157 : memref<10240x16xf32, #tpu.memory_space<vmem_shared>>) offsets(%dma_start3A_154 : memref<80xi32, #tpu.memory_space<vmem>>) semaphore(%arg29 : memref<!tpu.dma_semaphore, #tpu.memory_space<semaphore_mem>>) {add = true}
    %dma_wait3A_158 = arith.constant 116 : i32
    %dma_wait3A_159 = arith.constant 0 : i32
    %dma_wait3A_160 = tpu.memref_slice %arg9[%dma_wait3A_158, %dma_wait3A_159] : memref<125x80xi32, #tpu.memory_space<vmem>> -> memref<1x80xi32, #tpu.memory_space<vmem>>
    %dma_wait3A_161 = tpu.memref_squeeze %dma_wait3A_160 : memref<1x80xi32, #tpu.memory_space<vmem>> -> memref<80xi32, #tpu.memory_space<vmem>>
    %dma_wait3A_162 = arith.constant 0 : i32
    %dma_wait3A_163 = arith.constant 0 : i32
    %dma_wait3A_164 = tpu.memref_slice %arg21[%dma_wait3A_162, %dma_wait3A_163] : memref<10240x16xf32, #tpu.memory_space<vmem_shared>> -> memref<10240x16xf32, #tpu.memory_space<vmem_shared>>
    tpu.wait_indirect_dma semaphore(%arg27 : memref<!tpu.dma_semaphore, #tpu.memory_space<semaphore_mem>>) src(%arg17 : memref<80x16xf32, #tpu.memory_space<vmem>>) dst(%dma_wait3A_164 : memref<10240x16xf32, #tpu.memory_space<vmem_shared>>)
    %dma_start3A_165 = arith.constant 120 : i32
    %dma_start3A_166 = arith.constant 0 : i32
    %dma_start3A_167 = tpu.memref_slice %arg8[%dma_start3A_165, %dma_start3A_166] : memref<125x80xi32, #tpu.memory_space<vmem>> -> memref<1x80xi32, #tpu.memory_space<vmem>>
    %dma_start3A_168 = tpu.memref_squeeze %dma_start3A_167 : memref<1x80xi32, #tpu.memory_space<vmem>> -> memref<80xi32, #tpu.memory_space<vmem>>
    %dma_start3A_169 = arith.constant 0 : i32
    %dma_start3A_170 = arith.constant 0 : i32
    %dma_start3A_171 = tpu.memref_slice %arg7[%dma_start3A_169, %dma_start3A_170] : memref<20480x16xf32, #tpu.memory_space<hbm>> -> memref<20480x16xf32, #tpu.memory_space<hbm>>
    tpu.enqueue_indirect_dma source(%dma_start3A_171 : memref<20480x16xf32, #tpu.memory_space<hbm>>) target(%arg17 : memref<80x16xf32, #tpu.memory_space<vmem>>) offsets(%dma_start3A_168 : memref<80xi32, #tpu.memory_space<vmem>>) semaphore(%arg23 : memref<!tpu.dma_semaphore, #tpu.memory_space<semaphore_mem>>)
    %dma_wait3A_172 = arith.constant 119 : i32
    %dma_wait3A_173 = arith.constant 0 : i32
    %dma_wait3A_174 = tpu.memref_slice %arg8[%dma_wait3A_172, %dma_wait3A_173] : memref<125x80xi32, #tpu.memory_space<vmem>> -> memref<1x80xi32, #tpu.memory_space<vmem>>
    %dma_wait3A_175 = tpu.memref_squeeze %dma_wait3A_174 : memref<1x80xi32, #tpu.memory_space<vmem>> -> memref<80xi32, #tpu.memory_space<vmem>>
    %dma_wait3A_176 = arith.constant 0 : i32
    %dma_wait3A_177 = arith.constant 0 : i32
    %dma_wait3A_178 = tpu.memref_slice %arg7[%dma_wait3A_176, %dma_wait3A_177] : memref<20480x16xf32, #tpu.memory_space<hbm>> -> memref<20480x16xf32, #tpu.memory_space<hbm>>
    tpu.wait_indirect_dma semaphore(%arg26 : memref<!tpu.dma_semaphore, #tpu.memory_space<semaphore_mem>>) src(%dma_wait3A_178 : memref<20480x16xf32, #tpu.memory_space<hbm>>) dst(%arg20 : memref<80x16xf32, #tpu.memory_space<vmem>>)
    %dma_start3A_179 = arith.constant 119 : i32
    %dma_start3A_180 = arith.constant 0 : i32
    %dma_start3A_181 = tpu.memref_slice %arg9[%dma_start3A_179, %dma_start3A_180] : memref<125x80xi32, #tpu.memory_space<vmem>> -> memref<1x80xi32, #tpu.memory_space<vmem>>
    %dma_start3A_182 = tpu.memref_squeeze %dma_start3A_181 : memref<1x80xi32, #tpu.memory_space<vmem>> -> memref<80xi32, #tpu.memory_space<vmem>>
    %dma_start3A_183 = arith.constant 0 : i32
    %dma_start3A_184 = arith.constant 0 : i32
    %dma_start3A_185 = tpu.memref_slice %arg21[%dma_start3A_183, %dma_start3A_184] : memref<10240x16xf32, #tpu.memory_space<vmem_shared>> -> memref<10240x16xf32, #tpu.memory_space<vmem_shared>>
    tpu.enqueue_indirect_dma source(%arg20 : memref<80x16xf32, #tpu.memory_space<vmem>>) target(%dma_start3A_185 : memref<10240x16xf32, #tpu.memory_space<vmem_shared>>) offsets(%dma_start3A_182 : memref<80xi32, #tpu.memory_space<vmem>>) semaphore(%arg30 : memref<!tpu.dma_semaphore, #tpu.memory_space<semaphore_mem>>) {add = true}
    %dma_wait3A_186 = arith.constant 117 : i32
    %dma_wait3A_187 = arith.constant 0 : i32
    %dma_wait3A_188 = tpu.memref_slice %arg9[%dma_wait3A_186, %dma_wait3A_187] : memref<125x80xi32, #tpu.memory_space<vmem>> -> memref<1x80xi32, #tpu.memory_space<vmem>>
    %dma_wait3A_189 = tpu.memref_squeeze %dma_wait3A_188 : memref<1x80xi32, #tpu.memory_space<vmem>> -> memref<80xi32, #tpu.memory_space<vmem>>
    %dma_wait3A_190 = arith.constant 0 : i32
    %dma_wait3A_191 = arith.constant 0 : i32
    %dma_wait3A_192 = tpu.memref_slice %arg21[%dma_wait3A_190, %dma_wait3A_191] : memref<10240x16xf32, #tpu.memory_space<vmem_shared>> -> memref<10240x16xf32, #tpu.memory_space<vmem_shared>>
    tpu.wait_indirect_dma semaphore(%arg28 : memref<!tpu.dma_semaphore, #tpu.memory_space<semaphore_mem>>) src(%arg18 : memref<80x16xf32, #tpu.memory_space<vmem>>) dst(%dma_wait3A_192 : memref<10240x16xf32, #tpu.memory_space<vmem_shared>>)
    %dma_start3A_193 = arith.constant 121 : i32
    %dma_start3A_194 = arith.constant 0 : i32
    %dma_start3A_195 = tpu.memref_slice %arg8[%dma_start3A_193, %dma_start3A_194] : memref<125x80xi32, #tpu.memory_space<vmem>> -> memref<1x80xi32, #tpu.memory_space<vmem>>
    %dma_start3A_196 = tpu.memref_squeeze %dma_start3A_195 : memref<1x80xi32, #tpu.memory_space<vmem>> -> memref<80xi32, #tpu.memory_space<vmem>>
    %dma_start3A_197 = arith.constant 0 : i32
    %dma_start3A_198 = arith.constant 0 : i32
    %dma_start3A_199 = tpu.memref_slice %arg7[%dma_start3A_197, %dma_start3A_198] : memref<20480x16xf32, #tpu.memory_space<hbm>> -> memref<20480x16xf32, #tpu.memory_space<hbm>>
    tpu.enqueue_indirect_dma source(%dma_start3A_199 : memref<20480x16xf32, #tpu.memory_space<hbm>>) target(%arg18 : memref<80x16xf32, #tpu.memory_space<vmem>>) offsets(%dma_start3A_196 : memref<80xi32, #tpu.memory_space<vmem>>) semaphore(%arg24 : memref<!tpu.dma_semaphore, #tpu.memory_space<semaphore_mem>>)
    %dma_wait3A_200 = arith.constant 120 : i32
    %dma_wait3A_201 = arith.constant 0 : i32
    %dma_wait3A_202 = tpu.memref_slice %arg8[%dma_wait3A_200, %dma_wait3A_201] : memref<125x80xi32, #tpu.memory_space<vmem>> -> memref<1x80xi32, #tpu.memory_space<vmem>>
    %dma_wait3A_203 = tpu.memref_squeeze %dma_wait3A_202 : memref<1x80xi32, #tpu.memory_space<vmem>> -> memref<80xi32, #tpu.memory_space<vmem>>
    %dma_wait3A_204 = arith.constant 0 : i32
    %dma_wait3A_205 = arith.constant 0 : i32
    %dma_wait3A_206 = tpu.memref_slice %arg7[%dma_wait3A_204, %dma_wait3A_205] : memref<20480x16xf32, #tpu.memory_space<hbm>> -> memref<20480x16xf32, #tpu.memory_space<hbm>>
    tpu.wait_indirect_dma semaphore(%arg23 : memref<!tpu.dma_semaphore, #tpu.memory_space<semaphore_mem>>) src(%dma_wait3A_206 : memref<20480x16xf32, #tpu.memory_space<hbm>>) dst(%arg17 : memref<80x16xf32, #tpu.memory_space<vmem>>)
    %dma_start3A_207 = arith.constant 120 : i32
    %dma_start3A_208 = arith.constant 0 : i32
    %dma_start3A_209 = tpu.memref_slice %arg9[%dma_start3A_207, %dma_start3A_208] : memref<125x80xi32, #tpu.memory_space<vmem>> -> memref<1x80xi32, #tpu.memory_space<vmem>>
    %dma_start3A_210 = tpu.memref_squeeze %dma_start3A_209 : memref<1x80xi32, #tpu.memory_space<vmem>> -> memref<80xi32, #tpu.memory_space<vmem>>
    %dma_start3A_211 = arith.constant 0 : i32
    %dma_start3A_212 = arith.constant 0 : i32
    %dma_start3A_213 = tpu.memref_slice %arg21[%dma_start3A_211, %dma_start3A_212] : memref<10240x16xf32, #tpu.memory_space<vmem_shared>> -> memref<10240x16xf32, #tpu.memory_space<vmem_shared>>
    tpu.enqueue_indirect_dma source(%arg17 : memref<80x16xf32, #tpu.memory_space<vmem>>) target(%dma_start3A_213 : memref<10240x16xf32, #tpu.memory_space<vmem_shared>>) offsets(%dma_start3A_210 : memref<80xi32, #tpu.memory_space<vmem>>) semaphore(%arg27 : memref<!tpu.dma_semaphore, #tpu.memory_space<semaphore_mem>>) {add = true}
    %dma_wait3A_214 = arith.constant 118 : i32
    %dma_wait3A_215 = arith.constant 0 : i32
    %dma_wait3A_216 = tpu.memref_slice %arg9[%dma_wait3A_214, %dma_wait3A_215] : memref<125x80xi32, #tpu.memory_space<vmem>> -> memref<1x80xi32, #tpu.memory_space<vmem>>
    %dma_wait3A_217 = tpu.memref_squeeze %dma_wait3A_216 : memref<1x80xi32, #tpu.memory_space<vmem>> -> memref<80xi32, #tpu.memory_space<vmem>>
    %dma_wait3A_218 = arith.constant 0 : i32
    %dma_wait3A_219 = arith.constant 0 : i32
    %dma_wait3A_220 = tpu.memref_slice %arg21[%dma_wait3A_218, %dma_wait3A_219] : memref<10240x16xf32, #tpu.memory_space<vmem_shared>> -> memref<10240x16xf32, #tpu.memory_space<vmem_shared>>
    tpu.wait_indirect_dma semaphore(%arg29 : memref<!tpu.dma_semaphore, #tpu.memory_space<semaphore_mem>>) src(%arg19 : memref<80x16xf32, #tpu.memory_space<vmem>>) dst(%dma_wait3A_220 : memref<10240x16xf32, #tpu.memory_space<vmem_shared>>)
    %dma_start3A_221 = arith.constant 122 : i32
    %dma_start3A_222 = arith.constant 0 : i32
    %dma_start3A_223 = tpu.memref_slice %arg8[%dma_start3A_221, %dma_start3A_222] : memref<125x80xi32, #tpu.memory_space<vmem>> -> memref<1x80xi32, #tpu.memory_space<vmem>>
    %dma_start3A_224 = tpu.memref_squeeze %dma_start3A_223 : memref<1x80xi32, #tpu.memory_space<vmem>> -> memref<80xi32, #tpu.memory_space<vmem>>
    %dma_start3A_225 = arith.constant 0 : i32
    %dma_start3A_226 = arith.constant 0 : i32
    %dma_start3A_227 = tpu.memref_slice %arg7[%dma_start3A_225, %dma_start3A_226] : memref<20480x16xf32, #tpu.memory_space<hbm>> -> memref<20480x16xf32, #tpu.memory_space<hbm>>
    tpu.enqueue_indirect_dma source(%dma_start3A_227 : memref<20480x16xf32, #tpu.memory_space<hbm>>) target(%arg19 : memref<80x16xf32, #tpu.memory_space<vmem>>) offsets(%dma_start3A_224 : memref<80xi32, #tpu.memory_space<vmem>>) semaphore(%arg25 : memref<!tpu.dma_semaphore, #tpu.memory_space<semaphore_mem>>)
    %dma_wait3A_228 = arith.constant 121 : i32
    %dma_wait3A_229 = arith.constant 0 : i32
    %dma_wait3A_230 = tpu.memref_slice %arg8[%dma_wait3A_228, %dma_wait3A_229] : memref<125x80xi32, #tpu.memory_space<vmem>> -> memref<1x80xi32, #tpu.memory_space<vmem>>
    %dma_wait3A_231 = tpu.memref_squeeze %dma_wait3A_230 : memref<1x80xi32, #tpu.memory_space<vmem>> -> memref<80xi32, #tpu.memory_space<vmem>>
    %dma_wait3A_232 = arith.constant 0 : i32
    %dma_wait3A_233 = arith.constant 0 : i32
    %dma_wait3A_234 = tpu.memref_slice %arg7[%dma_wait3A_232, %dma_wait3A_233] : memref<20480x16xf32, #tpu.memory_space<hbm>> -> memref<20480x16xf32, #tpu.memory_space<hbm>>
    tpu.wait_indirect_dma semaphore(%arg24 : memref<!tpu.dma_semaphore, #tpu.memory_space<semaphore_mem>>) src(%dma_wait3A_234 : memref<20480x16xf32, #tpu.memory_space<hbm>>) dst(%arg18 : memref<80x16xf32, #tpu.memory_space<vmem>>)
    %dma_start3A_235 = arith.constant 121 : i32
    %dma_start3A_236 = arith.constant 0 : i32
    %dma_start3A_237 = tpu.memref_slice %arg9[%dma_start3A_235, %dma_start3A_236] : memref<125x80xi32, #tpu.memory_space<vmem>> -> memref<1x80xi32, #tpu.memory_space<vmem>>
    %dma_start3A_238 = tpu.memref_squeeze %dma_start3A_237 : memref<1x80xi32, #tpu.memory_space<vmem>> -> memref<80xi32, #tpu.memory_space<vmem>>
    %dma_start3A_239 = arith.constant 0 : i32
    %dma_start3A_240 = arith.constant 0 : i32
    %dma_start3A_241 = tpu.memref_slice %arg21[%dma_start3A_239, %dma_start3A_240] : memref<10240x16xf32, #tpu.memory_space<vmem_shared>> -> memref<10240x16xf32, #tpu.memory_space<vmem_shared>>
    tpu.enqueue_indirect_dma source(%arg18 : memref<80x16xf32, #tpu.memory_space<vmem>>) target(%dma_start3A_241 : memref<10240x16xf32, #tpu.memory_space<vmem_shared>>) offsets(%dma_start3A_238 : memref<80xi32, #tpu.memory_space<vmem>>) semaphore(%arg28 : memref<!tpu.dma_semaphore, #tpu.memory_space<semaphore_mem>>) {add = true}
    %dma_wait3A_242 = arith.constant 119 : i32
    %dma_wait3A_243 = arith.constant 0 : i32
    %dma_wait3A_244 = tpu.memref_slice %arg9[%dma_wait3A_242, %dma_wait3A_243] : memref<125x80xi32, #tpu.memory_space<vmem>> -> memref<1x80xi32, #tpu.memory_space<vmem>>
    %dma_wait3A_245 = tpu.memref_squeeze %dma_wait3A_244 : memref<1x80xi32, #tpu.memory_space<vmem>> -> memref<80xi32, #tpu.memory_space<vmem>>
    %dma_wait3A_246 = arith.constant 0 : i32
    %dma_wait3A_247 = arith.constant 0 : i32
    %dma_wait3A_248 = tpu.memref_slice %arg21[%dma_wait3A_246, %dma_wait3A_247] : memref<10240x16xf32, #tpu.memory_space<vmem_shared>> -> memref<10240x16xf32, #tpu.memory_space<vmem_shared>>
    tpu.wait_indirect_dma semaphore(%arg30 : memref<!tpu.dma_semaphore, #tpu.memory_space<semaphore_mem>>) src(%arg20 : memref<80x16xf32, #tpu.memory_space<vmem>>) dst(%dma_wait3A_248 : memref<10240x16xf32, #tpu.memory_space<vmem_shared>>)
    %dma_start3A_249 = arith.constant 123 : i32
    %dma_start3A_250 = arith.constant 0 : i32
    %dma_start3A_251 = tpu.memref_slice %arg8[%dma_start3A_249, %dma_start3A_250] : memref<125x80xi32, #tpu.memory_space<vmem>> -> memref<1x80xi32, #tpu.memory_space<vmem>>
    %dma_start3A_252 = tpu.memref_squeeze %dma_start3A_251 : memref<1x80xi32, #tpu.memory_space<vmem>> -> memref<80xi32, #tpu.memory_space<vmem>>
    %dma_start3A_253 = arith.constant 0 : i32
    %dma_start3A_254 = arith.constant 0 : i32
    %dma_start3A_255 = tpu.memref_slice %arg7[%dma_start3A_253, %dma_start3A_254] : memref<20480x16xf32, #tpu.memory_space<hbm>> -> memref<20480x16xf32, #tpu.memory_space<hbm>>
    tpu.enqueue_indirect_dma source(%dma_start3A_255 : memref<20480x16xf32, #tpu.memory_space<hbm>>) target(%arg20 : memref<80x16xf32, #tpu.memory_space<vmem>>) offsets(%dma_start3A_252 : memref<80xi32, #tpu.memory_space<vmem>>) semaphore(%arg26 : memref<!tpu.dma_semaphore, #tpu.memory_space<semaphore_mem>>)
    %dma_wait3A_256 = arith.constant 122 : i32
    %dma_wait3A_257 = arith.constant 0 : i32
    %dma_wait3A_258 = tpu.memref_slice %arg8[%dma_wait3A_256, %dma_wait3A_257] : memref<125x80xi32, #tpu.memory_space<vmem>> -> memref<1x80xi32, #tpu.memory_space<vmem>>
    %dma_wait3A_259 = tpu.memref_squeeze %dma_wait3A_258 : memref<1x80xi32, #tpu.memory_space<vmem>> -> memref<80xi32, #tpu.memory_space<vmem>>
    %dma_wait3A_260 = arith.constant 0 : i32
    %dma_wait3A_261 = arith.constant 0 : i32
    %dma_wait3A_262 = tpu.memref_slice %arg7[%dma_wait3A_260, %dma_wait3A_261] : memref<20480x16xf32, #tpu.memory_space<hbm>> -> memref<20480x16xf32, #tpu.memory_space<hbm>>
    tpu.wait_indirect_dma semaphore(%arg25 : memref<!tpu.dma_semaphore, #tpu.memory_space<semaphore_mem>>) src(%dma_wait3A_262 : memref<20480x16xf32, #tpu.memory_space<hbm>>) dst(%arg19 : memref<80x16xf32, #tpu.memory_space<vmem>>)
    %dma_start3A_263 = arith.constant 122 : i32
    %dma_start3A_264 = arith.constant 0 : i32
    %dma_start3A_265 = tpu.memref_slice %arg9[%dma_start3A_263, %dma_start3A_264] : memref<125x80xi32, #tpu.memory_space<vmem>> -> memref<1x80xi32, #tpu.memory_space<vmem>>
    %dma_start3A_266 = tpu.memref_squeeze %dma_start3A_265 : memref<1x80xi32, #tpu.memory_space<vmem>> -> memref<80xi32, #tpu.memory_space<vmem>>
    %dma_start3A_267 = arith.constant 0 : i32
    %dma_start3A_268 = arith.constant 0 : i32
    %dma_start3A_269 = tpu.memref_slice %arg21[%dma_start3A_267, %dma_start3A_268] : memref<10240x16xf32, #tpu.memory_space<vmem_shared>> -> memref<10240x16xf32, #tpu.memory_space<vmem_shared>>
    tpu.enqueue_indirect_dma source(%arg19 : memref<80x16xf32, #tpu.memory_space<vmem>>) target(%dma_start3A_269 : memref<10240x16xf32, #tpu.memory_space<vmem_shared>>) offsets(%dma_start3A_266 : memref<80xi32, #tpu.memory_space<vmem>>) semaphore(%arg29 : memref<!tpu.dma_semaphore, #tpu.memory_space<semaphore_mem>>) {add = true}
    %dma_wait3A_270 = arith.constant 120 : i32
    %dma_wait3A_271 = arith.constant 0 : i32
    %dma_wait3A_272 = tpu.memref_slice %arg9[%dma_wait3A_270, %dma_wait3A_271] : memref<125x80xi32, #tpu.memory_space<vmem>> -> memref<1x80xi32, #tpu.memory_space<vmem>>
    %dma_wait3A_273 = tpu.memref_squeeze %dma_wait3A_272 : memref<1x80xi32, #tpu.memory_space<vmem>> -> memref<80xi32, #tpu.memory_space<vmem>>
    %dma_wait3A_274 = arith.constant 0 : i32
    %dma_wait3A_275 = arith.constant 0 : i32
    %dma_wait3A_276 = tpu.memref_slice %arg21[%dma_wait3A_274, %dma_wait3A_275] : memref<10240x16xf32, #tpu.memory_space<vmem_shared>> -> memref<10240x16xf32, #tpu.memory_space<vmem_shared>>
    tpu.wait_indirect_dma semaphore(%arg27 : memref<!tpu.dma_semaphore, #tpu.memory_space<semaphore_mem>>) src(%arg17 : memref<80x16xf32, #tpu.memory_space<vmem>>) dst(%dma_wait3A_276 : memref<10240x16xf32, #tpu.memory_space<vmem_shared>>)
    %dma_start3A_277 = arith.constant 124 : i32
    %dma_start3A_278 = arith.constant 0 : i32
    %dma_start3A_279 = tpu.memref_slice %arg8[%dma_start3A_277, %dma_start3A_278] : memref<125x80xi32, #tpu.memory_space<vmem>> -> memref<1x80xi32, #tpu.memory_space<vmem>>
    %dma_start3A_280 = tpu.memref_squeeze %dma_start3A_279 : memref<1x80xi32, #tpu.memory_space<vmem>> -> memref<80xi32, #tpu.memory_space<vmem>>
    %dma_start3A_281 = arith.constant 0 : i32
    %dma_start3A_282 = arith.constant 0 : i32
    %dma_start3A_283 = tpu.memref_slice %arg7[%dma_start3A_281, %dma_start3A_282] : memref<20480x16xf32, #tpu.memory_space<hbm>> -> memref<20480x16xf32, #tpu.memory_space<hbm>>
    tpu.enqueue_indirect_dma source(%dma_start3A_283 : memref<20480x16xf32, #tpu.memory_space<hbm>>) target(%arg17 : memref<80x16xf32, #tpu.memory_space<vmem>>) offsets(%dma_start3A_280 : memref<80xi32, #tpu.memory_space<vmem>>) semaphore(%arg23 : memref<!tpu.dma_semaphore, #tpu.memory_space<semaphore_mem>>)
    %dma_wait3A_284 = arith.constant 123 : i32
    %dma_wait3A_285 = arith.constant 0 : i32
    %dma_wait3A_286 = tpu.memref_slice %arg8[%dma_wait3A_284, %dma_wait3A_285] : memref<125x80xi32, #tpu.memory_space<vmem>> -> memref<1x80xi32, #tpu.memory_space<vmem>>
    %dma_wait3A_287 = tpu.memref_squeeze %dma_wait3A_286 : memref<1x80xi32, #tpu.memory_space<vmem>> -> memref<80xi32, #tpu.memory_space<vmem>>
    %dma_wait3A_288 = arith.constant 0 : i32
    %dma_wait3A_289 = arith.constant 0 : i32
    %dma_wait3A_290 = tpu.memref_slice %arg7[%dma_wait3A_288, %dma_wait3A_289] : memref<20480x16xf32, #tpu.memory_space<hbm>> -> memref<20480x16xf32, #tpu.memory_space<hbm>>
    tpu.wait_indirect_dma semaphore(%arg26 : memref<!tpu.dma_semaphore, #tpu.memory_space<semaphore_mem>>) src(%dma_wait3A_290 : memref<20480x16xf32, #tpu.memory_space<hbm>>) dst(%arg20 : memref<80x16xf32, #tpu.memory_space<vmem>>)
    %dma_start3A_291 = arith.constant 123 : i32
    %dma_start3A_292 = arith.constant 0 : i32
    %dma_start3A_293 = tpu.memref_slice %arg9[%dma_start3A_291, %dma_start3A_292] : memref<125x80xi32, #tpu.memory_space<vmem>> -> memref<1x80xi32, #tpu.memory_space<vmem>>
    %dma_start3A_294 = tpu.memref_squeeze %dma_start3A_293 : memref<1x80xi32, #tpu.memory_space<vmem>> -> memref<80xi32, #tpu.memory_space<vmem>>
    %dma_start3A_295 = arith.constant 0 : i32
    %dma_start3A_296 = arith.constant 0 : i32
    %dma_start3A_297 = tpu.memref_slice %arg21[%dma_start3A_295, %dma_start3A_296] : memref<10240x16xf32, #tpu.memory_space<vmem_shared>> -> memref<10240x16xf32, #tpu.memory_space<vmem_shared>>
    tpu.enqueue_indirect_dma source(%arg20 : memref<80x16xf32, #tpu.memory_space<vmem>>) target(%dma_start3A_297 : memref<10240x16xf32, #tpu.memory_space<vmem_shared>>) offsets(%dma_start3A_294 : memref<80xi32, #tpu.memory_space<vmem>>) semaphore(%arg30 : memref<!tpu.dma_semaphore, #tpu.memory_space<semaphore_mem>>) {add = true}
    %dma_wait3A_298 = arith.constant 124 : i32
    %dma_wait3A_299 = arith.constant 0 : i32
    %dma_wait3A_300 = tpu.memref_slice %arg8[%dma_wait3A_298, %dma_wait3A_299] : memref<125x80xi32, #tpu.memory_space<vmem>> -> memref<1x80xi32, #tpu.memory_space<vmem>>
    %dma_wait3A_301 = tpu.memref_squeeze %dma_wait3A_300 : memref<1x80xi32, #tpu.memory_space<vmem>> -> memref<80xi32, #tpu.memory_space<vmem>>
    %dma_wait3A_302 = arith.constant 0 : i32
    %dma_wait3A_303 = arith.constant 0 : i32
    %dma_wait3A_304 = tpu.memref_slice %arg7[%dma_wait3A_302, %dma_wait3A_303] : memref<20480x16xf32, #tpu.memory_space<hbm>> -> memref<20480x16xf32, #tpu.memory_space<hbm>>
    tpu.wait_indirect_dma semaphore(%arg23 : memref<!tpu.dma_semaphore, #tpu.memory_space<semaphore_mem>>) src(%dma_wait3A_304 : memref<20480x16xf32, #tpu.memory_space<hbm>>) dst(%arg17 : memref<80x16xf32, #tpu.memory_space<vmem>>)
    %dma_start3A_305 = arith.constant 124 : i32
    %dma_start3A_306 = arith.constant 0 : i32
    %dma_start3A_307 = tpu.memref_slice %arg9[%dma_start3A_305, %dma_start3A_306] : memref<125x80xi32, #tpu.memory_space<vmem>> -> memref<1x80xi32, #tpu.memory_space<vmem>>
    %dma_start3A_308 = tpu.memref_squeeze %dma_start3A_307 : memref<1x80xi32, #tpu.memory_space<vmem>> -> memref<80xi32, #tpu.memory_space<vmem>>
    %dma_start3A_309 = arith.constant 0 : i32
    %dma_start3A_310 = arith.constant 0 : i32
    %dma_start3A_311 = tpu.memref_slice %arg21[%dma_start3A_309, %dma_start3A_310] : memref<10240x16xf32, #tpu.memory_space<vmem_shared>> -> memref<10240x16xf32, #tpu.memory_space<vmem_shared>>
    tpu.enqueue_indirect_dma source(%arg17 : memref<80x16xf32, #tpu.memory_space<vmem>>) target(%dma_start3A_311 : memref<10240x16xf32, #tpu.memory_space<vmem_shared>>) offsets(%dma_start3A_308 : memref<80xi32, #tpu.memory_space<vmem>>) semaphore(%arg27 : memref<!tpu.dma_semaphore, #tpu.memory_space<semaphore_mem>>) {add = true}
    %dma_wait3A_312 = arith.constant 0 : i32
    %dma_wait3A_313 = arith.constant 0 : i32
    %dma_wait3A_314 = tpu.memref_slice %arg9[%dma_wait3A_312, %dma_wait3A_313] : memref<125x80xi32, #tpu.memory_space<vmem>> -> memref<1x80xi32, #tpu.memory_space<vmem>>
    %dma_wait3A_315 = tpu.memref_squeeze %dma_wait3A_314 : memref<1x80xi32, #tpu.memory_space<vmem>> -> memref<80xi32, #tpu.memory_space<vmem>>
    %dma_wait3A_316 = arith.constant 0 : i32
    %dma_wait3A_317 = arith.constant 0 : i32
    %dma_wait3A_318 = tpu.memref_slice %arg21[%dma_wait3A_316, %dma_wait3A_317] : memref<10240x16xf32, #tpu.memory_space<vmem_shared>> -> memref<10240x16xf32, #tpu.memory_space<vmem_shared>>
    tpu.wait_indirect_dma semaphore(%arg27 : memref<!tpu.dma_semaphore, #tpu.memory_space<semaphore_mem>>) src(%arg17 : memref<80x16xf32, #tpu.memory_space<vmem>>) dst(%dma_wait3A_318 : memref<10240x16xf32, #tpu.memory_space<vmem_shared>>)
    %dma_wait3A_319 = arith.constant 0 : i32
    %dma_wait3A_320 = arith.constant 0 : i32
    %dma_wait3A_321 = tpu.memref_slice %arg9[%dma_wait3A_319, %dma_wait3A_320] : memref<125x80xi32, #tpu.memory_space<vmem>> -> memref<1x80xi32, #tpu.memory_space<vmem>>
    %dma_wait3A_322 = tpu.memref_squeeze %dma_wait3A_321 : memref<1x80xi32, #tpu.memory_space<vmem>> -> memref<80xi32, #tpu.memory_space<vmem>>
    %dma_wait3A_323 = arith.constant 0 : i32
    %dma_wait3A_324 = arith.constant 0 : i32
    %dma_wait3A_325 = tpu.memref_slice %arg21[%dma_wait3A_323, %dma_wait3A_324] : memref<10240x16xf32, #tpu.memory_space<vmem_shared>> -> memref<10240x16xf32, #tpu.memory_space<vmem_shared>>
    tpu.wait_indirect_dma semaphore(%arg28 : memref<!tpu.dma_semaphore, #tpu.memory_space<semaphore_mem>>) src(%arg18 : memref<80x16xf32, #tpu.memory_space<vmem>>) dst(%dma_wait3A_325 : memref<10240x16xf32, #tpu.memory_space<vmem_shared>>)
    %dma_wait3A_326 = arith.constant 0 : i32
    %dma_wait3A_327 = arith.constant 0 : i32
    %dma_wait3A_328 = tpu.memref_slice %arg9[%dma_wait3A_326, %dma_wait3A_327] : memref<125x80xi32, #tpu.memory_space<vmem>> -> memref<1x80xi32, #tpu.memory_space<vmem>>
    %dma_wait3A_329 = tpu.memref_squeeze %dma_wait3A_328 : memref<1x80xi32, #tpu.memory_space<vmem>> -> memref<80xi32, #tpu.memory_space<vmem>>
    %dma_wait3A_330 = arith.constant 0 : i32
    %dma_wait3A_331 = arith.constant 0 : i32
    %dma_wait3A_332 = tpu.memref_slice %arg21[%dma_wait3A_330, %dma_wait3A_331] : memref<10240x16xf32, #tpu.memory_space<vmem_shared>> -> memref<10240x16xf32, #tpu.memory_space<vmem_shared>>
    tpu.wait_indirect_dma semaphore(%arg29 : memref<!tpu.dma_semaphore, #tpu.memory_space<semaphore_mem>>) src(%arg19 : memref<80x16xf32, #tpu.memory_space<vmem>>) dst(%dma_wait3A_332 : memref<10240x16xf32, #tpu.memory_space<vmem_shared>>)
    %dma_wait3A_333 = arith.constant 0 : i32
    %dma_wait3A_334 = arith.constant 0 : i32
    %dma_wait3A_335 = tpu.memref_slice %arg9[%dma_wait3A_333, %dma_wait3A_334] : memref<125x80xi32, #tpu.memory_space<vmem>> -> memref<1x80xi32, #tpu.memory_space<vmem>>
    %dma_wait3A_336 = tpu.memref_squeeze %dma_wait3A_335 : memref<1x80xi32, #tpu.memory_space<vmem>> -> memref<80xi32, #tpu.memory_space<vmem>>
    %dma_wait3A_337 = arith.constant 0 : i32
    %dma_wait3A_338 = arith.constant 0 : i32
    %dma_wait3A_339 = tpu.memref_slice %arg21[%dma_wait3A_337, %dma_wait3A_338] : memref<10240x16xf32, #tpu.memory_space<vmem_shared>> -> memref<10240x16xf32, #tpu.memory_space<vmem_shared>>
    tpu.wait_indirect_dma semaphore(%arg30 : memref<!tpu.dma_semaphore, #tpu.memory_space<semaphore_mem>>) src(%arg20 : memref<80x16xf32, #tpu.memory_space<vmem>>) dst(%dma_wait3A_339 : memref<10240x16xf32, #tpu.memory_space<vmem_shared>>)
    %barrier3A_340 = arith.constant 0 : index
    tpu.barrier barrier_id(%barrier3A_340)
    "tpu.region"() ({
      %run_scoped3A = tpu.sem_alloc : memref<!tpu.dma_semaphore, #tpu.memory_space<semaphore_mem>>
      %dma_start3A_355 = arith.constant 0 : i32
      %dma_start3A_356 = tpu.memref_slice %arg21[%mul3A_0, %dma_start3A_355] : memref<10240x16xf32, #tpu.memory_space<vmem_shared>> -> memref<640x16xf32, #tpu.memory_space<vmem_shared>>
      %dma_start3A_357 = arith.constant 0 : i32
      %dma_start3A_358 = tpu.memref_slice %arg21[%mul3A_0, %dma_start3A_357] : memref<10240x16xf32, #tpu.memory_space<vmem_shared>> -> memref<640x16xf32, #tpu.memory_space<vmem_shared>>
      tpu.enqueue_dma source(%dma_start3A_358 : memref<640x16xf32, #tpu.memory_space<vmem_shared>>) target(%arg11 : memref<640x16xf32, #tpu.memory_space<vmem>>) target_semaphore(%run_scoped3A : memref<!tpu.dma_semaphore, #tpu.memory_space<semaphore_mem>>)
      %dma_wait3A_359 = arith.constant 0 : i32
      %dma_wait3A_360 = tpu.memref_slice %arg21[%mul3A_0, %dma_wait3A_359] : memref<10240x16xf32, #tpu.memory_space<vmem_shared>> -> memref<640x16xf32, #tpu.memory_space<vmem_shared>>
      %dma_wait3A_361 = arith.constant 0 : i32
      %dma_wait3A_362 = tpu.memref_slice %arg21[%mul3A_0, %dma_wait3A_361] : memref<10240x16xf32, #tpu.memory_space<vmem_shared>> -> memref<640x16xf32, #tpu.memory_space<vmem_shared>>
      tpu.wait_dma2 semaphore(%run_scoped3A : memref<!tpu.dma_semaphore, #tpu.memory_space<semaphore_mem>>) src(%dma_wait3A_362 : memref<640x16xf32, #tpu.memory_space<vmem_shared>>) dst(%arg11 : memref<640x16xf32, #tpu.memory_space<vmem>>)
      tpu.yield
    }) : () -> ()
    %broadcast_in_dim3A_341 = arith.constant 0.000000e+00 : f32
    %broadcast_in_dim3A_342 = vector.broadcast %broadcast_in_dim3A_341 : f32 to vector<16xf32>
    %scan3A_343 = arith.constant 0 : i32
    %scan3A_344 = arith.constant 640 : i32
    %scan3A_345 = arith.addi %scan3A_343, %scan3A_344 : i32
    %scan3A_346 = arith.constant 1 : i32
    %scan3A_347 = scf.for %scan3A_355 = %scan3A_343 to %scan3A_345 step %scan3A_346 iter_args(%scan3A_356 = %broadcast_in_dim3A_342) -> (vector<16xf32>)  : i32 {
      %broadcast_in_dim3A_357 = vector.broadcast %scan3A_355 : i32 to vector<16xi32>
      %gather3A = tpu.vector_load_idx %arg11[%broadcast_in_dim3A_357, %iota3A] : memref<640x16xf32, #tpu.memory_space<vmem>>[vector<16xi32>, vector<16xi32>], vector<16xf32>,
      %gather3A_358 = tpu.vector_load_idx %arg13[%broadcast_in_dim3A_357, %iota3A] : memref<640x16xf32, #tpu.memory_space<vmem>>[vector<16xi32>, vector<16xi32>], vector<16xf32>,
      %mul3A_359 = arith.mulf %gather3A, %gather3A_358 : vector<16xf32>
      %add3A_360 = arith.addf %scan3A_356, %mul3A_359 : vector<16xf32>
      scf.yield %add3A_360 : vector<16xf32>
    }
    %scan3A_348 = arith.constant 640 : i32
    %swap3A = arith.constant 0 : index
    %swap3A_349 = tpu.vector_load %arg15[%swap3A] {strides = array<i32>} : memref<32xf32, #tpu.memory_space<vmem>>, vector<16xf32>,
    tpu.vector_store %arg15[%swap3A], %scan3A_79 {strides = array<i32>} : memref<32xf32, #tpu.memory_space<vmem>>, vector<16xf32>,
    %swap3A_350 = arith.constant 16 : index
    %swap3A_351 = tpu.vector_load %arg15[%swap3A_350] {strides = array<i32>} : memref<32xf32, #tpu.memory_space<vmem>>, vector<16xf32>,
    tpu.vector_store %arg15[%swap3A_350], %scan3A_347 {strides = array<i32>} : memref<32xf32, #tpu.memory_space<vmem>>, vector<16xf32>,
    "tpu.region"() ({
      %run_scoped3A = tpu.sem_alloc : memref<!tpu.dma_semaphore, #tpu.memory_space<semaphore_mem>>
      %dma_start3A_355 = arith.constant 0 : i32
      %dma_start3A_356 = tpu.memref_slice %arg22[%arg1, %dma_start3A_355] : memref<16x32xf32, #tpu.memory_space<vmem_shared>> -> memref<1x32xf32, #tpu.memory_space<vmem_shared>>
      %dma_start3A_357 = tpu.memref_squeeze %dma_start3A_356 : memref<1x32xf32, #tpu.memory_space<vmem_shared>> -> memref<32xf32, #tpu.memory_space<vmem_shared>>
      %dma_start3A_358 = arith.constant 0 : i32
      %dma_start3A_359 = tpu.memref_slice %arg22[%arg1, %dma_start3A_358] : memref<16x32xf32, #tpu.memory_space<vmem_shared>> -> memref<1x32xf32, #tpu.memory_space<vmem_shared>>
      %dma_start3A_360 = tpu.memref_squeeze %dma_start3A_359 : memref<1x32xf32, #tpu.memory_space<vmem_shared>> -> memref<32xf32, #tpu.memory_space<vmem_shared>>
      tpu.enqueue_dma source(%arg15 : memref<32xf32, #tpu.memory_space<vmem>>) target(%dma_start3A_360 : memref<32xf32, #tpu.memory_space<vmem_shared>>) target_semaphore(%run_scoped3A : memref<!tpu.dma_semaphore, #tpu.memory_space<semaphore_mem>>)
      %dma_wait3A_361 = arith.constant 0 : i32
      %dma_wait3A_362 = tpu.memref_slice %arg22[%arg1, %dma_wait3A_361] : memref<16x32xf32, #tpu.memory_space<vmem_shared>> -> memref<1x32xf32, #tpu.memory_space<vmem_shared>>
      %dma_wait3A_363 = tpu.memref_squeeze %dma_wait3A_362 : memref<1x32xf32, #tpu.memory_space<vmem_shared>> -> memref<32xf32, #tpu.memory_space<vmem_shared>>
      %dma_wait3A_364 = arith.constant 0 : i32
      %dma_wait3A_365 = tpu.memref_slice %arg22[%arg1, %dma_wait3A_364] : memref<16x32xf32, #tpu.memory_space<vmem_shared>> -> memref<1x32xf32, #tpu.memory_space<vmem_shared>>
      %dma_wait3A_366 = tpu.memref_squeeze %dma_wait3A_365 : memref<1x32xf32, #tpu.memory_space<vmem_shared>> -> memref<32xf32, #tpu.memory_space<vmem_shared>>
      tpu.wait_dma2 semaphore(%run_scoped3A : memref<!tpu.dma_semaphore, #tpu.memory_space<semaphore_mem>>) src(%arg15 : memref<32xf32, #tpu.memory_space<vmem>>) dst(%dma_wait3A_366 : memref<32xf32, #tpu.memory_space<vmem_shared>>)
      tpu.yield
    }) : () -> ()
    %barrier3A_352 = arith.constant 0 : index
    tpu.barrier barrier_id(%barrier3A_352)
    %eq3A = arith.constant 0 : i32
    %eq3A_353 = arith.cmpi eq, %arg1, %eq3A : i32
    %convert_element_type3A = arith.extui %eq3A_353 : i1 to i32
    %cond3A = arith.constant 0 : i32
    %cond3A_354 = arith.cmpi ne, %convert_element_type3A, %cond3A : i32
    scf.if %cond3A_354 {
      "tpu.region"() ({
        %run_scoped3A = tpu.sem_alloc : memref<!tpu.dma_semaphore, #tpu.memory_space<semaphore_mem>>
        tpu.enqueue_dma source(%arg22 : memref<16x32xf32, #tpu.memory_space<vmem_shared>>) target(%arg16 : memref<16x32xf32, #tpu.memory_space<vmem>>) target_semaphore(%run_scoped3A : memref<!tpu.dma_semaphore, #tpu.memory_space<semaphore_mem>>)
        tpu.wait_dma2 semaphore(%run_scoped3A : memref<!tpu.dma_semaphore, #tpu.memory_space<semaphore_mem>>) src(%arg22 : memref<16x32xf32, #tpu.memory_space<vmem_shared>>) dst(%arg16 : memref<16x32xf32, #tpu.memory_space<vmem>>)
        tpu.yield
      }) : () -> ()
      %broadcast_in_dim3A_355 = arith.constant 0.000000e+00 : f32
      %broadcast_in_dim3A_356 = vector.broadcast %broadcast_in_dim3A_355 : f32 to vector<16xf32>
      %broadcast_in_dim3A_357 = arith.constant 0.000000e+00 : f32
      %broadcast_in_dim3A_358 = vector.broadcast %broadcast_in_dim3A_357 : f32 to vector<16xf32>
      %scan3A_359 = arith.constant 0 : i32
      %scan3A_360 = arith.constant 16 : i32
      %scan3A_361 = arith.addi %scan3A_359, %scan3A_360 : i32
      %scan3A_362 = arith.constant 1 : i32
      %scan3A_363:2 = scf.for %scan3A_369 = %scan3A_359 to %scan3A_361 step %scan3A_362 iter_args(%scan3A_370 = %broadcast_in_dim3A_356, %scan3A_371 = %broadcast_in_dim3A_358) -> (vector<16xf32>, vector<16xf32>)  : i32 {
        %broadcast_in_dim3A_372 = vector.broadcast %scan3A_369 : i32 to vector<16xi32>
        %gather3A = tpu.vector_load_idx %arg16[%broadcast_in_dim3A_372, %iota3A] : memref<16x32xf32, #tpu.memory_space<vmem>>[vector<16xi32>, vector<16xi32>], vector<16xf32>,
        %add3A_373 = arith.constant 16 : i32
        %add3A_374 = vector.broadcast %add3A_373 : i32 to vector<16xi32>
        %add3A_375 = arith.addi %iota3A, %add3A_374 : vector<16xi32>
        %gather3A_376 = tpu.vector_load_idx %arg16[%broadcast_in_dim3A_372, %add3A_375] : memref<16x32xf32, #tpu.memory_space<vmem>>[vector<16xi32>, vector<16xi32>], vector<16xf32>,
        %add3A_377 = arith.addf %scan3A_370, %gather3A : vector<16xf32>
        %add3A_378 = arith.addf %scan3A_371, %gather3A_376 : vector<16xf32>
        scf.yield %add3A_377, %add3A_378 : vector<16xf32>, vector<16xf32>
      }
      %scan3A_364 = arith.constant 16 : i32
      %swap3A_365 = arith.constant 0 : index
      %swap3A_366 = tpu.vector_load %arg15[%swap3A_365] {strides = array<i32>} : memref<32xf32, #tpu.memory_space<vmem>>, vector<16xf32>,
      tpu.vector_store %arg15[%swap3A_365], %scan3A_363#0 {strides = array<i32>} : memref<32xf32, #tpu.memory_space<vmem>>, vector<16xf32>,
      %swap3A_367 = arith.constant 16 : index
      %swap3A_368 = tpu.vector_load %arg15[%swap3A_367] {strides = array<i32>} : memref<32xf32, #tpu.memory_space<vmem>>, vector<16xf32>,
      tpu.vector_store %arg15[%swap3A_367], %scan3A_363#1 {strides = array<i32>} : memref<32xf32, #tpu.memory_space<vmem>>, vector<16xf32>,
      "tpu.region"() ({
        %run_scoped3A = tpu.sem_alloc : memref<!tpu.dma_semaphore, #tpu.memory_space<semaphore_mem>>
        %dma_start3A_369 = arith.constant 0 : i32
        %dma_start3A_370 = tpu.memref_slice %arg6[%arg0, %dma_start3A_369] : memref<2x32xf32, #tpu.memory_space<hbm>> -> memref<1x32xf32, #tpu.memory_space<hbm>>
        %dma_start3A_371 = tpu.memref_squeeze %dma_start3A_370 : memref<1x32xf32, #tpu.memory_space<hbm>> -> memref<32xf32, #tpu.memory_space<hbm>>
        %dma_start3A_372 = arith.constant 0 : i32
        %dma_start3A_373 = tpu.memref_slice %arg6[%arg0, %dma_start3A_372] : memref<2x32xf32, #tpu.memory_space<hbm>> -> memref<1x32xf32, #tpu.memory_space<hbm>>
        %dma_start3A_374 = tpu.memref_squeeze %dma_start3A_373 : memref<1x32xf32, #tpu.memory_space<hbm>> -> memref<32xf32, #tpu.memory_space<hbm>>
        tpu.enqueue_dma source(%arg15 : memref<32xf32, #tpu.memory_space<vmem>>) target(%dma_start3A_374 : memref<32xf32, #tpu.memory_space<hbm>>) target_semaphore(%run_scoped3A : memref<!tpu.dma_semaphore, #tpu.memory_space<semaphore_mem>>)
        %dma_wait3A_375 = arith.constant 0 : i32
        %dma_wait3A_376 = tpu.memref_slice %arg6[%arg0, %dma_wait3A_375] : memref<2x32xf32, #tpu.memory_space<hbm>> -> memref<1x32xf32, #tpu.memory_space<hbm>>
        %dma_wait3A_377 = tpu.memref_squeeze %dma_wait3A_376 : memref<1x32xf32, #tpu.memory_space<hbm>> -> memref<32xf32, #tpu.memory_space<hbm>>
        %dma_wait3A_378 = arith.constant 0 : i32
        %dma_wait3A_379 = tpu.memref_slice %arg6[%arg0, %dma_wait3A_378] : memref<2x32xf32, #tpu.memory_space<hbm>> -> memref<1x32xf32, #tpu.memory_space<hbm>>
        %dma_wait3A_380 = tpu.memref_squeeze %dma_wait3A_379 : memref<1x32xf32, #tpu.memory_space<hbm>> -> memref<32xf32, #tpu.memory_space<hbm>>
        tpu.wait_dma2 semaphore(%run_scoped3A : memref<!tpu.dma_semaphore, #tpu.memory_space<semaphore_mem>>) src(%arg15 : memref<32xf32, #tpu.memory_space<vmem>>) dst(%dma_wait3A_380 : memref<32xf32, #tpu.memory_space<hbm>>)
        tpu.yield
      }) : () -> ()
    } else {
    }
    return
  }
}

module attributes {stable_mosaic.version = 14 : i64} {
  func.func @_project_n_body(%arg0: i32, %arg1: memref<2000x128xf32, #tpu.memory_space<vmem>>, %arg2: memref<128x16xf32, #tpu.memory_space<vmem>>, %arg3: memref<2000x16xf32, #tpu.memory_space<vmem>>) attributes {dimension_semantics = [#tpu.dimension_semantics<arbitrary>], iteration_bounds = array<i64: 5>, scalar_prefetch = 0 : i64, scratch_operands = 0 : i64, tpu.core_type = #tpu.core_type<tc>, window_params = [{transform_indices = @transform_0, window_bounds = array<i64: 2000, 128>}, {pipeline_mode = #tpu.pipeline_mode<synchronous>, transform_indices = @transform_1, window_bounds = array<i64: 128, 16>}, {transform_indices = @transform_2, window_bounds = array<i64: 2000, 16>}]} {
    %get3A = arith.constant 0 : index
    %get3A_0 = arith.constant 0 : index
    %get3A_1 = vector.load %arg1[%get3A, %get3A_0] : memref<2000x128xf32, #tpu.memory_space<vmem>>, vector<2000x128xf32>
    %get3A_2 = arith.constant 0 : index
    %get3A_3 = arith.constant 0 : index
    %get3A_4 = vector.load %arg2[%get3A_2, %get3A_3] : memref<128x16xf32, #tpu.memory_space<vmem>>, vector<128x16xf32>
    %dot_general3A = arith.constant dense<0.000000e+00> : vector<2000x16xf32>
    %dot_general3A_5 = tpu.matmul %get3A_1, %get3A_4, %dot_general3A {dimension_numbers = #tpu.dot_dimension_numbers<[1], [0], [0], [1], [0, 0, 1, 1], [], []>, transpose_lhs_hint = false} : vector<2000x128xf32>, vector<128x16xf32>, vector<2000x16xf32> -> vector<2000x16xf32>
    %iota3A = tpu.iota {dimensions = array<i32: 1>} : vector<2000x16xi32>
    %eq3A = arith.constant 10 : i32
    %eq3A_6 = vector.broadcast %eq3A : i32 to vector<2000x16xi32>
    %eq3A_7 = arith.cmpi eq, %iota3A, %eq3A_6 : vector<2000x16xi32>
    %jit3A = arith.constant 1.000000e+00 : f32
    %broadcast_in_dim3A = vector.broadcast %jit3A : f32 to vector<2000x16xf32>
    %select_n3A = arith.select %eq3A_7, %broadcast_in_dim3A, %dot_general3A_5 : vector<2000x16xi1>, vector<2000x16xf32>
    %swap3A = arith.constant 0 : index
    %swap3A_8 = arith.constant 0 : index
    %swap3A_9 = vector.load %arg3[%swap3A, %swap3A_8] : memref<2000x16xf32, #tpu.memory_space<vmem>>, vector<2000x16xf32>
    tpu.vector_store %arg3[%swap3A, %swap3A_8], %select_n3A {strides = array<i32>} : memref<2000x16xf32, #tpu.memory_space<vmem>>, vector<2000x16xf32>,
    return
  }
  func.func @transform_0(%arg0: i32) -> (i32, i32) {
    %c0_i32 = arith.constant 0 : i32
    %c0_i32_0 = arith.constant 0 : i32
    return %arg0, %c0_i32 : i32, i32
  }
  func.func @transform_1(%arg0: i32) -> (i32, i32) {
    %c0_i32 = arith.constant 0 : i32
    %c0_i32_0 = arith.constant 0 : i32
    %c0_i32_1 = arith.constant 0 : i32
    return %c0_i32, %c0_i32_0 : i32, i32
  }
  func.func @transform_2(%arg0: i32) -> (i32, i32) {
    %c0_i32 = arith.constant 0 : i32
    %c0_i32_0 = arith.constant 0 : i32
    return %arg0, %c0_i32 : i32, i32
  }
}

module attributes {stable_mosaic.version = 14 : i64} {
  func.func @_project_s_body(%arg0: i32, %arg1: memref<2000x128xf32, #tpu.memory_space<vmem>>, %arg2: memref<128x16xf32, #tpu.memory_space<vmem>>, %arg3: memref<2000x16xf32, #tpu.memory_space<vmem>>) attributes {dimension_semantics = [#tpu.dimension_semantics<arbitrary>], iteration_bounds = array<i64: 5>, scalar_prefetch = 0 : i64, scratch_operands = 0 : i64, tpu.core_type = #tpu.core_type<tc>, window_params = [{transform_indices = @transform_0, window_bounds = array<i64: 2000, 128>}, {pipeline_mode = #tpu.pipeline_mode<synchronous>, transform_indices = @transform_1, window_bounds = array<i64: 128, 16>}, {transform_indices = @transform_2, window_bounds = array<i64: 2000, 16>}]} {
    %get3A = arith.constant 0 : index
    %get3A_0 = arith.constant 0 : index
    %get3A_1 = vector.load %arg1[%get3A, %get3A_0] : memref<2000x128xf32, #tpu.memory_space<vmem>>, vector<2000x128xf32>
    %get3A_2 = arith.constant 0 : index
    %get3A_3 = arith.constant 0 : index
    %get3A_4 = vector.load %arg2[%get3A_2, %get3A_3] : memref<128x16xf32, #tpu.memory_space<vmem>>, vector<128x16xf32>
    %dot_general3A = arith.constant dense<0.000000e+00> : vector<2000x16xf32>
    %dot_general3A_5 = tpu.matmul %get3A_1, %get3A_4, %dot_general3A {dimension_numbers = #tpu.dot_dimension_numbers<[1], [0], [0], [1], [0, 0, 1, 1], [], []>, transpose_lhs_hint = false} : vector<2000x128xf32>, vector<128x16xf32>, vector<2000x16xf32> -> vector<2000x16xf32>
    %swap3A = arith.constant 0 : index
    %swap3A_6 = arith.constant 0 : index
    %swap3A_7 = vector.load %arg3[%swap3A, %swap3A_6] : memref<2000x16xf32, #tpu.memory_space<vmem>>, vector<2000x16xf32>
    tpu.vector_store %arg3[%swap3A, %swap3A_6], %dot_general3A_5 {strides = array<i32>} : memref<2000x16xf32, #tpu.memory_space<vmem>>, vector<2000x16xf32>,
    return
  }
  func.func @transform_0(%arg0: i32) -> (i32, i32) {
    %c0_i32 = arith.constant 0 : i32
    %c0_i32_0 = arith.constant 0 : i32
    return %arg0, %c0_i32 : i32, i32
  }
  func.func @transform_1(%arg0: i32) -> (i32, i32) {
    %c0_i32 = arith.constant 0 : i32
    %c0_i32_0 = arith.constant 0 : i32
    %c0_i32_1 = arith.constant 0 : i32
    return %c0_i32, %c0_i32_0 : i32, i32
  }
  func.func @transform_2(%arg0: i32) -> (i32, i32) {
    %c0_i32 = arith.constant 0 : i32
    %c0_i32_0 = arith.constant 0 : i32
    return %arg0, %c0_i32 : i32, i32
  }
}

module attributes {stable_mosaic.version = 14 : i64} {
  func.func @_readout_body(%arg0: memref<2x32xf32, #tpu.memory_space<vmem>>, %arg1: memref<16x16xf32, #tpu.memory_space<vmem>>, %arg2: memref<16x16xf32, #tpu.memory_space<vmem>>, %arg3: memref<16x128xf32, #tpu.memory_space<vmem>>, %arg4: memref<1x1xf32, #tpu.memory_space<vmem>>) attributes {dimension_semantics = [], scalar_prefetch = 0 : i64, scratch_operands = 0 : i64, tpu.core_type = #tpu.core_type<tc>} {
    %get3A = arith.constant 0 : index
    %get3A_0 = arith.constant 0 : index
    %get3A_1 = vector.load %arg0[%get3A, %get3A_0] : memref<2x32xf32, #tpu.memory_space<vmem>>, vector<1x16xf32>
    %get3A_2 = arith.constant 0 : index
    %get3A_3 = arith.constant 16 : index
    %get3A_4 = vector.load %arg0[%get3A_2, %get3A_3] : memref<2x32xf32, #tpu.memory_space<vmem>>, vector<1x16xf32>
    %get3A_5 = arith.constant 1 : index
    %get3A_6 = arith.constant 16 : index
    %get3A_7 = vector.load %arg0[%get3A_5, %get3A_6] : memref<2x32xf32, #tpu.memory_space<vmem>>, vector<1x16xf32>
    %add3A = arith.addf %get3A_4, %get3A_7 : vector<1x16xf32>
    %get3A_8 = arith.constant 0 : index
    %get3A_9 = arith.constant 0 : index
    %get3A_10 = vector.load %arg1[%get3A_8, %get3A_9] : memref<16x16xf32, #tpu.memory_space<vmem>>, vector<16x16xf32>
    %dot_general3A = arith.constant dense<0.000000e+00> : vector<1x16xf32>
    %dot_general3A_11 = tpu.matmul %get3A_1, %get3A_10, %dot_general3A {dimension_numbers = #tpu.dot_dimension_numbers<[1], [0], [0], [1], [0, 0, 1, 1], [], []>, transpose_lhs_hint = false} : vector<1x16xf32>, vector<16x16xf32>, vector<1x16xf32> -> vector<1x16xf32>
    %get3A_12 = arith.constant 0 : index
    %get3A_13 = arith.constant 0 : index
    %get3A_14 = vector.load %arg2[%get3A_12, %get3A_13] : memref<16x16xf32, #tpu.memory_space<vmem>>, vector<16x16xf32>
    %dot_general3A_15 = arith.constant dense<0.000000e+00> : vector<1x16xf32>
    %dot_general3A_16 = tpu.matmul %add3A, %get3A_14, %dot_general3A_15 {dimension_numbers = #tpu.dot_dimension_numbers<[1], [0], [0], [1], [0, 0, 1, 1], [], []>, transpose_lhs_hint = false} : vector<1x16xf32>, vector<16x16xf32>, vector<1x16xf32> -> vector<1x16xf32>
    %add3A_17 = arith.addf %dot_general3A_11, %dot_general3A_16 : vector<1x16xf32>
    %mul3A = arith.constant 9.99999974E-5 : f32
    %mul3A_18 = vector.broadcast %mul3A : f32 to vector<1x16xf32>
    %mul3A_19 = arith.mulf %add3A_17, %mul3A_18 : vector<1x16xf32>
    %get3A_20 = arith.constant 0 : index
    %get3A_21 = arith.constant 0 : index
    %get3A_22 = vector.load %arg3[%get3A_20, %get3A_21] : memref<16x128xf32, #tpu.memory_space<vmem>>, vector<16x128xf32>
    %dot_general3A_23 = arith.constant dense<0.000000e+00> : vector<1x128xf32>
    %dot_general3A_24 = tpu.matmul %mul3A_19, %get3A_22, %dot_general3A_23 {dimension_numbers = #tpu.dot_dimension_numbers<[1], [0], [0], [1], [0, 0, 1, 1], [], []>, transpose_lhs_hint = false} : vector<1x16xf32>, vector<16x128xf32>, vector<1x128xf32> -> vector<1x128xf32>
    %slice3A = vector.extract_strided_slice %dot_general3A_24 {offsets = [0, 0], sizes = [1, 1], strides = [1, 1]} : vector<1x128xf32> to vector<1x1xf32>
    %logistic3A = arith.negf %slice3A : vector<1x1xf32>
    %logistic3A_25 = math.exp %logistic3A : vector<1x1xf32>
    %logistic3A_26 = arith.constant 1.000000e+00 : f32
    %logistic3A_27 = vector.broadcast %logistic3A_26 : f32 to vector<1x1xf32>
    %logistic3A_28 = arith.addf %logistic3A_27, %logistic3A_25 : vector<1x1xf32>
    %logistic3A_29 = arith.divf %logistic3A_27, %logistic3A_28 : vector<1x1xf32>
    %swap3A = arith.constant 0 : index
    %swap3A_30 = arith.constant 0 : index
    %swap3A_31 = vector.load %arg4[%swap3A, %swap3A_30] : memref<1x1xf32, #tpu.memory_space<vmem>>, vector<1x1xf32>
    tpu.vector_store %arg4[%swap3A, %swap3A_30], %logistic3A_29 {strides = array<i32>} : memref<1x1xf32, #tpu.memory_space<vmem>>, vector<1x1xf32>,
    return
  }
}

</mosaic_0001>

<sc_bundles>
// kernel: kernel.10.cloned.1.call-start
scs
__scs_entry_jumppad:
0x0: {  	(pc) =	sbr.rel $0x88, $3  }
0x1: {  	(tag) =	ssettag $0x0;
	lr =	simm.s32 $0x1  }
0x2: {  	[smem:$0x3F9A] =	sst lr;
	_ =	strace $0xD0000000  }
0x3: {  	_ = 	snop  }
0x4: {  	_ = 	snop  }
0x5: {  	_ = 	snop  }
0x6: {  	_ = 	snop  }
0x7: {  	_ = 	snop  }
__scs_overlays_trampoline_lowered:
0x8: {  	[smem:$0x3FA9] =	sst s0  }
0x9: {  	[smem:$0x3FAA] =	sst s1  }
0xa: {  	[smem:$0x3FAB] =	sst s2  }
0xb: {  	[smem:$0x3FAC] =	sst s3  }
0xc: {  	[smem:$0x3FAD] =	sst s4  }
0xd: {  	[smem:$0x3FAE] =	sst s5  }
0xe: {  	[smem:$0x3FAF] =	sst s6  }
0xf: {  	[smem:$0x3FB0] =	sst s7  }
0x10: {  	[smem:$0x3FB1] =	sst s8  }
0x11: {  	[smem:$0x3FB2] =	sst s9;
	s0 =	simm.s32 @!p0 $0x0  }
0x12: {  	s1 =	sld [smem:$0x3F98];
	s0 =	simm.s32 @p0 $0x1  }
0x13: {  	[smem:$0x3FB3] =	sst s0;
	s0 =	simm.s32 @!p1 $0x0  }
0x14: {  	s2 =	sld [smem:$0x3F97];
	s0 =	simm.s32 @p1 $0x1  }
0x15: {  	[smem:$0x3FB4] =	sst s0;
	s0 =	simm.s32 @!p2 $0x0  }
0x16: {  	s3 =	sld [smem:$0x3FDB];
	s0 =	simm.s32 @p2 $0x1  }
0x17: {  	s4 =	simm.s32 $0x1BF5;
	[smem:$0x3FB6] =	sst s0  }
0x18: {  	s0 =	sld [smem:$0x3F99];
	_ =	swait.ge [sflag:s4], $0x0  }
0x19: {  	s7 =	sld [smem:$0x3F9A]  }
0x1a: {  	s8 =	sadd.s32 $0xFFFFE003, lr  }
0x1b: {  	s9 =	sadd.s32 $0xFFFFFEF7, lr;
	s5 =	simm.s32 $0xFFFFFFFF;
	p2 =	slt.u32 s8, $0xFFFFF086  }
0x1c: {  	p1 =	slt.u32 s9, $0xF7A;
	s5 =	simm.s32 @!p2 $0x0  }
0x1d: {  	s5 =	simm.s32 @p1 $0x1;
	p0 =	seq.s32 s7, s2  }
0x1e: {  	s7 =	smul.u32 @!p0 $0xF7A, s2;
	p2 =	seq.s32 @!p0 s5, $0x0  }
0x1f: {  	s9 =	smul.u32 $0xF7A, s1;
	s8 =	simm.s32 @!p0 $0x1BF5;
	p2 =	por !p2, p0  }
0x20: {  	[sflag:s8] =	ssyncset.s32 @!p0 $0xFFFFF086;
	s6 =	sadd.s32 @!p0 s3, s7;
	s7 =	simm.s32 @!p0 $0x108  }
0x21: {  	s3 =	sadd.s32 s3, s9;
	s6 =	sadd.s32 @!p0 $0x88, s6;
	s7 =	simm.s32 @p2 $0x1082  }
0x22: {  	[simem:s7], [sflag:s8] =	dma.local @!p0 [hbm:s6], $0xF7A  }
0x23: {  	s9 =	sor.u32 $0xD0000000, s2;
	s6 =	simm.s32 $0x108;
	_ =	swait.ge @!p0 [sflag:s8], $0x0  }
0x24: {  	s3 =	sadd.s32 $0x88, s3;
	s6 =	simm.s32 @!p1 $0x1082;
	[sflag:s4] =	ssyncset.s32 $0xFFFFF086  }
0x25: {  	[simem:s6], [sflag:s4] =	dma.local [hbm:s3], $0xF7A  }
0x26: {  	[smem:$0x3F9A] =	sst s1;
	(tag) =	ssettag s2;
	_ =	strace s9  }
0x27: {  	s1 =	sld [smem:$0x3FAA]  }
0x28: {  	s2 =	sld [smem:$0x3FAB]  }
0x29: {  	s4 =	sld [smem:$0x3FAD]  }
0x2a: {  	p0 =	seq.s32 s5, $0x0;
	s5 =	sld [smem:$0x3FAE]  }
0x2b: {  	s6 =	sld [smem:$0x3FAF]  }
0x2c: {  	s7 =	sld [smem:$0x3FB0]  }
0x2d: {  	s3 =	simm.s32 $0x108;
	s8 =	sld [smem:$0x3FB1]  }
0x2e: {  	s3 =	simm.s32 @!p0 $0x1082;
	s9 =	sld [smem:$0x3FB2]  }
0x2f: {  	lr =	sadd.s32 s0, s3;
	s0 =	sld [smem:$0x3FA9]  }
0x30: {  	s3 =	sld [smem:$0x3FAC]  }
0x31: {  	[smem:$0x3FB5] =	sst s10  }
0x32: {  	s10 =	sld [smem:$0x3FB3];
	_ =	sdelay $0x3  }
0x33: {  	p0 =	seq.s32 s10, $0x1;
	s10 =	sld [smem:$0x3FB5];
	_ =	sdelay $0x3  }
0x34: {  	[smem:$0x3FB5] =	sst s10  }
0x35: {  	s10 =	sld [smem:$0x3FB4];
	_ =	sdelay $0x3  }
0x36: {  	p1 =	seq.s32 s10, $0x1;
	s10 =	sld [smem:$0x3FB5];
	_ =	sdelay $0x3  }
0x37: {  	[smem:$0x3FB5] =	sst s10  }
0x38: {  	s10 =	sld [smem:$0x3FB6]  }
0x39: {  	_ = 	snop;
	(pc) =	sbr.ind lr, $3  }
0x3a: {  	_ = 	snop  }
0x3b: {  	_ = 	snop  }
0x3c: {  	p2 =	seq.s32 s10, $0x1;
	s10 =	sld [smem:$0x3FB5]  }
0x3d: {  	_ =	shalt  }
0x3e: {  	_ =	shalt  }
0x3f: {  	_ =	shalt  }
0x40: {  	_ =	shalt  }
0x41: {  	_ =	shalt  }
0x42: {  	_ =	shalt  }
0x43: {  	_ =	shalt  }
0x44: {  	_ =	shalt  }
0x45: {  	_ =	shalt  }
0x46: {  	_ =	shalt  }
0x47: {  	_ =	shalt  }
0x48: {  	_ =	shalt  }
0x49: {  	_ =	shalt  }
0x4a: {  	_ =	shalt  }
0x4b: {  	_ =	shalt  }
0x4c: {  	_ =	shalt  }
0x4d: {  	_ =	shalt  }
0x4e: {  	_ =	shalt  }
0x4f: {  	_ =	shalt  }
0x50: {  	_ =	shalt  }
0x51: {  	_ =	shalt  }
0x52: {  	_ =	shalt  }
0x53: {  	_ =	shalt  }
0x54: {  	_ =	shalt  }
0x55: {  	_ =	shalt  }
0x56: {  	_ =	shalt  }
0x57: {  	_ =	shalt  }
0x58: {  	_ =	shalt  }
0x59: {  	_ =	shalt  }
0x5a: {  	_ =	shalt  }
0x5b: {  	_ =	shalt  }
0x5c: {  	_ =	shalt  }
0x5d: {  	_ =	shalt  }
0x5e: {  	_ =	shalt  }
0x5f: {  	_ =	shalt  }
0x60: {  	_ =	shalt  }
0x61: {  	_ =	shalt  }
0x62: {  	_ =	shalt  }
0x63: {  	_ =	shalt  }
0x64: {  	_ =	shalt  }
0x65: {  	_ =	shalt  }
0x66: {  	_ =	shalt  }
0x67: {  	_ =	shalt  }
0x68: {  	_ =	shalt  }
0x69: {  	_ =	shalt  }
0x6a: {  	_ =	shalt  }
0x6b: {  	_ =	shalt  }
0x6c: {  	_ =	shalt  }
0x6d: {  	_ =	shalt  }
0x6e: {  	_ =	shalt  }
0x6f: {  	_ =	shalt  }
0x70: {  	_ =	shalt  }
0x71: {  	_ =	shalt  }
0x72: {  	_ =	shalt  }
0x73: {  	_ =	shalt  }
0x74: {  	_ =	shalt  }
0x75: {  	_ =	shalt  }
0x76: {  	_ =	shalt  }
0x77: {  	_ =	shalt  }
0x78: {  	_ =	shalt  }
0x79: {  	_ =	shalt  }
0x7a: {  	_ =	shalt  }
0x7b: {  	_ =	shalt  }
0x7c: {  	_ =	shalt  }
0x7d: {  	_ =	shalt  }
0x7e: {  	_ =	shalt  }
0x7f: {  	_ =	shalt  }
0x80: {  	_ =	shalt  }
0x81: {  	_ =	shalt  }
0x82: {  	_ =	shalt  }
0x83: {  	_ =	shalt  }
0x84: {  	_ =	shalt  }
0x85: {  	_ =	shalt  }
0x86: {  	_ =	shalt  }
0x87: {  	_ =	shalt  }
.Lfunc_end0:
.L_simem_size_0:
called_computation.1_lowered:
.L_overlay_start_0:
0x88: {  	s2 =	sld [smem:$0x3FD9]  }
0x89: {  	s3 =	sld [smem:$0x3FFE];
	_ =	sdelay $0x1  }
0x8a: {  	s1 =	srdreg.scid  }
0x8b: {  	s0 =	sand.u32 $0x1, s1  }
0x8c: {  	s17 =	sshll.u32 s0, $0xA;
	s2 =	sadd.s32 s3, s2  }
0x8d: {  	s2 =	sadd.s32 s2, s17  }
0x8e: {  	[smem:$0x3FC1] =	sst s2  }
0x8f: {  	_ = 	snop  }
0x90: {  	s2 =	sld [smem:$0x3FD0];
	(tm) =	ssettm $0x1  }
0x91: {  	s18 =	sld [smem:$0x3FFB];
	_ =	sdelay $0x3  }
0x92: {  	_ =	strace s18  }
0x93: {  	s3 =	sld [smem:$0x3FFC];
	_ =	sdelay $0x3  }
0x94: {  	_ =	strace s3  }
0x95: {  	s3 =	sld [smem:$0x3FFD];
	_ =	sdelay $0x3  }
0x96: {  	_ =	strace s3  }
0x97: {  	_ =	strace $0x8FFFFFFF  }
0x98: {  	s19 =	sld [smem:$0x3FDB];
	_ =	sdelay $0x1  }
0x99: {  	s4 =	simm.s32 $_scs_section_size  }
0x9a: {  	s5 =	simm.s32 $_size__tile_overlayer_lowered;
	s6 =	simm.s32 $_tile_overlayer_lowered  }
0x9b: {  	s22 =	simm.s32 $0x1BFF;
	s21 =	sshll.u32 s6, $0x1;
	s3 =	sadd.s32 s4, s19  }
0x9c: {  	s7 =	simm.s32 $0x0;
	s20 =	sshll.u32 s5, $0x1;
	s5 =	sadd.s32 s21, s3  }
0x9d: {  	[timem:s7], [sflag:s22] =	dma.local [hbm:s5], s20  }
0x9e: {  	_ =	swait.ge [sflag:s22], s20  }
0x9f: {  	s4 =	ssub.s32 $0x0, s20;
	[sflag:s22] =	ssyncset.done $0x0  }
0xa0: {  	[sflag:s22] =	ssyncadd.s32 s4;
	_ =	sdelay $0x1  }
0xa1: {  	s23 =	simm.s32 $0x1B8B  }
0xa2: {  	_ =	swait.ge [sflag:s23], $0x1  }
0xa3: {  	[sflag:s23] =	ssyncset.done $0x0  }
0xa4: {  	s25 =	simm.s32 $0x1B8E;
	s24 =	sld [smem:$0x3FFE];
	[sflag:s23] =	ssyncadd.s32 $0xFFFFFFFF  }
0xa5: {  	s26 =	simm.s32 $execute0_lowered;
	[smem:$0x3FD2] =	sst s25  }
0xa6: {  	s5 =	sshll.u32 s26, $0x1;
	_ =	strace $0x80000049;
	[dreg:$0x1] =	wrdreg $0xFFFFFFFF  }
0xa7: {  	s28 =	simm.s32 $_size_execute0_lowered;
	s3 =	sadd.s32 s3, s5;
	[dreg:$0x0] =	wrdreg $0x0  }
0xa8: {  	s5 =	sshll.u32 s28, $0x1;
	[dreg:$0x2] =	wrdreg s3  }
0xa9: {  	[dreg:$0x3] =	wrdreg s5  }
0xaa: {  	[dreg:$0x4] =	wrdreg $0xC0  }
0xab: {  	_ =	task [dreg:s7], $0x5FFFF  }
0xac: {  	[dreg:$0x1] =	wrdreg $0xFFFFFFFF  }
0xad: {  	[dreg:$0x0] =	wrdreg $0x60  }
0xae: {  	[dreg:$0x2] =	wrdreg s24  }
0xaf: {  	[dreg:$0x3] =	wrdreg s2  }
0xb0: {  	[dreg:$0x4] =	wrdreg $0x12C400  }
0xb1: {  	[dreg:$0x5] =	wrdreg $0x154400  }
0xb2: {  	[dreg:$0x6] =	wrdreg $0x9  }
0xb3: {  	_ =	task.clear_ibuf [dreg:s7], $0x7FFFF;
	_ =	strace $0x90000049  }
0xb4: {  	s29 =	simm.s32 $0x9;
	_ =	strace $0x8000004B  }
0xb5: {  	_ =	swait.ge [sflag:s29], $0x1  }
0xb6: {  	[sflag:s29] =	ssyncadd.s32 $0xFFFFFFFF  }
0xb7: {  	_ =	strace $0x9000004B  }
0xb8: {  	_ =	sfence  }
0xb9: {  	s30 =	sld [smem:$0x0];
	_ =	sdelay $0x2  }
0xba: {  	s31 =	sshll.u32 s1, $0xD;
	s1 =	sshrl.u32 s1, $0x2  }
0xbb: {  	s3 =	sand.u32 $0x4000, s31;
	s1 =	sadd.s32 s1, s30  }
0xbc: {  	s0 =	sor.u32 s3, s0;
	s1 =	sshll.u32 s1, $0x11  }
0xbd: {  	s0 =	sor.u32 s1, s0  }
0xbe: {  	s0 =	sadd.s32 $0x8F2B, s0  }
0xbf: {  	[sflag:s0] =	ssyncadd.remote.s32 $0x1  }
0xc0: {  	_ =	sfence.sel $0xFFFF  }
0xc1: {  	[dreg:$0x0] =	wrdreg $0xFFFFFFFF;
	(pc) =	sbr.abs _section_cstart, $3  }
0xc2: {  	[dreg:$0x1] =	wrdreg $0xFFFFFFFF  }
0xc3: {  	_ =	task.clear_ibuf [dreg:s7], $0x2FFFF;
	_ =	strace $0x9FFFFFFF  }
0xc4: {  	(tm) =	ssettm $0x7FFFFFFF  }
0xc5: {  	_ =	shalt  }
tec
execute0_lowered:
.L_overlay_start_1:
0x0: {  	(tag) =	ssettag $0x1  }
0x1: {  	s0 =	rddreg [dreg:$0x0];
	s1 =	srdreg.scid  }
0x2: {  	s2 =	rddreg [dreg:$0x1];
	s6 =	stileid.u32  }
0x3: {  	s13 =	rddreg [dreg:$0x3];
	s14 =	simm.s32 $0x2710;
	s28 =	simm.s32 $0x6  }
0x4: {  	s29 =	simm.s32 $0xEE20;
	s30 =	simm.s32 $0xC620;
	s31 =	simm.s32 $0x9  }
0x5: {  	s5 =	sand.u32 $0x1, s1;
	s1 =	rddreg [dreg:$0x2];
	s7 =	smul.u32 $0x2800, s6  }
0x6: {  	s17 =	smul.u32 $0x280, s6;
	s22 =	sshll.u32 s6, $0x6;
	s25 =	sshll.u32 s6, $0x5  }
0x7: {  	p0 =	sne.s32 s6, $0x0;
	s3 =	sshll.u32 s5, $0x4;
	s9 =	ssub.s32 $0x2, s5  }
0x8: {  	s12 =	smul.u32 $0x2800, s5;
	s26 =	sadd.s32 s25, s13;
	s5 =	sshll.u32 s5, $0x2  }
0x9: {  	s25 =	simm.s32 $0x4;
	s4 =	sor.u32 s6, s3;
	s3 =	simm.s32 $0x0  }
0xa: {  	s15 =	sshrl.u32 s7, $0x3;
	s16 =	sshrl.u32 s9, $0x1;
	s2 =	sadd.s32 s2, s5  }
0xb: {  	s5 =	simm.s32 $0x12240;
	s6 =	simm.s32 $0x12740;
	s4 =	smul.u32 $0x2710, s4  }
0xc: {  	[smem:$0x7FF] =	sst s3;
	s11 =	sadd.s32 s15, s0;
	s23 =	sadd.s32 s17, s12  }
0xd: {  	s15 =	simm.s32 $0x11D40;
	_ =	strace $0x8000004A;
	[dreg:$0xd] =	wrdreg s26  }
0xe: {  	s18 =	sadd.s32 $0x29200, s11;
	s19 =	sadd.s32 $0x1F200, s11;
	[dreg:$0xe] =	wrdreg s2  }
0xf: {  	s20 =	sadd.s32 $0x24200, s11;
	s21 =	sadd.s32 $0x1A200, s11;
	[dreg:$0x7] =	wrdreg s18  }
0x10: {  	s24 =	sshll.u32 s23, $0x1;
	s23 =	simm.s32 $0x2;
	[dreg:$0x8] =	wrdreg s19  }
0x11: {  	s26 =	simm.s32 $0x5;
	s2 =	simm.s32 $0x11840;
	[dreg:$0x9] =	wrdreg s20  }
0x12: {  	s11 =	simm.s32 $0x0;
	s4 =	sshrl.u32 s4, $0x3;
	[dreg:$0xa] =	wrdreg s21  }
0x13: {  	s18 =	simm.s32 $0x4E20;
	s19 =	simm.s32 $0x7620;
	s20 =	simm.s32 $0x9E20  }
0x14: {  	s8 =	sadd.s32 s4, s0;
	s4 =	sadd.s32 $0x2E200, s0;
	s0 =	ssub.s32 s9, s16  }
0x15: {  	s9 =	simm.s32 $0x11640;
	s10 =	sadd.s32 $0x6800, s8;
	s8 =	sadd.s32 $0x10440, s8  }
.Ltmp0:
0x16: {  	s16 =	smax.u32 s0, $0x1;
	[dreg:$0x5] =	wrdreg s10;
	(pc) =	sbr.rel .LBB2_1-.Ltmp0, $4  }
0x17: {  	s0 =	simm.s32 $0x50;
	[dreg:$0x6] =	wrdreg s8;
	s10 =	sadd.s32 s7, s1  }
0x18: {  	v0 =	vlaneseq.u32;
	s7 =	sor.u32 $0x1C06, s22;
	s22 =	simm.s32 $0x1;
	s8 =	simm.s32 $0x8  }
0x19: {  	vm0 =	vmmov $0x3ff;
	v2 =	vor.u32 $0x10, v0;
	v3 =	vor.u32 $0x20, v0;
	[dreg:$0xb] =	wrdreg s7;
	s7 =	sadd.s32 s4, s24;
	s21 =	sshrl.u32 s10, $0x3  }
0x1a: {  	v4 =	vor.u32 $0x30, v0;
	v5 =	vor.u32 $0x40, v0;
	v1 =	vmov s12;
	s24 =	simm.s32 $0x3;
	[dreg:$0xc] =	wrdreg s7;
	s7 =	simm.s32 $0x7  }
.LBB2_12:
0x1b: {  	_ =	sdelay $0x3  }
0x1c: {  	v8 =	vld.idx.msk [tilespmem:v8+s9+$0x0], $0xffff  }
0x1d: {  	v11 =	vld.idx.msk [tilespmem:v11+s9+$0x0], $0xffff;
	_ =	sdelay $0x1  }
0x1e: {  	v9 =	vadd.f32 v10, v9  }
0x1f: {  	v6 =	vadd.f32 v7, v6  }
0x20: {  	v7 =	vadd.f32 v8, v9  }
0x21: {  	v6 =	vadd.f32 v11, v6  }
0x22: {  	[tilespmem:$0x11620] =	vst v7  }
0x23: {  	s12 =	rddreg [dreg:$0xe];
	s13 =	simm.s32 $0x11620;
	[tilespmem:$0x11630] =	vst v6  }
0x24: {  	[hbm4b:s12+s3] =	stream.linear.scatter [tilespmem:s13], [sflag:$0x9], $0x20, $0x38;
	[tilespmem:$0x15460] =	vst v63  }
0x25: {  	_ =	swait.ge [sflag:s31], $0x20  }
0x26: {  	[sflag:s31] =	ssyncset.done $0x0  }
0x27: {  	[sflag:s31] =	ssyncadd.s32 $0xFFFFFFE0  }
.LBB2_13:
0x28: {  	s11 =	sadd.s32 $0x1, s11  }
0x29: {  	p1 =	sne.s32 s11, s16  }
.Ltmp1:
0x2a: {  	_ = 	snop;
	(pc) =	sbr.rel @!p1 .LBB2_14-.Ltmp1, $1  }
0x2b: {  	_ =	sdelay $0x3  }
.LBB2_1:
0x2c: {  	s12 =	rddreg [dreg:$0x5]  }
0x2d: {  	s13 =	rddreg [dreg:$0x6]  }
0x2e: {  	[tilespmem:s3], [sflag:$0x1] =	stream.linear.gather [hbm4b:s12+s3], $0x2710, $0x38;
	[tilespmem:$0x15460] =	vst v63  }
0x2f: {  	s17 =	rddreg [dreg:$0x8]  }
0x30: {  	[tilespmem:s14], [sflag:$0x2] =	stream.linear.gather [hbm4b:s13+s3], $0x2710, $0x38;
	[tilespmem:$0x15460] =	vst v63  }
0x31: {  	s14 =	rddreg [dreg:$0x7]  }
0x32: {  	[tilespmem:s18], [sflag:$0x3] =	stream.linear.gather [hbm4b:s14+s3], $0x2800, $0x38;
	[tilespmem:$0x15460] =	vst v63  }
0x33: {  	s13 =	rddreg [dreg:$0x9]  }
0x34: {  	[tilespmem:s19], [sflag:$0x4] =	stream.linear.gather [hbm4b:s17+s3], $0x2800, $0x38;
	[tilespmem:$0x15460] =	vst v63  }
0x35: {  	s14 =	rddreg [dreg:$0xa]  }
0x36: {  	[tilespmem:s20], [sflag:$0x5] =	stream.linear.gather [hbm4b:s13+s3], $0x2800, $0x38;
	[tilespmem:$0x15460] =	vst v63  }
0x37: {  	s13 =	rddreg [dreg:$0xb]  }
0x38: {  	[spmem:s21], [sflag:s13] =	dma.local [hbm:s14], $0x500  }
0x39: {  	_ =	swait.ge [sflag:s22], $0x2710  }
0x3a: {  	[sflag:s22] =	ssyncset.done $0x0  }
0x3b: {  	[sflag:s22] =	ssyncadd.s32 $0xFFFFD8F0  }
0x3c: {  	_ =	swait.ge [sflag:s23], $0x2710  }
0x3d: {  	[sflag:s23] =	ssyncset.done $0x0  }
0x3e: {  	[sflag:s23] =	ssyncadd.s32 $0xFFFFD8F0  }
0x3f: {  	_ =	swait.ge [sflag:s24], $0x2800  }
0x40: {  	[sflag:s24] =	ssyncset.done $0x0  }
0x41: {  	v6 =	vmov s3;
	[sflag:s24] =	ssyncadd.s32 $0xFFFFD800  }
0x42: {  	v6 =	vmul.u32 $0x50, v6;
	_ =	swait.ge [sflag:s25], $0x2800  }
0x43: {  	[sflag:s25] =	ssyncset.done $0x0  }
0x44: {  	v6 =	vbroadcast v6, $0x0;
	[sflag:s25] =	ssyncadd.s32 $0xFFFFD800  }
0x45: {  	_ =	swait.ge [sflag:s26], $0x2800  }
0x46: {  	v7 =	vor.u32 v0, v6;
	[sflag:s26] =	ssyncset.done $0x0  }
0x47: {  	[sflag:s26] =	ssyncadd.s32 $0xFFFFD800  }
0x48: {  	_ =	swait.ge [sflag:s28], $0x500  }
0x49: {  	[sflag:s28] =	ssyncset.done $0x0  }
0x4a: {  	[sflag:s28] =	ssyncadd.s32 $0xFFFFFB00  }
0x4b: {  	v8 =	vld.idx.msk [tilespmem:v7+s3+$0x0], $0xffff;
	_ =	sdelay $0x1  }
0x4c: {  	v9 =	vadd.s32 v2, v6;
	_ =	sdelay $0x2  }
0x4d: {  	v8 =	vadd.s32 v1, v8  }
0x4e: {  	[tilespmem:v7+s3+$0x0] =	vst.idx.msk $0xffff, v8  }
0x4f: {  	v7 =	vld.idx.msk [tilespmem:v9+s3+$0x0], $0xffff;
	_ =	sdelay $0x1  }
0x50: {  	v8 =	vadd.s32 v3, v6;
	_ =	sdelay $0x2  }
0x51: {  	v7 =	vadd.s32 v1, v7  }
0x52: {  	[tilespmem:v9+s3+$0x0] =	vst.idx.msk $0xffff, v7  }
0x53: {  	v7 =	vld.idx.msk [tilespmem:v8+s3+$0x0], $0xffff;
	_ =	sdelay $0x1  }
0x54: {  	v9 =	vadd.s32 v4, v6;
	_ =	sdelay $0x2  }
0x55: {  	v7 =	vadd.s32 v1, v7  }
0x56: {  	[tilespmem:v8+s3+$0x0] =	vst.idx.msk $0xffff, v7  }
0x57: {  	v8 =	vld.idx.msk [tilespmem:v9+s3+$0x0], $0xffff;
	_ =	sdelay $0x2  }
0x58: {  	v7 =	vadd.s32 v5, v6;
	_ =	sdelay $0x1  }
0x59: {  	s17 =	simm.s32 $0x1;
	v6 =	vadd.s32 v1, v8  }
0x5a: {  	[tilespmem:v9+s3+$0x0] =	vst.idx.msk $0xffff, v6;
	v6 =	vmov s17  }
0x5b: {  	v6 =	vmul.u32 $0x50, v6  }
0x5c: {  	v9 =	vld.idx.msk [tilespmem:v7+s3+$0x0], $0xffff  }
0x5d: {  	v6 =	vbroadcast v6, $0x0;
	_ =	sdelay $0x1  }
0x5e: {  	v8 =	vor.u32 v0, v6;
	_ =	sdelay $0x1  }
0x5f: {  	s12 =	simm.s32 $0x2;
	s13 =	simm.s32 $0x0;
	s17 =	simm.s32 $0x0;
	v9 =	vadd.s32 v1, v9  }
.LBB2_2:
0x60: {  	p1 =	sne.s32 s12, $0x7C;
	[tilespmem:v7+s13+$0x0] =	vst.idx.msk $0xffff, v9;
	s13 =	smov.u32 s17  }
0x61: {  	s17 =	simm.s32 $0x0;
	s14 =	smov.u32 s12;
	s12 =	sadd.s32 $0x1, s12  }
0x62: {  	v7 =	vld.idx.msk [tilespmem:v8+s13+$0x0], $0xffff;
	_ =	sdelay $0x2  }
0x63: {  	v9 =	vadd.s32 v2, v6;
	_ =	sdelay $0x2  }
0x64: {  	v7 =	vadd.s32 v1, v7  }
0x65: {  	[tilespmem:v8+s13+$0x0] =	vst.idx.msk $0xffff, v7  }
0x66: {  	v7 =	vld.idx.msk [tilespmem:v9+s13+$0x0], $0xffff;
	_ =	sdelay $0x2  }
0x67: {  	v8 =	vadd.s32 v3, v6;
	_ =	sdelay $0x2  }
0x68: {  	v7 =	vadd.s32 v1, v7  }
0x69: {  	[tilespmem:v9+s13+$0x0] =	vst.idx.msk $0xffff, v7  }
0x6a: {  	v7 =	vld.idx.msk [tilespmem:v8+s13+$0x0], $0xffff;
	_ =	sdelay $0x2  }
0x6b: {  	v9 =	vadd.s32 v4, v6;
	_ =	sdelay $0x2  }
0x6c: {  	v7 =	vadd.s32 v1, v7  }
0x6d: {  	[tilespmem:v8+s13+$0x0] =	vst.idx.msk $0xffff, v7  }
0x6e: {  	v8 =	vld.idx.msk [tilespmem:v9+s13+$0x0], $0xffff;
	_ =	sdelay $0x2  }
0x6f: {  	v7 =	vadd.s32 v5, v6;
	_ =	sdelay $0x2  }
0x70: {  	v6 =	vmov s14;
	v8 =	vadd.s32 v1, v8  }
0x71: {  	v6 =	vmul.u32 $0x50, v6;
	[tilespmem:v9+s13+$0x0] =	vst.idx.msk $0xffff, v8  }
0x72: {  	v9 =	vld.idx.msk [tilespmem:v7+s13+$0x0], $0xffff  }
0x73: {  	v6 =	vbroadcast v6, $0x0  }
.Ltmp2:
0x74: {  	(pc) =	sbr.rel @p1 .LBB2_2-.Ltmp2, $2  }
0x75: {  	v8 =	vor.u32 v0, v6;
	_ =	sdelay $0x2  }
0x76: {  	v9 =	vadd.s32 v1, v9  }
0x77: {  	_ =	sdelay $0x3  }
0x78: {  	[tilespmem:v7+s13+$0x0] =	vst.idx.msk $0xffff, v9  }
0x79: {  	v7 =	vld.idx.msk [tilespmem:v8+s17+$0x0], $0xffff;
	_ =	sdelay $0x1  }
0x7a: {  	v9 =	vadd.s32 v2, v6;
	_ =	sdelay $0x2  }
0x7b: {  	v7 =	vadd.s32 v1, v7  }
0x7c: {  	[tilespmem:v8+s17+$0x0] =	vst.idx.msk $0xffff, v7  }
0x7d: {  	v7 =	vld.idx.msk [tilespmem:v9+s17+$0x0], $0xffff;
	_ =	sdelay $0x1  }
0x7e: {  	v8 =	vadd.s32 v3, v6;
	_ =	sdelay $0x2  }
0x7f: {  	v7 =	vadd.s32 v1, v7  }
0x80: {  	[tilespmem:v9+s17+$0x0] =	vst.idx.msk $0xffff, v7  }
0x81: {  	v7 =	vld.idx.msk [tilespmem:v8+s17+$0x0], $0xffff;
	_ =	sdelay $0x1  }
0x82: {  	v9 =	vadd.s32 v4, v6;
	_ =	sdelay $0x2  }
0x83: {  	v7 =	vadd.s32 v1, v7  }
0x84: {  	[tilespmem:v8+s17+$0x0] =	vst.idx.msk $0xffff, v7  }
0x85: {  	v7 =	vld.idx.msk [tilespmem:v9+s17+$0x0], $0xffff;
	_ =	sdelay $0x1  }
0x86: {  	v6 =	vadd.s32 v5, v6;
	_ =	sdelay $0x2  }
0x87: {  	v7 =	vadd.s32 v1, v7  }
0x88: {  	[tilespmem:v9+s17+$0x0] =	vst.idx.msk $0xffff, v7  }
0x89: {  	v8 =	vld.idx.msk [tilespmem:v6+s17+$0x0], $0xffff  }
0x8a: {  	s12 =	simm.s32 $0x0  }
0x8b: {  	v7 =	vor.u32 s12, v0;
	_ =	sdelay $0x2  }
0x8c: {  	v8 =	vadd.s32 v1, v8  }
0x8d: {  	[tilespmem:v6+s17+$0x0] =	vst.idx.msk $0xffff, v8  }
0x8e: {  	v6 =	vld.idx.msk [tilespmem:v7+s20+$0x0], $0xffff  }
0x8f: {  	v8 =	vld.idx.msk [tilespmem:v7+s19+$0x0], $0xffff;
	_ =	sdelay $0x4  }
0x90: {  	v6 =	vadd.f32 v6, v8;
	_ =	sdelay $0x1  }
0x91: {  	v8 =	vmax.f32 v6, $1.000000000e+00  }
0x92: {  	v8 =	vbroadcast v8, $0xA;
	_ =	sdelay $0x1  }
0x93: {  	(erf) = vrcp.f32 v8;
	_ =	sdelay $0x6  }
0x94: {  	v8 =	vld.idx.msk [tilespmem:v7+s18+$0x0], $0xffff;
	_ =	sdelay $0x1  }
0x95: {  	v9 =	vpop (erf)  }
0x96: {  	v6 =	vmul.f32 v9, v6;
	_ =	sdelay $0x1  }
0x97: {  	v10 =	vadd.f32 v6, v8  }
0x98: {  	s17 =	simm.s32 $0x10  }
0x99: {  	s12 =	simm.s32 $0x2;
	v6 =	vimm.f32 $0.0e+00;
	v8 =	vor.u32 s17, v0;
	v10 =	vmax.f32 v10, $0.0e+00  }
.LBB2_4:
0x9a: {  	p1 =	sne.s32 s12, $0x27F;
	v10 =	vnsel vm0, $0x0, v10  }
0x9b: {  	[tilespmem:v7+s29+$0x0] =	vst.idx.msk $0xffff, v10;
	v6 =	vadd.f32 v10, v6  }
0x9c: {  	[tilespmem:v7+s30+$0x0] =	vst.idx.msk $0xffff, v9;
	v7 =	vmov v8  }
0x9d: {  	v9 =	vld.idx.msk [tilespmem:v8+s20+$0x0], $0xffff  }
0x9e: {  	v8 =	vld.idx.msk [tilespmem:v8+s19+$0x0], $0xffff;
	_ =	sdelay $0x5  }
0x9f: {  	v8 =	vadd.f32 v9, v8;
	_ =	sdelay $0x1  }
0xa0: {  	v9 =	vmax.f32 v8, $1.000000000e+00  }
0xa1: {  	v9 =	vbroadcast v9, $0xA;
	_ =	sdelay $0x1  }
0xa2: {  	(erf) = vrcp.f32 v9;
	_ =	sdelay $0x5  }
0xa3: {  	v10 =	vld.idx.msk [tilespmem:v7+s18+$0x0], $0xffff;
	_ =	sdelay $0x2  }
0xa4: {  	v9 =	vpop (erf)  }
.Ltmp3:
0xa5: {  	v8 =	vmul.f32 v9, v8;
	(pc) =	sbr.rel @p1 .LBB2_4-.Ltmp3, $4  }
0xa6: {  	_ = 	snop  }
0xa7: {  	s13 =	sshll.u32 s12, $0x4;
	v10 =	vadd.f32 v8, v10  }
0xa8: {  	v8 =	vor.u32 s13, v0  }
0xa9: {  	s12 =	sadd.s32 $0x1, s12;
	v10 =	vmax.f32 v10, $0.0e+00  }
0xaa: {  	_ =	sdelay $0x2  }
0xab: {  	v10 =	vnsel vm0, $0x0, v10  }
0xac: {  	[tilespmem:v7+s29+$0x0] =	vst.idx.msk $0xffff, v10  }
0xad: {  	[tilespmem:v7+s30+$0x0] =	vst.idx.msk $0xffff, v9  }
0xae: {  	v7 =	vld.idx.msk [tilespmem:v8+s20+$0x0], $0xffff  }
0xaf: {  	v9 =	vld.idx.msk [tilespmem:v8+s19+$0x0], $0xffff;
	_ =	sdelay $0x4  }
0xb0: {  	v7 =	vadd.f32 v7, v9;
	_ =	sdelay $0x1  }
0xb1: {  	v9 =	vmax.f32 v7, $1.000000000e+00  }
0xb2: {  	v9 =	vbroadcast v9, $0xA;
	_ =	sdelay $0x1  }
0xb3: {  	(erf) = vrcp.f32 v9;
	_ =	sdelay $0x6  }
0xb4: {  	v63 =	vld.idx.msk [tilespmem:v8+s18+$0x0], $0xffff;
	_ =	sdelay $0x1  }
0xb5: {  	v11 =	vpop (erf)  }
0xb6: {  	v7 =	vmul.f32 v11, v7;
	_ =	sdelay $0x1  }
0xb7: {  	v7 =	vadd.f32 v7, v63;
	_ =	sdelay $0x1  }
0xb8: {  	v7 =	vmax.f32 v7, $0.0e+00  }
0xb9: {  	v7 =	vnsel vm0, $0x0, v7  }
0xba: {  	[tilespmem:v8+s29+$0x0] =	vst.idx.msk $0xffff, v7  }
0xbb: {  	s12 =	simm.s32 $0x0;
	s13 =	rddreg [dreg:$0xc];
	[tilespmem:v8+s30+$0x0] =	vst.idx.msk $0xffff, v11  }
0xbc: {  	[hbm4b:s13+s12] =	stream.linear.scatter [tilespmem:s29], [sflag:$0x9], $0x2800, $0x38;
	[tilespmem:$0x15460] =	vst v63  }
0xbd: {  	_ =	swait.ge [sflag:s31], $0x2800  }
0xbe: {  	[sflag:s31] =	ssyncset.done $0x0  }
0xbf: {  	[sflag:s31] =	ssyncadd.s32 $0xFFFFD800  }
0xc0: {  	[bflag:$0x0] =	sbarrier.arrive $0xFFFF  }
0xc1: {  	[tilespmem:s2], [sflag:$0x1] =	stream.indirect.gather [hbm4b:s4+s0], $0x10, s12, s0, $0xb8;
	[tilespmem:$0x15460] =	vst v63  }
0xc2: {  	_ = 	snop  }
0xc3: {  	[tilespmem:s15], [sflag:$0x2] =	stream.indirect.gather [hbm4b:s4+s0], $0x10, s0, s0, $0xb8;
	[tilespmem:$0x15460] =	vst v63  }
0xc4: {  	_ =	swait.ge [sflag:s22], $0x500  }
0xc5: {  	[sflag:s22] =	ssyncset.done $0x0  }
0xc6: {  	s14 =	simm.s32 $0x2710;
	[sflag:s22] =	ssyncadd.s32 $0xFFFFFB00  }
0xc7: {  	[spmem:s1] =	stream.indirect.scatter.add.f32 [tilespmem:s2], [sflag:$0x5], $0x10, s14, s0, $0xb8;
	[tilespmem:$0x15460] =	vst v63  }
0xc8: {  	s13 =	simm.s32 $0xA0  }
0xc9: {  	[tilespmem:s5], [sflag:$0x3] =	stream.indirect.gather [hbm4b:s4+s0], $0x10, s13, s0, $0xb8;
	[tilespmem:$0x15460] =	vst v63  }
0xca: {  	_ =	swait.ge [sflag:s23], $0x500  }
0xcb: {  	[sflag:s23] =	ssyncset.done $0x0  }
0xcc: {  	s17 =	simm.s32 $0x2760;
	[sflag:s23] =	ssyncadd.s32 $0xFFFFFB00  }
0xcd: {  	[spmem:s1] =	stream.indirect.scatter.add.f32 [tilespmem:s15], [sflag:$0x6], $0x10, s17, s0, $0xb8;
	[tilespmem:$0x15460] =	vst v63  }
0xce: {  	s13 =	simm.s32 $0xF0  }
0xcf: {  	[tilespmem:s6], [sflag:$0x4] =	stream.indirect.gather [hbm4b:s4+s0], $0x10, s13, s0, $0xb8;
	[tilespmem:$0x15460] =	vst v63  }
0xd0: {  	_ =	swait.ge [sflag:s24], $0x500  }
0xd1: {  	[sflag:s24] =	ssyncset.done $0x0  }
0xd2: {  	s17 =	simm.s32 $0x27B0;
	[sflag:s24] =	ssyncadd.s32 $0xFFFFFB00  }
0xd3: {  	[spmem:s1] =	stream.indirect.scatter.add.f32 [tilespmem:s5], [sflag:$0x7], $0x10, s17, s0, $0xb8;
	[tilespmem:$0x15460] =	vst v63  }
0xd4: {  	_ =	swait.ge [sflag:s26], $0x500  }
0xd5: {  	[sflag:s26] =	ssyncset.done $0x0  }
0xd6: {  	s13 =	simm.s32 $0x140;
	[sflag:s26] =	ssyncadd.s32 $0xFFFFFB00  }
0xd7: {  	[tilespmem:s2], [sflag:$0x1] =	stream.indirect.gather [hbm4b:s4+s0], $0x10, s13, s0, $0xb8;
	[tilespmem:$0x15460] =	vst v63  }
0xd8: {  	_ =	swait.ge [sflag:s25], $0x500  }
0xd9: {  	[sflag:s25] =	ssyncset.done $0x0  }
0xda: {  	s17 =	simm.s32 $0x2800;
	[sflag:s25] =	ssyncadd.s32 $0xFFFFFB00  }
0xdb: {  	[spmem:s1] =	stream.indirect.scatter.add.f32 [tilespmem:s6], [sflag:$0x8], $0x10, s17, s0, $0xb8;
	[tilespmem:$0x15460] =	vst v63  }
0xdc: {  	_ =	swait.ge [sflag:s28], $0x500  }
0xdd: {  	[sflag:s28] =	ssyncset.done $0x0  }
0xde: {  	s13 =	simm.s32 $0x190;
	[sflag:s28] =	ssyncadd.s32 $0xFFFFFB00  }
0xdf: {  	[tilespmem:s15], [sflag:$0x2] =	stream.indirect.gather [hbm4b:s4+s0], $0x10, s13, s0, $0xb8;
	[tilespmem:$0x15460] =	vst v63  }
0xe0: {  	_ =	swait.ge [sflag:s22], $0x500  }
0xe1: {  	[sflag:s22] =	ssyncset.done $0x0  }
0xe2: {  	s17 =	simm.s32 $0x2850;
	[sflag:s22] =	ssyncadd.s32 $0xFFFFFB00  }
0xe3: {  	[spmem:s1] =	stream.indirect.scatter.add.f32 [tilespmem:s2], [sflag:$0x5], $0x10, s17, s0, $0xb8;
	[tilespmem:$0x15460] =	vst v63  }
0xe4: {  	_ =	swait.ge [sflag:s7], $0x500  }
0xe5: {  	[sflag:s7] =	ssyncset.done $0x0  }
0xe6: {  	s13 =	simm.s32 $0x1E0;
	[sflag:s7] =	ssyncadd.s32 $0xFFFFFB00  }
0xe7: {  	[tilespmem:s5], [sflag:$0x3] =	stream.indirect.gather [hbm4b:s4+s0], $0x10, s13, s0, $0xb8;
	[tilespmem:$0x15460] =	vst v63  }
0xe8: {  	_ =	swait.ge [sflag:s23], $0x500  }
0xe9: {  	[sflag:s23] =	ssyncset.done $0x0  }
0xea: {  	s17 =	simm.s32 $0x28A0;
	[sflag:s23] =	ssyncadd.s32 $0xFFFFFB00  }
0xeb: {  	[spmem:s1] =	stream.indirect.scatter.add.f32 [tilespmem:s15], [sflag:$0x6], $0x10, s17, s0, $0xb8;
	[tilespmem:$0x15460] =	vst v63  }
0xec: {  	v6 =	vadd.f32 v10, v6;
	_ =	swait.ge [sflag:s8], $0x500  }
0xed: {  	[sflag:s8] =	ssyncset.done $0x0  }
0xee: {  	v6 =	vadd.f32 v7, v6;
	s12 =	simm.s32 $0x230;
	s17 =	simm.s32 $0x500;
	[sflag:s8] =	ssyncadd.s32 $0xFFFFFB00  }
.LBB2_6:
0xef: {  	[tilespmem:s6], [sflag:$0x4] =	stream.indirect.gather [hbm4b:s4+s0], $0x10, s12, s0, $0xb8;
	[tilespmem:$0x15460] =	vst v63  }
0xf0: {  	s12 =	smov.u32 s17  }
0xf1: {  	p1 =	sne.s32 s17, $0x8C00;
	s17 =	sadd.s32 $0x500, s17;
	_ =	swait.ge [sflag:s24], $0x500  }
0xf2: {  	s12 =	sshra.s32 s12, $0x2;
	[sflag:s24] =	ssyncset.done $0x0  }
0xf3: {  	s13 =	sadd.s32 $0x27B0, s12;
	[sflag:s24] =	ssyncadd.s32 $0xFFFFFB00  }
0xf4: {  	[spmem:s1] =	stream.indirect.scatter.add.f32 [tilespmem:s5], [sflag:$0x7], $0x10, s13, s0, $0xb8;
	[tilespmem:$0x15460] =	vst v63  }
0xf5: {  	_ =	swait.ge [sflag:s26], $0x500  }
0xf6: {  	[sflag:s26] =	ssyncset.done $0x0  }
0xf7: {  	s13 =	sadd.s32 $0x140, s12;
	[sflag:s26] =	ssyncadd.s32 $0xFFFFFB00  }
0xf8: {  	[tilespmem:s2], [sflag:$0x1] =	stream.indirect.gather [hbm4b:s4+s0], $0x10, s13, s0, $0xb8;
	[tilespmem:$0x15460] =	vst v63  }
0xf9: {  	_ =	swait.ge [sflag:s25], $0x500  }
0xfa: {  	[sflag:s25] =	ssyncset.done $0x0  }
0xfb: {  	s13 =	sadd.s32 $0x2800, s12;
	[sflag:s25] =	ssyncadd.s32 $0xFFFFFB00  }
0xfc: {  	[spmem:s1] =	stream.indirect.scatter.add.f32 [tilespmem:s6], [sflag:$0x8], $0x10, s13, s0, $0xb8;
	[tilespmem:$0x15460] =	vst v63  }
0xfd: {  	_ =	swait.ge [sflag:s28], $0x500  }
0xfe: {  	[sflag:s28] =	ssyncset.done $0x0  }
0xff: {  	s13 =	sadd.s32 $0x190, s12;
	[sflag:s28] =	ssyncadd.s32 $0xFFFFFB00  }
0x100: {  	[tilespmem:s15], [sflag:$0x2] =	stream.indirect.gather [hbm4b:s4+s0], $0x10, s13, s0, $0xb8;
	[tilespmem:$0x15460] =	vst v63  }
0x101: {  	_ =	swait.ge [sflag:s22], $0x500  }
0x102: {  	[sflag:s22] =	ssyncset.done $0x0  }
0x103: {  	s13 =	sadd.s32 $0x2850, s12;
	[sflag:s22] =	ssyncadd.s32 $0xFFFFFB00  }
0x104: {  	[spmem:s1] =	stream.indirect.scatter.add.f32 [tilespmem:s2], [sflag:$0x5], $0x10, s13, s0, $0xb8;
	[tilespmem:$0x15460] =	vst v63  }
0x105: {  	_ =	swait.ge [sflag:s7], $0x500  }
0x106: {  	[sflag:s7] =	ssyncset.done $0x0  }
0x107: {  	s13 =	sadd.s32 $0x1E0, s12;
	[sflag:s7] =	ssyncadd.s32 $0xFFFFFB00  }
0x108: {  	[tilespmem:s5], [sflag:$0x3] =	stream.indirect.gather [hbm4b:s4+s0], $0x10, s13, s0, $0xb8;
	[tilespmem:$0x15460] =	vst v63  }
0x109: {  	_ =	swait.ge [sflag:s23], $0x500  }
0x10a: {  	[sflag:s23] =	ssyncset.done $0x0  }
.Ltmp4:
0x10b: {  	s13 =	sadd.s32 $0x28A0, s12;
	[sflag:s23] =	ssyncadd.s32 $0xFFFFFB00;
	(pc) =	sbr.rel @p1 .LBB2_6-.Ltmp4, $4  }
0x10c: {  	[spmem:s1] =	stream.indirect.scatter.add.f32 [tilespmem:s15], [sflag:$0x6], $0x10, s13, s0, $0xb8;
	[tilespmem:$0x15460] =	vst v63  }
0x10d: {  	_ =	swait.ge [sflag:s8], $0x500  }
0x10e: {  	[sflag:s8] =	ssyncset.done $0x0  }
0x10f: {  	s12 =	sadd.s32 $0x230, s12;
	[sflag:s8] =	ssyncadd.s32 $0xFFFFFB00  }
0x110: {  	[tilespmem:s6], [sflag:$0x4] =	stream.indirect.gather [hbm4b:s4+s0], $0x10, s12, s0, $0xb8;
	[tilespmem:$0x15460] =	vst v63  }
0x111: {  	_ =	swait.ge [sflag:s24], $0x500  }
0x112: {  	[sflag:s24] =	ssyncset.done $0x0  }
0x113: {  	s13 =	simm.s32 $0x4BF0;
	[sflag:s24] =	ssyncadd.s32 $0xFFFFFB00  }
0x114: {  	[spmem:s1] =	stream.indirect.scatter.add.f32 [tilespmem:s5], [sflag:$0x7], $0x10, s13, s0, $0xb8;
	[tilespmem:$0x15460] =	vst v63  }
0x115: {  	_ =	swait.ge [sflag:s26], $0x500  }
0x116: {  	[sflag:s26] =	ssyncset.done $0x0  }
0x117: {  	s17 =	simm.s32 $0x2580;
	[sflag:s26] =	ssyncadd.s32 $0xFFFFFB00  }
0x118: {  	[tilespmem:s2], [sflag:$0x1] =	stream.indirect.gather [hbm4b:s4+s0], $0x10, s17, s0, $0xb8;
	[tilespmem:$0x15460] =	vst v63  }
0x119: {  	_ =	swait.ge [sflag:s25], $0x500  }
0x11a: {  	[sflag:s25] =	ssyncset.done $0x0  }
0x11b: {  	s13 =	simm.s32 $0x4C40;
	[sflag:s25] =	ssyncadd.s32 $0xFFFFFB00  }
0x11c: {  	[spmem:s1] =	stream.indirect.scatter.add.f32 [tilespmem:s6], [sflag:$0x8], $0x10, s13, s0, $0xb8;
	[tilespmem:$0x15460] =	vst v63  }
0x11d: {  	_ =	swait.ge [sflag:s28], $0x500  }
0x11e: {  	[sflag:s28] =	ssyncset.done $0x0  }
0x11f: {  	s17 =	simm.s32 $0x25D0;
	[sflag:s28] =	ssyncadd.s32 $0xFFFFFB00  }
0x120: {  	[tilespmem:s15], [sflag:$0x2] =	stream.indirect.gather [hbm4b:s4+s0], $0x10, s17, s0, $0xb8;
	[tilespmem:$0x15460] =	vst v63  }
0x121: {  	_ =	swait.ge [sflag:s22], $0x500  }
0x122: {  	[sflag:s22] =	ssyncset.done $0x0  }
0x123: {  	s13 =	simm.s32 $0x4C90;
	[sflag:s22] =	ssyncadd.s32 $0xFFFFFB00  }
0x124: {  	[spmem:s1] =	stream.indirect.scatter.add.f32 [tilespmem:s2], [sflag:$0x5], $0x10, s13, s0, $0xb8;
	[tilespmem:$0x15460] =	vst v63  }
0x125: {  	_ =	swait.ge [sflag:s7], $0x500  }
0x126: {  	[sflag:s7] =	ssyncset.done $0x0  }
0x127: {  	s17 =	simm.s32 $0x2620;
	[sflag:s7] =	ssyncadd.s32 $0xFFFFFB00  }
0x128: {  	[tilespmem:s5], [sflag:$0x3] =	stream.indirect.gather [hbm4b:s4+s0], $0x10, s17, s0, $0xb8;
	[tilespmem:$0x15460] =	vst v63  }
0x129: {  	_ =	swait.ge [sflag:s23], $0x500  }
0x12a: {  	[sflag:s23] =	ssyncset.done $0x0  }
0x12b: {  	s13 =	simm.s32 $0x4CE0;
	[sflag:s23] =	ssyncadd.s32 $0xFFFFFB00  }
0x12c: {  	[spmem:s1] =	stream.indirect.scatter.add.f32 [tilespmem:s15], [sflag:$0x6], $0x10, s13, s0, $0xb8;
	[tilespmem:$0x15460] =	vst v63  }
0x12d: {  	_ =	swait.ge [sflag:s8], $0x500  }
0x12e: {  	[sflag:s8] =	ssyncset.done $0x0  }
0x12f: {  	s17 =	simm.s32 $0x2670;
	[sflag:s8] =	ssyncadd.s32 $0xFFFFFB00  }
0x130: {  	[tilespmem:s6], [sflag:$0x4] =	stream.indirect.gather [hbm4b:s4+s0], $0x10, s17, s0, $0xb8;
	[tilespmem:$0x15460] =	vst v63  }
0x131: {  	_ =	swait.ge [sflag:s24], $0x500  }
0x132: {  	[sflag:s24] =	ssyncset.done $0x0  }
0x133: {  	s13 =	simm.s32 $0x4D30;
	[sflag:s24] =	ssyncadd.s32 $0xFFFFFB00  }
0x134: {  	[spmem:s1] =	stream.indirect.scatter.add.f32 [tilespmem:s5], [sflag:$0x7], $0x10, s13, s0, $0xb8;
	[tilespmem:$0x15460] =	vst v63  }
0x135: {  	_ =	swait.ge [sflag:s26], $0x500  }
0x136: {  	[sflag:s26] =	ssyncset.done $0x0  }
0x137: {  	s17 =	simm.s32 $0x26C0;
	[sflag:s26] =	ssyncadd.s32 $0xFFFFFB00  }
0x138: {  	[tilespmem:s2], [sflag:$0x1] =	stream.indirect.gather [hbm4b:s4+s0], $0x10, s17, s0, $0xb8;
	[tilespmem:$0x15460] =	vst v63  }
0x139: {  	_ =	swait.ge [sflag:s25], $0x500  }
0x13a: {  	[sflag:s25] =	ssyncset.done $0x0  }
0x13b: {  	s13 =	simm.s32 $0x4D80;
	[sflag:s25] =	ssyncadd.s32 $0xFFFFFB00  }
0x13c: {  	[spmem:s1] =	stream.indirect.scatter.add.f32 [tilespmem:s6], [sflag:$0x8], $0x10, s13, s0, $0xb8;
	[tilespmem:$0x15460] =	vst v63  }
0x13d: {  	_ =	swait.ge [sflag:s22], $0x500  }
0x13e: {  	[sflag:s22] =	ssyncset.done $0x0  }
0x13f: {  	s17 =	simm.s32 $0x4DD0;
	[sflag:s22] =	ssyncadd.s32 $0xFFFFFB00  }
0x140: {  	[spmem:s1] =	stream.indirect.scatter.add.f32 [tilespmem:s2], [sflag:$0x5], $0x10, s17, s0, $0xb8;
	[tilespmem:$0x15460] =	vst v63  }
0x141: {  	_ =	swait.ge [sflag:s26], $0x500  }
0x142: {  	[sflag:s26] =	ssyncset.done $0x0  }
0x143: {  	[sflag:s26] =	ssyncadd.s32 $0xFFFFFB00  }
0x144: {  	_ =	swait.ge [sflag:s28], $0x500  }
0x145: {  	[sflag:s28] =	ssyncset.done $0x0  }
0x146: {  	[sflag:s28] =	ssyncadd.s32 $0xFFFFFB00  }
0x147: {  	_ =	swait.ge [sflag:s7], $0x500  }
0x148: {  	[sflag:s7] =	ssyncset.done $0x0  }
0x149: {  	[sflag:s7] =	ssyncadd.s32 $0xFFFFFB00  }
0x14a: {  	_ =	swait.ge [sflag:s8], $0x500  }
0x14b: {  	[sflag:s8] =	ssyncset.done $0x0  }
0x14c: {  	s13 =	simm.s32 $0x0;
	[sflag:s8] =	ssyncadd.s32 $0xFFFFFB00  }
0x14d: {  	v10 =	vor.u32 s13, v0;
	[bflag:$0x0] =	sbarrier.arrive $0xFFFF  }
0x14e: {  	[tilespmem:s19], [sflag:$0x9] =	stream.linear.gather [spmem:s10], $0x2800, $0x38;
	[tilespmem:$0x15460] =	vst v63  }
0x14f: {  	_ =	swait.ge [sflag:s31], $0x2800  }
0x150: {  	[sflag:s31] =	ssyncset.done $0x0  }
0x151: {  	[sflag:s31] =	ssyncadd.s32 $0xFFFFD800  }
0x152: {  	s17 =	simm.s32 $0x10;
	v8 =	vld.idx.msk [tilespmem:v10+s19+$0x0], $0xffff  }
0x153: {  	v7 =	vimm.f32 $0.0e+00;
	s12 =	simm.s32 $0x2;
	v9 =	vor.u32 s17, v0;
	v10 =	vld.idx.msk [tilespmem:v10+s30+$0x0], $0xffff  }
.LBB2_8:
0x154: {  	_ = 	snop  }
0x155: {  	p1 =	sne.s32 s12, $0x27F  }
.Ltmp5:
0x156: {  	_ = 	snop;
	(pc) =	sbr.rel @p1 .LBB2_8-.Ltmp5, $4  }
0x157: {  	v11 =	vmov v8  }
0x158: {  	v11 =	vmul.f32 v10, v11  }
0x159: {  	s13 =	sshll.u32 s12, $0x4;
	v8 =	vld.idx.msk [tilespmem:v9+s19+$0x0], $0xffff  }
0x15a: {  	s12 =	sadd.s32 $0x1, s12;
	v10 =	vld.idx.msk [tilespmem:v9+s30+$0x0], $0xffff;
	v9 =	vor.u32 s13, v0;
	v7 =	vadd.f32 v11, v7  }
0x15b: {  	_ =	sdelay $0x3  }
0x15c: {  	v11 =	vld.idx.msk [tilespmem:v9+s19+$0x0], $0xffff  }
0x15d: {  	v62 =	vld.idx.msk [tilespmem:v9+s30+$0x0], $0xffff;
	_ =	sdelay $0x2  }
0x15e: {  	v8 =	vmul.f32 v10, v8;
	_ =	sdelay $0x1  }
0x15f: {  	v63 =	vmul.f32 v62, v11;
	v7 =	vadd.f32 v8, v7;
	_ =	sdelay $0x1  }
0x160: {  	v7 =	vadd.f32 v63, v7  }
0x161: {  	[tilespmem:$0x11620] =	vst v6  }
0x162: {  	s12 =	rddreg [dreg:$0xd];
	s13 =	simm.s32 $0x11620;
	[tilespmem:$0x11630] =	vst v7  }
0x163: {  	[spmem:s12] =	stream.linear.scatter [tilespmem:s13], [sflag:$0x9], $0x20, $0x38;
	[tilespmem:$0x15460] =	vst v63  }
.Ltmp6:
0x164: {  	_ =	swait.ge [sflag:s31], $0x20;
	(pc) =	sbr.rel @p0 .LBB2_13-.Ltmp6, $3  }
0x165: {  	[sflag:s31] =	ssyncset.done $0x0  }
0x166: {  	[sflag:s31] =	ssyncadd.s32 $0xFFFFFFE0  }
0x167: {  	[bflag:$0x0] =	sbarrier.arrive $0xFFFF;
	_ =	sdelay $0x1  }
0x168: {  	s12 =	simm.s32 $0x0  }
0x169: {  	s13 =	rddreg [dreg:$0x3];
	v7 =	vor.u32 s12, v2  }
0x16a: {  	[tilespmem:s9], [sflag:$0x9] =	stream.linear.gather [spmem:s13], $0x200, $0x38;
	v9 =	vor.u32 s12, v0;
	[tilespmem:$0x15460] =	vst v63  }
0x16b: {  	_ =	swait.ge [sflag:s31], $0x200  }
0x16c: {  	[sflag:s31] =	ssyncset.done $0x0  }
0x16d: {  	[sflag:s31] =	ssyncadd.s32 $0xFFFFFE00  }
0x16e: {  	v6 =	vimm.f32 $0.0e+00;
	s17 =	simm.s32 $0x20;
	v7 =	vld.idx.msk [tilespmem:v7+s9+$0x0], $0xffff  }
0x16f: {  	s12 =	simm.s32 $0x2;
	v8 =	vor.u32 s17, v0;
	v11 =	vor.u32 s17, v2;
	v10 =	vld.idx.msk [tilespmem:v9+s9+$0x0], $0xffff;
	v9 =	vimm.f32 $0.0e+00  }
.LBB2_11:
0x170: {  	p1 =	sne.s32 s12, $0xF  }
.Ltmp7:
0x171: {  	_ = 	snop;
	(pc) =	sbr.rel @p1 .LBB2_11-.Ltmp7, $3  }
0x172: {  	_ =	sdelay $0x1  }
0x173: {  	s13 =	sshll.u32 s12, $0x5;
	s12 =	sadd.s32 $0x1, s12;
	v6 =	vadd.f32 v7, v6;
	v7 =	vld.idx.msk [tilespmem:v11+s9+$0x0], $0xffff  }
0x174: {  	v9 =	vadd.f32 v10, v9;
	v11 =	vor.u32 s13, v2;
	v10 =	vld.idx.msk [tilespmem:v8+s9+$0x0], $0xffff;
	v8 =	vor.u32 s13, v0  }
.Ltmp8:
0x175: {  	_ = 	snop;
	(pc) =	sbr.rel .LBB2_12-.Ltmp8, $1  }
0x176: {  	_ =	sdelay $0x3  }
.LBB2_14:
0x177: {  	_ =	sfence.sel $0x180000  }
0x178: {  	[bflag:$0x0] =	sbarrier.arrive $0xFFFF  }
0x179: {  	_ =	strace $0x9000004A  }
0x17a: {  	[bflag:$0x2] =	sbarrier.arrive $0xFFFF  }
0x17b: {  	s0 =	rddreg [dreg:$0x4]  }
0x17c: {  	s0 =	sadd.s32 @!p0 $0x100000, s0  }
0x17d: {  	[sflag:s0] =	ssyncadd.tile.s32 @!p0 $0x1;
	_ =	shalt  }
.Lfunc_end2:
_tile_overlayer_lowered:
.L_overlay_start_2:
0x17e: {  	(tag) =	ssettag $0x2  }
0x17f: {  	s0 =	rddreg [dreg:$0x0];
	s2 =	stileid.u32  }
0x180: {  	s1 =	rddreg [dreg:$0x1];
	p0 =	sne.s32 s2, $0x0  }
0x181: {  	s3 =	rddreg [dreg:$0x2];
	[bflag:$0x3] =	sbarrier.arrive $0xFFFF;
	s2 =	simm.s32 @!p0 $0x1C09  }
0x182: {  	[timem:s3], [sflag:s2] =	dma.local @!p0 [hbm:s0], s1  }
0x183: {  	s0 =	simm.s32 @!p0 $0x9  }
0x184: {  	_ =	swait.ge @!p0 [sflag:s0], s1  }
0x185: {  	s1 =	ssub.s32 @!p0 $0x0, s1;
	[sflag:s0] =	ssyncset.done @!p0 $0x0  }
0x186: {  	[sflag:s0] =	ssyncadd.s32 @!p0 s1  }
0x187: {  	[bflag:$0x3] =	sbarrier.arrive $0xFFFF  }
0x188: {  	_ =	shalt  }

// kernel: kernel.7.cloned.1.call-start
scs
__scs_entry_jumppad:
0x0: {  	(pc) =	sbr.rel $0x88, $3  }
0x1: {  	(tag) =	ssettag $0x0;
	lr =	simm.s32 $0x1  }
0x2: {  	[smem:$0x3F9A] =	sst lr;
	_ =	strace $0xD0000000  }
0x3: {  	_ = 	snop  }
0x4: {  	_ = 	snop  }
0x5: {  	_ = 	snop  }
0x6: {  	_ = 	snop  }
0x7: {  	_ = 	snop  }
__scs_overlays_trampoline_lowered:
0x8: {  	[smem:$0x3FA9] =	sst s0  }
0x9: {  	[smem:$0x3FAA] =	sst s1  }
0xa: {  	[smem:$0x3FAB] =	sst s2  }
0xb: {  	[smem:$0x3FAC] =	sst s3  }
0xc: {  	[smem:$0x3FAD] =	sst s4  }
0xd: {  	[smem:$0x3FAE] =	sst s5  }
0xe: {  	[smem:$0x3FAF] =	sst s6  }
0xf: {  	[smem:$0x3FB0] =	sst s7  }
0x10: {  	[smem:$0x3FB1] =	sst s8  }
0x11: {  	[smem:$0x3FB2] =	sst s9;
	s0 =	simm.s32 @!p0 $0x0  }
0x12: {  	s1 =	sld [smem:$0x3F98];
	s0 =	simm.s32 @p0 $0x1  }
0x13: {  	[smem:$0x3FB3] =	sst s0;
	s0 =	simm.s32 @!p1 $0x0  }
0x14: {  	s2 =	sld [smem:$0x3F97];
	s0 =	simm.s32 @p1 $0x1  }
0x15: {  	[smem:$0x3FB4] =	sst s0;
	s0 =	simm.s32 @!p2 $0x0  }
0x16: {  	s3 =	sld [smem:$0x3FDB];
	s0 =	simm.s32 @p2 $0x1  }
0x17: {  	s4 =	simm.s32 $0x1BF5;
	[smem:$0x3FB6] =	sst s0  }
0x18: {  	s0 =	sld [smem:$0x3F99];
	_ =	swait.ge [sflag:s4], $0x0  }
0x19: {  	s7 =	sld [smem:$0x3F9A]  }
0x1a: {  	s8 =	sadd.s32 $0xFFFFE003, lr  }
0x1b: {  	s9 =	sadd.s32 $0xFFFFFEF7, lr;
	s5 =	simm.s32 $0xFFFFFFFF;
	p2 =	slt.u32 s8, $0xFFFFF086  }
0x1c: {  	p1 =	slt.u32 s9, $0xF7A;
	s5 =	simm.s32 @!p2 $0x0  }
0x1d: {  	s5 =	simm.s32 @p1 $0x1;
	p0 =	seq.s32 s7, s2  }
0x1e: {  	s7 =	smul.u32 @!p0 $0xF7A, s2;
	p2 =	seq.s32 @!p0 s5, $0x0  }
0x1f: {  	s9 =	smul.u32 $0xF7A, s1;
	s8 =	simm.s32 @!p0 $0x1BF5;
	p2 =	por !p2, p0  }
0x20: {  	[sflag:s8] =	ssyncset.s32 @!p0 $0xFFFFF086;
	s6 =	sadd.s32 @!p0 s3, s7;
	s7 =	simm.s32 @!p0 $0x108  }
0x21: {  	s3 =	sadd.s32 s3, s9;
	s6 =	sadd.s32 @!p0 $0x88, s6;
	s7 =	simm.s32 @p2 $0x1082  }
0x22: {  	[simem:s7], [sflag:s8] =	dma.local @!p0 [hbm:s6], $0xF7A  }
0x23: {  	s9 =	sor.u32 $0xD0000000, s2;
	s6 =	simm.s32 $0x108;
	_ =	swait.ge @!p0 [sflag:s8], $0x0  }
0x24: {  	s3 =	sadd.s32 $0x88, s3;
	s6 =	simm.s32 @!p1 $0x1082;
	[sflag:s4] =	ssyncset.s32 $0xFFFFF086  }
0x25: {  	[simem:s6], [sflag:s4] =	dma.local [hbm:s3], $0xF7A  }
0x26: {  	[smem:$0x3F9A] =	sst s1;
	(tag) =	ssettag s2;
	_ =	strace s9  }
0x27: {  	s1 =	sld [smem:$0x3FAA]  }
0x28: {  	s2 =	sld [smem:$0x3FAB]  }
0x29: {  	s4 =	sld [smem:$0x3FAD]  }
0x2a: {  	p0 =	seq.s32 s5, $0x0;
	s5 =	sld [smem:$0x3FAE]  }
0x2b: {  	s6 =	sld [smem:$0x3FAF]  }
0x2c: {  	s7 =	sld [smem:$0x3FB0]  }
0x2d: {  	s3 =	simm.s32 $0x108;
	s8 =	sld [smem:$0x3FB1]  }
0x2e: {  	s3 =	simm.s32 @!p0 $0x1082;
	s9 =	sld [smem:$0x3FB2]  }
0x2f: {  	lr =	sadd.s32 s0, s3;
	s0 =	sld [smem:$0x3FA9]  }
0x30: {  	s3 =	sld [smem:$0x3FAC]  }
0x31: {  	[smem:$0x3FB5] =	sst s10  }
0x32: {  	s10 =	sld [smem:$0x3FB3];
	_ =	sdelay $0x3  }
0x33: {  	p0 =	seq.s32 s10, $0x1;
	s10 =	sld [smem:$0x3FB5];
	_ =	sdelay $0x3  }
0x34: {  	[smem:$0x3FB5] =	sst s10  }
0x35: {  	s10 =	sld [smem:$0x3FB4];
	_ =	sdelay $0x3  }
0x36: {  	p1 =	seq.s32 s10, $0x1;
	s10 =	sld [smem:$0x3FB5];
	_ =	sdelay $0x3  }
0x37: {  	[smem:$0x3FB5] =	sst s10  }
0x38: {  	s10 =	sld [smem:$0x3FB6]  }
0x39: {  	_ = 	snop;
	(pc) =	sbr.ind lr, $3  }
0x3a: {  	_ = 	snop  }
0x3b: {  	_ = 	snop  }
0x3c: {  	p2 =	seq.s32 s10, $0x1;
	s10 =	sld [smem:$0x3FB5]  }
0x3d: {  	_ =	shalt  }
0x3e: {  	_ =	shalt  }
0x3f: {  	_ =	shalt  }
0x40: {  	_ =	shalt  }
0x41: {  	_ =	shalt  }
0x42: {  	_ =	shalt  }
0x43: {  	_ =	shalt  }
0x44: {  	_ =	shalt  }
0x45: {  	_ =	shalt  }
0x46: {  	_ =	shalt  }
0x47: {  	_ =	shalt  }
0x48: {  	_ =	shalt  }
0x49: {  	_ =	shalt  }
0x4a: {  	_ =	shalt  }
0x4b: {  	_ =	shalt  }
0x4c: {  	_ =	shalt  }
0x4d: {  	_ =	shalt  }
0x4e: {  	_ =	shalt  }
0x4f: {  	_ =	shalt  }
0x50: {  	_ =	shalt  }
0x51: {  	_ =	shalt  }
0x52: {  	_ =	shalt  }
0x53: {  	_ =	shalt  }
0x54: {  	_ =	shalt  }
0x55: {  	_ =	shalt  }
0x56: {  	_ =	shalt  }
0x57: {  	_ =	shalt  }
0x58: {  	_ =	shalt  }
0x59: {  	_ =	shalt  }
0x5a: {  	_ =	shalt  }
0x5b: {  	_ =	shalt  }
0x5c: {  	_ =	shalt  }
0x5d: {  	_ =	shalt  }
0x5e: {  	_ =	shalt  }
0x5f: {  	_ =	shalt  }
0x60: {  	_ =	shalt  }
0x61: {  	_ =	shalt  }
0x62: {  	_ =	shalt  }
0x63: {  	_ =	shalt  }
0x64: {  	_ =	shalt  }
0x65: {  	_ =	shalt  }
0x66: {  	_ =	shalt  }
0x67: {  	_ =	shalt  }
0x68: {  	_ =	shalt  }
0x69: {  	_ =	shalt  }
0x6a: {  	_ =	shalt  }
0x6b: {  	_ =	shalt  }
0x6c: {  	_ =	shalt  }
0x6d: {  	_ =	shalt  }
0x6e: {  	_ =	shalt  }
0x6f: {  	_ =	shalt  }
0x70: {  	_ =	shalt  }
0x71: {  	_ =	shalt  }
0x72: {  	_ =	shalt  }
0x73: {  	_ =	shalt  }
0x74: {  	_ =	shalt  }
0x75: {  	_ =	shalt  }
0x76: {  	_ =	shalt  }
0x77: {  	_ =	shalt  }
0x78: {  	_ =	shalt  }
0x79: {  	_ =	shalt  }
0x7a: {  	_ =	shalt  }
0x7b: {  	_ =	shalt  }
0x7c: {  	_ =	shalt  }
0x7d: {  	_ =	shalt  }
0x7e: {  	_ =	shalt  }
0x7f: {  	_ =	shalt  }
0x80: {  	_ =	shalt  }
0x81: {  	_ =	shalt  }
0x82: {  	_ =	shalt  }
0x83: {  	_ =	shalt  }
0x84: {  	_ =	shalt  }
0x85: {  	_ =	shalt  }
0x86: {  	_ =	shalt  }
0x87: {  	_ =	shalt  }
.Lfunc_end0:
.L_simem_size_0:
called_computation_lowered:
.L_overlay_start_0:
0x88: {  	s2 =	sld [smem:$0x3FD9]  }
0x89: {  	s3 =	sld [smem:$0x3FFE];
	_ =	sdelay $0x1  }
0x8a: {  	s1 =	srdreg.scid  }
0x8b: {  	s0 =	sand.u32 $0x1, s1  }
0x8c: {  	s16 =	sshll.u32 s0, $0xA;
	s2 =	sadd.s32 s3, s2  }
0x8d: {  	s2 =	sadd.s32 s2, s16  }
0x8e: {  	[smem:$0x3FC1] =	sst s2  }
0x8f: {  	_ = 	snop  }
0x90: {  	(tm) =	ssettm $0x1  }
0x91: {  	s17 =	sld [smem:$0x3FFB];
	_ =	sdelay $0x3  }
0x92: {  	_ =	strace s17  }
0x93: {  	s2 =	sld [smem:$0x3FFC];
	_ =	sdelay $0x3  }
0x94: {  	_ =	strace s2  }
0x95: {  	s2 =	sld [smem:$0x3FFD];
	_ =	sdelay $0x3  }
0x96: {  	_ =	strace s2  }
0x97: {  	_ =	strace $0x8FFFFFFF  }
0x98: {  	s18 =	sld [smem:$0x3FDB];
	_ =	sdelay $0x1  }
0x99: {  	s19 =	simm.s32 $_scs_section_size  }
0x9a: {  	s4 =	simm.s32 $_size__tile_overlayer_lowered;
	s5 =	simm.s32 $_tile_overlayer_lowered  }
0x9b: {  	s22 =	simm.s32 $0x1BFF;
	s21 =	sshll.u32 s5, $0x1;
	s2 =	sadd.s32 s19, s18  }
0x9c: {  	s6 =	simm.s32 $0x0;
	s20 =	sshll.u32 s4, $0x1;
	s4 =	sadd.s32 s21, s2  }
0x9d: {  	[timem:s6], [sflag:s22] =	dma.local [hbm:s4], s20  }
0x9e: {  	_ =	swait.ge [sflag:s22], s20  }
0x9f: {  	s3 =	ssub.s32 $0x0, s20;
	[sflag:s22] =	ssyncset.done $0x0  }
0xa0: {  	[sflag:s22] =	ssyncadd.s32 s3;
	_ =	sdelay $0x1  }
0xa1: {  	s23 =	simm.s32 $0x1B8B  }
0xa2: {  	_ =	swait.ge [sflag:s23], $0x1  }
0xa3: {  	[sflag:s23] =	ssyncset.done $0x0  }
0xa4: {  	s25 =	simm.s32 $0x1B8E;
	s24 =	sld [smem:$0x3FFE];
	[sflag:s23] =	ssyncadd.s32 $0xFFFFFFFF  }
0xa5: {  	s26 =	simm.s32 $execute0_lowered;
	[smem:$0x3FD2] =	sst s25  }
0xa6: {  	s4 =	sshll.u32 s26, $0x1;
	_ =	strace $0x80000046;
	[dreg:$0x1] =	wrdreg $0xFFFFFFFF  }
0xa7: {  	s28 =	simm.s32 $_size_execute0_lowered;
	s2 =	sadd.s32 s2, s4;
	[dreg:$0x0] =	wrdreg $0x0  }
0xa8: {  	s4 =	sshll.u32 s28, $0x1;
	[dreg:$0x2] =	wrdreg s2  }
0xa9: {  	[dreg:$0x3] =	wrdreg s4  }
0xaa: {  	[dreg:$0x4] =	wrdreg $0xC0  }
0xab: {  	_ =	task [dreg:s6], $0x5FFFF  }
0xac: {  	[dreg:$0x1] =	wrdreg $0xFFFFFFFF  }
0xad: {  	[dreg:$0x0] =	wrdreg $0x60  }
0xae: {  	[dreg:$0x2] =	wrdreg s24  }
0xaf: {  	[dreg:$0x3] =	wrdreg $0x62200  }
0xb0: {  	[dreg:$0x4] =	wrdreg $0x9  }
0xb1: {  	_ =	task.clear_ibuf [dreg:s6], $0x5FFFF;
	_ =	strace $0x90000046  }
0xb2: {  	s29 =	simm.s32 $0x9;
	_ =	strace $0x80000048  }
0xb3: {  	_ =	swait.ge [sflag:s29], $0x1  }
0xb4: {  	[sflag:s29] =	ssyncadd.s32 $0xFFFFFFFF  }
0xb5: {  	_ =	strace $0x90000048  }
0xb6: {  	_ =	sfence  }
0xb7: {  	s30 =	sld [smem:$0x0];
	_ =	sdelay $0x2  }
0xb8: {  	s31 =	sshll.u32 s1, $0xD;
	s1 =	sshrl.u32 s1, $0x2  }
0xb9: {  	s3 =	sand.u32 $0x4000, s31;
	s1 =	sadd.s32 s1, s30  }
0xba: {  	s0 =	sor.u32 s3, s0;
	s1 =	sshll.u32 s1, $0x11  }
0xbb: {  	s0 =	sor.u32 s1, s0  }
0xbc: {  	s0 =	sadd.s32 $0x8F2B, s0  }
0xbd: {  	[sflag:s0] =	ssyncadd.remote.s32 $0x1  }
0xbe: {  	_ =	sfence.sel $0xFFFF  }
0xbf: {  	[dreg:$0x0] =	wrdreg $0xFFFFFFFF;
	(pc) =	sbr.abs _section_cstart, $3  }
0xc0: {  	[dreg:$0x1] =	wrdreg $0xFFFFFFFF  }
0xc1: {  	_ =	task.clear_ibuf [dreg:s6], $0x2FFFF;
	_ =	strace $0x9FFFFFFF  }
0xc2: {  	(tm) =	ssettm $0x7FFFFFFF  }
0xc3: {  	_ =	shalt  }
tec
execute0_lowered:
.L_overlay_start_1:
0x0: {  	(tag) =	ssettag $0x1  }
0x1: {  	s0 =	srdreg.scid;
	s1 =	rddreg [dreg:$0x0]  }
0x2: {  	s11 =	stileid.u32;
	s2 =	rddreg [dreg:$0x1];
	s12 =	simm.s32 $0x2710  }
0x3: {  	s14 =	simm.s32 $0x1;
	s15 =	simm.s32 $0x2;
	s16 =	simm.s32 $0x3  }
0x4: {  	s17 =	simm.s32 $0x50;
	s18 =	simm.s32 $0x4E20;
	s19 =	simm.s32 $0x5320  }
0x5: {  	s21 =	simm.s32 $0x5820;
	s28 =	simm.s32 $0x6;
	s29 =	simm.s32 $0x7  }
0x6: {  	s30 =	simm.s32 $0x8;
	s23 =	simm.s32 $0x4DD0;
	s7 =	smul.u32 $0x2800, s11  }
0x7: {  	s31 =	simm.s32 $0x9;
	s0 =	sand.u32 $0x1, s0;
	s6 =	smul.u32 $0x500, s11  }
0x8: {  	s3 =	sshll.u32 s0, $0x4;
	s8 =	smul.u32 $0x5000, s0;
	s0 =	ssub.s32 $0x2, s0  }
0x9: {  	s4 =	sor.u32 s11, s3;
	s3 =	simm.s32 $0x0;
	s24 =	sshrl.u32 s7, $0x3  }
0xa: {  	s26 =	sshrl.u32 s0, $0x1;
	s13 =	sadd.s32 s7, s2;
	s7 =	sshll.u32 s11, $0x6  }
0xb: {  	s5 =	smul.u32 $0x2710, s4;
	[smem:$0x7FF] =	sst s3;
	s4 =	sadd.s32 $0x1800, s1  }
0xc: {  	s10 =	sadd.s32 s24, s1;
	s25 =	sadd.s32 s6, s8;
	s0 =	ssub.s32 s0, s26  }
0xd: {  	s13 =	sshrl.u32 s13, $0x3;
	s24 =	simm.s32 $0x5D20;
	s26 =	simm.s32 $0x4  }
0xe: {  	_ =	strace $0x80000047;
	s8 =	sadd.s32 $0x1A200, s10;
	s5 =	sshrl.u32 s5, $0x3  }
0xf: {  	s11 =	smax.u32 s0, $0x1;
	s9 =	sadd.s32 s5, s1;
	s1 =	sadd.s32 s25, s1  }
0x10: {  	s25 =	simm.s32 $0x5;
	s5 =	sadd.s32 $0x6800, s9;
	s6 =	sadd.s32 $0x10440, s9  }
0x11: {  	s9 =	sor.u32 $0x1C03, s7;
	s10 =	sadd.s32 $0x1F200, s1;
	s1 =	simm.s32 $0x0  }
.LBB2_1:
0x12: {  	[tilespmem:s3], [sflag:$0x1] =	stream.linear.gather [hbm4b:s5+s3], $0x2710, $0x38;
	[tilespmem:$0x8A20] =	vst v63  }
0x13: {  	_ = 	snop  }
0x14: {  	[tilespmem:s12], [sflag:$0x2] =	stream.linear.gather [hbm4b:s6+s3], $0x2710, $0x38;
	[tilespmem:$0x8A20] =	vst v63  }
0x15: {  	[spmem:s13], [sflag:s9] =	dma.local [hbm:s8], $0x500  }
0x16: {  	_ =	swait.ge [sflag:s14], $0x2710  }
0x17: {  	[sflag:s14] =	ssyncset.done $0x0  }
0x18: {  	[sflag:s14] =	ssyncadd.s32 $0xFFFFD8F0  }
0x19: {  	_ =	swait.ge [sflag:s15], $0x2710  }
0x1a: {  	[sflag:s15] =	ssyncset.done $0x0  }
0x1b: {  	[sflag:s15] =	ssyncadd.s32 $0xFFFFD8F0  }
0x1c: {  	_ =	swait.ge [sflag:s16], $0x500  }
0x1d: {  	[sflag:s16] =	ssyncset.done $0x0  }
0x1e: {  	[sflag:s16] =	ssyncadd.s32 $0xFFFFFB00  }
0x1f: {  	[bflag:$0x0] =	sbarrier.arrive $0xFFFF  }
0x20: {  	[tilespmem:s18], [sflag:$0x1] =	stream.indirect.gather [hbm4b:s4+s17], $0x10, s3, s17, $0xb8;
	[tilespmem:$0x8A20] =	vst v63  }
0x21: {  	_ = 	snop  }
0x22: {  	[tilespmem:s19], [sflag:$0x2] =	stream.indirect.gather [hbm4b:s4+s17], $0x10, s17, s17, $0xb8;
	[tilespmem:$0x8A20] =	vst v63  }
0x23: {  	_ =	swait.ge [sflag:s14], $0x500  }
0x24: {  	[sflag:s14] =	ssyncset.done $0x0  }
0x25: {  	[sflag:s14] =	ssyncadd.s32 $0xFFFFFB00  }
0x26: {  	[spmem:s2] =	stream.indirect.scatter.add.f32 [tilespmem:s18], [sflag:$0x5], $0x10, s12, s17, $0xb8;
	[tilespmem:$0x8A20] =	vst v63  }
0x27: {  	s0 =	simm.s32 $0xA0  }
0x28: {  	[tilespmem:s21], [sflag:$0x3] =	stream.indirect.gather [hbm4b:s4+s17], $0x10, s0, s17, $0xb8;
	[tilespmem:$0x8A20] =	vst v63  }
0x29: {  	_ =	swait.ge [sflag:s15], $0x500  }
0x2a: {  	[sflag:s15] =	ssyncset.done $0x0  }
0x2b: {  	s22 =	simm.s32 $0x2760;
	[sflag:s15] =	ssyncadd.s32 $0xFFFFFB00  }
0x2c: {  	[spmem:s2] =	stream.indirect.scatter.add.f32 [tilespmem:s19], [sflag:$0x6], $0x10, s22, s17, $0xb8;
	[tilespmem:$0x8A20] =	vst v63  }
0x2d: {  	s20 =	simm.s32 $0xF0  }
0x2e: {  	[tilespmem:s24], [sflag:$0x4] =	stream.indirect.gather [hbm4b:s4+s17], $0x10, s20, s17, $0xb8;
	[tilespmem:$0x8A20] =	vst v63  }
0x2f: {  	_ =	swait.ge [sflag:s16], $0x500  }
0x30: {  	[sflag:s16] =	ssyncset.done $0x0  }
0x31: {  	s22 =	simm.s32 $0x27B0;
	[sflag:s16] =	ssyncadd.s32 $0xFFFFFB00  }
0x32: {  	[spmem:s2] =	stream.indirect.scatter.add.f32 [tilespmem:s21], [sflag:$0x7], $0x10, s22, s17, $0xb8;
	[tilespmem:$0x8A20] =	vst v63  }
0x33: {  	_ =	swait.ge [sflag:s25], $0x500  }
0x34: {  	[sflag:s25] =	ssyncset.done $0x0  }
0x35: {  	s20 =	simm.s32 $0x140;
	[sflag:s25] =	ssyncadd.s32 $0xFFFFFB00  }
0x36: {  	[tilespmem:s18], [sflag:$0x1] =	stream.indirect.gather [hbm4b:s4+s17], $0x10, s20, s17, $0xb8;
	[tilespmem:$0x8A20] =	vst v63  }
0x37: {  	_ =	swait.ge [sflag:s26], $0x500  }
0x38: {  	[sflag:s26] =	ssyncset.done $0x0  }
0x39: {  	s22 =	simm.s32 $0x2800;
	[sflag:s26] =	ssyncadd.s32 $0xFFFFFB00  }
0x3a: {  	[spmem:s2] =	stream.indirect.scatter.add.f32 [tilespmem:s24], [sflag:$0x8], $0x10, s22, s17, $0xb8;
	[tilespmem:$0x8A20] =	vst v63  }
0x3b: {  	_ =	swait.ge [sflag:s28], $0x500  }
0x3c: {  	[sflag:s28] =	ssyncset.done $0x0  }
0x3d: {  	s20 =	simm.s32 $0x190;
	[sflag:s28] =	ssyncadd.s32 $0xFFFFFB00  }
0x3e: {  	[tilespmem:s19], [sflag:$0x2] =	stream.indirect.gather [hbm4b:s4+s17], $0x10, s20, s17, $0xb8;
	[tilespmem:$0x8A20] =	vst v63  }
0x3f: {  	_ =	swait.ge [sflag:s14], $0x500  }
0x40: {  	[sflag:s14] =	ssyncset.done $0x0  }
0x41: {  	s22 =	simm.s32 $0x2850;
	[sflag:s14] =	ssyncadd.s32 $0xFFFFFB00  }
0x42: {  	[spmem:s2] =	stream.indirect.scatter.add.f32 [tilespmem:s18], [sflag:$0x5], $0x10, s22, s17, $0xb8;
	[tilespmem:$0x8A20] =	vst v63  }
0x43: {  	_ =	swait.ge [sflag:s29], $0x500  }
0x44: {  	[sflag:s29] =	ssyncset.done $0x0  }
0x45: {  	s20 =	simm.s32 $0x1E0;
	[sflag:s29] =	ssyncadd.s32 $0xFFFFFB00  }
0x46: {  	[tilespmem:s21], [sflag:$0x3] =	stream.indirect.gather [hbm4b:s4+s17], $0x10, s20, s17, $0xb8;
	[tilespmem:$0x8A20] =	vst v63  }
0x47: {  	_ =	swait.ge [sflag:s15], $0x500  }
0x48: {  	[sflag:s15] =	ssyncset.done $0x0  }
0x49: {  	s22 =	simm.s32 $0x28A0;
	[sflag:s15] =	ssyncadd.s32 $0xFFFFFB00  }
0x4a: {  	[spmem:s2] =	stream.indirect.scatter.add.f32 [tilespmem:s19], [sflag:$0x6], $0x10, s22, s17, $0xb8;
	[tilespmem:$0x8A20] =	vst v63  }
0x4b: {  	_ =	swait.ge [sflag:s30], $0x500  }
0x4c: {  	[sflag:s30] =	ssyncset.done $0x0  }
0x4d: {  	s0 =	simm.s32 $0x500;
	s20 =	simm.s32 $0x230;
	[sflag:s30] =	ssyncadd.s32 $0xFFFFFB00  }
.LBB2_2:
0x4e: {  	[tilespmem:s24], [sflag:$0x4] =	stream.indirect.gather [hbm4b:s4+s17], $0x10, s20, s17, $0xb8;
	[tilespmem:$0x8A20] =	vst v63  }
0x4f: {  	s20 =	smov.u32 s0  }
0x50: {  	p0 =	sne.s32 s0, $0x8C00;
	s0 =	sadd.s32 $0x500, s0;
	_ =	swait.ge [sflag:s16], $0x500  }
0x51: {  	s20 =	sshra.s32 s20, $0x2;
	[sflag:s16] =	ssyncset.done $0x0  }
0x52: {  	s22 =	sadd.s32 $0x27B0, s20;
	[sflag:s16] =	ssyncadd.s32 $0xFFFFFB00  }
0x53: {  	[spmem:s2] =	stream.indirect.scatter.add.f32 [tilespmem:s21], [sflag:$0x7], $0x10, s22, s17, $0xb8;
	[tilespmem:$0x8A20] =	vst v63  }
0x54: {  	_ =	swait.ge [sflag:s25], $0x500  }
0x55: {  	[sflag:s25] =	ssyncset.done $0x0  }
0x56: {  	s22 =	sadd.s32 $0x140, s20;
	[sflag:s25] =	ssyncadd.s32 $0xFFFFFB00  }
0x57: {  	[tilespmem:s18], [sflag:$0x1] =	stream.indirect.gather [hbm4b:s4+s17], $0x10, s22, s17, $0xb8;
	[tilespmem:$0x8A20] =	vst v63  }
0x58: {  	_ =	swait.ge [sflag:s26], $0x500  }
0x59: {  	[sflag:s26] =	ssyncset.done $0x0  }
0x5a: {  	s22 =	sadd.s32 $0x2800, s20;
	[sflag:s26] =	ssyncadd.s32 $0xFFFFFB00  }
0x5b: {  	[spmem:s2] =	stream.indirect.scatter.add.f32 [tilespmem:s24], [sflag:$0x8], $0x10, s22, s17, $0xb8;
	[tilespmem:$0x8A20] =	vst v63  }
0x5c: {  	_ =	swait.ge [sflag:s28], $0x500  }
0x5d: {  	[sflag:s28] =	ssyncset.done $0x0  }
0x5e: {  	s22 =	sadd.s32 $0x190, s20;
	[sflag:s28] =	ssyncadd.s32 $0xFFFFFB00  }
0x5f: {  	[tilespmem:s19], [sflag:$0x2] =	stream.indirect.gather [hbm4b:s4+s17], $0x10, s22, s17, $0xb8;
	[tilespmem:$0x8A20] =	vst v63  }
0x60: {  	_ =	swait.ge [sflag:s14], $0x500  }
0x61: {  	[sflag:s14] =	ssyncset.done $0x0  }
0x62: {  	s22 =	sadd.s32 $0x2850, s20;
	[sflag:s14] =	ssyncadd.s32 $0xFFFFFB00  }
0x63: {  	[spmem:s2] =	stream.indirect.scatter.add.f32 [tilespmem:s18], [sflag:$0x5], $0x10, s22, s17, $0xb8;
	[tilespmem:$0x8A20] =	vst v63  }
0x64: {  	_ =	swait.ge [sflag:s29], $0x500  }
0x65: {  	[sflag:s29] =	ssyncset.done $0x0  }
0x66: {  	s22 =	sadd.s32 $0x1E0, s20;
	[sflag:s29] =	ssyncadd.s32 $0xFFFFFB00  }
0x67: {  	[tilespmem:s21], [sflag:$0x3] =	stream.indirect.gather [hbm4b:s4+s17], $0x10, s22, s17, $0xb8;
	[tilespmem:$0x8A20] =	vst v63  }
0x68: {  	_ =	swait.ge [sflag:s15], $0x500  }
0x69: {  	[sflag:s15] =	ssyncset.done $0x0  }
.Ltmp0:
0x6a: {  	s22 =	sadd.s32 $0x28A0, s20;
	[sflag:s15] =	ssyncadd.s32 $0xFFFFFB00;
	(pc) =	sbr.rel @p0 .LBB2_2-.Ltmp0, $4  }
0x6b: {  	[spmem:s2] =	stream.indirect.scatter.add.f32 [tilespmem:s19], [sflag:$0x6], $0x10, s22, s17, $0xb8;
	[tilespmem:$0x8A20] =	vst v63  }
0x6c: {  	_ =	swait.ge [sflag:s30], $0x500  }
0x6d: {  	[sflag:s30] =	ssyncset.done $0x0  }
0x6e: {  	s20 =	sadd.s32 $0x230, s20;
	[sflag:s30] =	ssyncadd.s32 $0xFFFFFB00  }
0x6f: {  	[tilespmem:s24], [sflag:$0x4] =	stream.indirect.gather [hbm4b:s4+s17], $0x10, s20, s17, $0xb8;
	[tilespmem:$0x8A20] =	vst v63  }
0x70: {  	_ =	swait.ge [sflag:s16], $0x500  }
0x71: {  	[sflag:s16] =	ssyncset.done $0x0  }
0x72: {  	s0 =	simm.s32 $0x4BF0;
	[sflag:s16] =	ssyncadd.s32 $0xFFFFFB00  }
0x73: {  	[spmem:s2] =	stream.indirect.scatter.add.f32 [tilespmem:s21], [sflag:$0x7], $0x10, s0, s17, $0xb8;
	[tilespmem:$0x8A20] =	vst v63  }
0x74: {  	_ =	swait.ge [sflag:s25], $0x500  }
0x75: {  	[sflag:s25] =	ssyncset.done $0x0  }
0x76: {  	s22 =	simm.s32 $0x2580;
	[sflag:s25] =	ssyncadd.s32 $0xFFFFFB00  }
0x77: {  	[tilespmem:s18], [sflag:$0x1] =	stream.indirect.gather [hbm4b:s4+s17], $0x10, s22, s17, $0xb8;
	[tilespmem:$0x8A20] =	vst v63  }
0x78: {  	_ =	swait.ge [sflag:s26], $0x500  }
0x79: {  	[sflag:s26] =	ssyncset.done $0x0  }
0x7a: {  	s20 =	simm.s32 $0x4C40;
	[sflag:s26] =	ssyncadd.s32 $0xFFFFFB00  }
0x7b: {  	[spmem:s2] =	stream.indirect.scatter.add.f32 [tilespmem:s24], [sflag:$0x8], $0x10, s20, s17, $0xb8;
	[tilespmem:$0x8A20] =	vst v63  }
0x7c: {  	_ =	swait.ge [sflag:s28], $0x500  }
0x7d: {  	[sflag:s28] =	ssyncset.done $0x0  }
0x7e: {  	s22 =	simm.s32 $0x25D0;
	[sflag:s28] =	ssyncadd.s32 $0xFFFFFB00  }
0x7f: {  	[tilespmem:s19], [sflag:$0x2] =	stream.indirect.gather [hbm4b:s4+s17], $0x10, s22, s17, $0xb8;
	[tilespmem:$0x8A20] =	vst v63  }
0x80: {  	_ =	swait.ge [sflag:s14], $0x500  }
0x81: {  	[sflag:s14] =	ssyncset.done $0x0  }
0x82: {  	s20 =	simm.s32 $0x4C90;
	[sflag:s14] =	ssyncadd.s32 $0xFFFFFB00  }
0x83: {  	[spmem:s2] =	stream.indirect.scatter.add.f32 [tilespmem:s18], [sflag:$0x5], $0x10, s20, s17, $0xb8;
	[tilespmem:$0x8A20] =	vst v63  }
0x84: {  	_ =	swait.ge [sflag:s29], $0x500  }
0x85: {  	[sflag:s29] =	ssyncset.done $0x0  }
0x86: {  	s22 =	simm.s32 $0x2620;
	[sflag:s29] =	ssyncadd.s32 $0xFFFFFB00  }
0x87: {  	[tilespmem:s21], [sflag:$0x3] =	stream.indirect.gather [hbm4b:s4+s17], $0x10, s22, s17, $0xb8;
	[tilespmem:$0x8A20] =	vst v63  }
0x88: {  	_ =	swait.ge [sflag:s15], $0x500  }
0x89: {  	[sflag:s15] =	ssyncset.done $0x0  }
0x8a: {  	s20 =	simm.s32 $0x4CE0;
	[sflag:s15] =	ssyncadd.s32 $0xFFFFFB00  }
0x8b: {  	[spmem:s2] =	stream.indirect.scatter.add.f32 [tilespmem:s19], [sflag:$0x6], $0x10, s20, s17, $0xb8;
	[tilespmem:$0x8A20] =	vst v63  }
0x8c: {  	_ =	swait.ge [sflag:s30], $0x500  }
0x8d: {  	[sflag:s30] =	ssyncset.done $0x0  }
0x8e: {  	s22 =	simm.s32 $0x2670;
	[sflag:s30] =	ssyncadd.s32 $0xFFFFFB00  }
0x8f: {  	[tilespmem:s24], [sflag:$0x4] =	stream.indirect.gather [hbm4b:s4+s17], $0x10, s22, s17, $0xb8;
	[tilespmem:$0x8A20] =	vst v63  }
0x90: {  	_ =	swait.ge [sflag:s16], $0x500  }
0x91: {  	[sflag:s16] =	ssyncset.done $0x0  }
0x92: {  	s20 =	simm.s32 $0x4D30;
	[sflag:s16] =	ssyncadd.s32 $0xFFFFFB00  }
0x93: {  	[spmem:s2] =	stream.indirect.scatter.add.f32 [tilespmem:s21], [sflag:$0x7], $0x10, s20, s17, $0xb8;
	[tilespmem:$0x8A20] =	vst v63  }
0x94: {  	_ =	swait.ge [sflag:s25], $0x500  }
0x95: {  	[sflag:s25] =	ssyncset.done $0x0  }
0x96: {  	s22 =	simm.s32 $0x26C0;
	[sflag:s25] =	ssyncadd.s32 $0xFFFFFB00  }
0x97: {  	[tilespmem:s18], [sflag:$0x1] =	stream.indirect.gather [hbm4b:s4+s17], $0x10, s22, s17, $0xb8;
	[tilespmem:$0x8A20] =	vst v63  }
0x98: {  	_ =	swait.ge [sflag:s26], $0x500  }
0x99: {  	[sflag:s26] =	ssyncset.done $0x0  }
0x9a: {  	s20 =	simm.s32 $0x4D80;
	[sflag:s26] =	ssyncadd.s32 $0xFFFFFB00  }
0x9b: {  	[spmem:s2] =	stream.indirect.scatter.add.f32 [tilespmem:s24], [sflag:$0x8], $0x10, s20, s17, $0xb8;
	[tilespmem:$0x8A20] =	vst v63  }
0x9c: {  	_ =	swait.ge [sflag:s14], $0x500  }
0x9d: {  	[sflag:s14] =	ssyncset.done $0x0  }
0x9e: {  	[sflag:s14] =	ssyncadd.s32 $0xFFFFFB00  }
0x9f: {  	[spmem:s2] =	stream.indirect.scatter.add.f32 [tilespmem:s18], [sflag:$0x5], $0x10, s23, s17, $0xb8;
	[tilespmem:$0x8A20] =	vst v63  }
0xa0: {  	_ =	swait.ge [sflag:s25], $0x500  }
0xa1: {  	[sflag:s25] =	ssyncset.done $0x0  }
0xa2: {  	[sflag:s25] =	ssyncadd.s32 $0xFFFFFB00  }
0xa3: {  	_ =	swait.ge [sflag:s28], $0x500  }
0xa4: {  	[sflag:s28] =	ssyncset.done $0x0  }
0xa5: {  	[sflag:s28] =	ssyncadd.s32 $0xFFFFFB00  }
0xa6: {  	_ =	swait.ge [sflag:s29], $0x500  }
0xa7: {  	[sflag:s29] =	ssyncset.done $0x0  }
0xa8: {  	[sflag:s29] =	ssyncadd.s32 $0xFFFFFB00  }
0xa9: {  	_ =	swait.ge [sflag:s30], $0x500  }
0xaa: {  	s1 =	sadd.s32 $0x1, s1;
	[sflag:s30] =	ssyncset.done $0x0  }
0xab: {  	p0 =	sne.s32 s1, s11;
	[sflag:s30] =	ssyncadd.s32 $0xFFFFFB00  }
.Ltmp1:
0xac: {  	s22 =	sor.u32 $0x1C09, s7;
	[bflag:$0x0] =	sbarrier.arrive $0xFFFF;
	(pc) =	sbr.rel @p0 .LBB2_1-.Ltmp1, $4  }
0xad: {  	[hbm:s10], [sflag:s22] =	dma.local [spmem:s13], $0x500  }
0xae: {  	_ =	swait.ge [sflag:s31], $0x500  }
0xaf: {  	[sflag:s31] =	ssyncset.done $0x0  }
0xb0: {  	[sflag:s31] =	ssyncadd.s32 $0xFFFFFB00  }
0xb1: {  	_ =	sfence.sel $0x180000  }
0xb2: {  	[bflag:$0x0] =	sbarrier.arrive $0xFFFF  }
0xb3: {  	_ =	strace $0x90000047  }
0xb4: {  	s0 =	stileid.u32;
	[bflag:$0x2] =	sbarrier.arrive $0xFFFF  }
0xb5: {  	p0 =	sne.s32 s0, $0x0;
	s0 =	rddreg [dreg:$0x2]  }
0xb6: {  	s0 =	sadd.s32 @!p0 $0x100000, s0  }
0xb7: {  	[sflag:s0] =	ssyncadd.tile.s32 @!p0 $0x1;
	_ =	shalt  }
.Lfunc_end2:
_tile_overlayer_lowered:
.L_overlay_start_2:
0xb8: {  	(tag) =	ssettag $0x2  }
0xb9: {  	s0 =	rddreg [dreg:$0x0];
	s2 =	stileid.u32  }
0xba: {  	s1 =	rddreg [dreg:$0x1];
	p0 =	sne.s32 s2, $0x0  }
0xbb: {  	s3 =	rddreg [dreg:$0x2];
	[bflag:$0x3] =	sbarrier.arrive $0xFFFF;
	s2 =	simm.s32 @!p0 $0x1C09  }
0xbc: {  	[timem:s3], [sflag:s2] =	dma.local @!p0 [hbm:s0], s1  }
0xbd: {  	s0 =	simm.s32 @!p0 $0x9  }
0xbe: {  	_ =	swait.ge @!p0 [sflag:s0], s1  }
0xbf: {  	s1 =	ssub.s32 @!p0 $0x0, s1;
	[sflag:s0] =	ssyncset.done @!p0 $0x0  }
0xc0: {  	[sflag:s0] =	ssyncadd.s32 @!p0 s1  }
0xc1: {  	[bflag:$0x3] =	sbarrier.arrive $0xFFFF  }
0xc2: {  	_ =	shalt  }

</sc_bundles>
